<compile_context>
chip_gen: v7x
topology: tpu7x:2x2x1
jax: 0.10.2.dev20260603
libtpu: 0.0.44.dev20260713+nightly
codegen_flags: <defaults>
</compile_context>

<pallas_src>
import functools

import jax
import jax.numpy as jnp
from jax import lax
from jax.experimental import pallas as pl
from jax.experimental.pallas import tpu as pltpu
from jax.experimental.pallas import tpu_sc as plsc

_BINS = (0, 1, 2, 3, 4, 5, 7, 8, 15, 16, 31, 32, 63, 64)


def kernel(spans, span_indices, label_lst, target_indices, opinion_indices, distance_embeddings):
    B, N, H = spans.shape
    T = target_indices.shape[1]
    O = opinion_indices.shape[1]
    P = T * O
    D = distance_embeddings.shape[1]
    W = 2 * H + D
    NB = 16

    spans2d = spans.reshape(B * N, H)
    t_flat = target_indices.reshape(-1)
    o_flat = opinion_indices.reshape(-1)
    span_start = span_indices[:, 0]
    span_end = span_indices[:, 1]
    demb16 = jnp.zeros((NB, D), jnp.float32).at[:14].set(distance_embeddings)

    mesh = plsc.VectorSubcoreMesh(core_axis_name="c", subcore_axis_name="s")
    TH = T // 2

    @functools.partial(
        pl.kernel,
        mesh=mesh,
        compiler_params=pltpu.CompilerParams(needs_layout_passes=False),
        out_type=(
            jax.ShapeDtypeStruct((B * (T + O), H), jnp.float32),
            jax.ShapeDtypeStruct((B, NB, P), jnp.float32),
        ),
        scratch_types=[
            pltpu.VMEM((TH,), jnp.int32),
            pltpu.VMEM((O,), jnp.int32),
            pltpu.VMEM((TH,), jnp.int32),
            pltpu.VMEM((TH,), jnp.int32),
            pltpu.VMEM((N,), jnp.int32),
            pltpu.VMEM((N,), jnp.int32),
            pltpu.VMEM((TH, H), jnp.float32),
            pltpu.VMEM((TH, H), jnp.float32),
            pltpu.VMEM((NB, TH * O), jnp.float32),
            pltpu.SemaphoreType.DMA,
        ],
    )
    def sc_kern(spans_hbm, sstart_hbm, send_hbm, tflat_hbm, oflat_hbm,
                compact_hbm, emoh_hbm,
                tind_v, oind_v, tidx_v, oidx_v, sstart_v, send_v,
                trows_v, orows_v, emoh_v,
                sem_in):
        b = lax.axis_index("s")
        h = lax.axis_index("c")
        t0 = h * TH
        base = b * N

        h_in = [
            pltpu.async_copy(tflat_hbm.at[pl.ds(b * T + t0, TH)], tind_v, sem_in),
            pltpu.async_copy(oflat_hbm.at[pl.ds(b * O, O)], oind_v, sem_in),
            pltpu.async_copy(sstart_hbm, sstart_v, sem_in),
            pltpu.async_copy(send_hbm, send_v, sem_in),
        ]
        for hd in h_in:
            hd.wait()

        iota = lax.iota(jnp.int32, 16)
        tidx_v[pl.ds(0, 16)] = tind_v[pl.ds(0, 16)] + base
        oidx_v[pl.ds(0, 16)] = oind_v[pl.ds(t0, 16)] + base
        g1 = pltpu.async_copy(spans_hbm.at[tidx_v], trows_v, sem_in)
        g2 = pltpu.async_copy(spans_hbm.at[oidx_v], orows_v, sem_in)

        o_raw = [oind_v[pl.ds(half * 16, 16)] for half in range(O // 16)]
        c_o = [plsc.load_gather(sstart_v, [o_raw[half]]) for half in range(O // 16)]
        d_o = [plsc.load_gather(send_v, [o_raw[half]]) for half in range(O // 16)]
        tvec = tind_v[pl.ds(0, 16)]

        @pl.loop(0, TH)
        def _per_target(t):
            tt_s = jnp.sum(tvec * (iota == t).astype(jnp.int32))
            tt_raw = jnp.zeros((16,), jnp.int32) + tt_s
            a_t = plsc.load_gather(sstart_v, [tt_raw])
            b_t = plsc.load_gather(send_v, [tt_raw])
            for half in range(O // 16):
                width = jnp.minimum(jnp.abs(b_t - c_o[half]), jnp.abs(a_t - d_o[half]))
                em = jnp.full((16,), -1, jnp.int32)
                for edge in _BINS:
                    em = em + (width >= edge).astype(jnp.int32)
                lp = t * O + half * 16
                for j in range(NB - 2):
                    emoh_v[j, pl.ds(lp, 16)] = (em == j).astype(jnp.float32)
                for j in (NB - 2, NB - 1):
                    emoh_v[j, pl.ds(lp, 16)] = jnp.zeros((16,), jnp.float32)
        pltpu.sync_copy(emoh_v, emoh_hbm.at[b, :, pl.ds(t0 * O, TH * O)])
        g1.wait()
        g2.wait()
        crow = b * (T + O)
        pltpu.sync_copy(trows_v, compact_hbm.at[pl.ds(crow + t0, TH)])
        pltpu.sync_copy(orows_v, compact_hbm.at[pl.ds(crow + T + t0, TH)])

    compact2d, emohT = sc_kern(spans2d, span_start, span_end, t_flat, o_flat)
    t3 = target_indices.reshape(B, 1, T)
    o3 = opinion_indices.reshape(B, 1, O)

    def tc_body(compact_ref, emoh_ref, demb_ref, t_ref, o_ref, out_ref, rel_ref):
        orows = compact_ref[T:T + O, :]
        for t in range(T):
            r0 = t * O
            tgt = compact_ref[pl.ds(t, 1), :]
            out_ref[0, r0:r0 + O, 0:H] = jnp.broadcast_to(tgt, (O, H))
            out_ref[0, r0:r0 + O, H:2 * H] = orows
        out_ref[0, :, 2 * H:W] = lax.dot_general(
            emoh_ref[0], demb_ref[...],
            dimension_numbers=(((0,), (0,)), ((), ())),
            preferred_element_type=jnp.float32)
        pid = lax.broadcasted_iota(jnp.int32, (1, P), 1)
        tblk = pid // O
        omod = pid % O
        trep = jnp.zeros((1, P), jnp.int32)
        otile = jnp.zeros((1, P), jnp.int32)
        for j in range(T):
            trep = jnp.where(tblk == j, t_ref[0, 0, j], trep)
            otile = jnp.where(omod == j, o_ref[0, 0, j], otile)
        rel_ref[0, 0:1, :] = trep
        rel_ref[0, 1:2, :] = otile

    out3d, rel3d = pl.pallas_call(
        tc_body,
        grid=(B,),
        in_specs=[
            pl.BlockSpec((T + O, H), lambda s: (s, 0)),
            pl.BlockSpec((1, NB, P), lambda s: (s, 0, 0)),
            pl.BlockSpec((NB, D), lambda s: (0, 0)),
            pl.BlockSpec((1, 1, T), lambda s: (s, 0, 0)),
            pl.BlockSpec((1, 1, O), lambda s: (s, 0, 0)),
        ],
        out_specs=(
            pl.BlockSpec((1, P, W), lambda s: (s, 0, 0)),
            pl.BlockSpec((1, 2, P), lambda s: (s, 0, 0)),
        ),
        out_shape=(
            jax.ShapeDtypeStruct((B, P, W), jnp.float32),
            jax.ShapeDtypeStruct((B, 2, P), jnp.int32),
        ),
        compiler_params=pltpu.CompilerParams(
            dimension_semantics=("arbitrary",),
        ),
    )(compact2d, emohT, demb16, t3, o3)

    return out3d, jnp.swapaxes(rel3d, 1, 2)

# --- scband reference (transcript-rebuilt; emitter-appended) ---
"""Pipeline reference for scband-pair-representation-84911503442049 (READ-ONLY COPY).

The authoritative reference and input builder live on the scoring server;
editing this copy changes nothing except your own understanding.
"""

import jax, jax.numpy as jnp
import numpy as np

BUCKET_BINS = jnp.array([0, 1, 2, 3, 4, 5, 7, 8, 15, 16, 31, 32, 63, 64], dtype=jnp.int32)


def setup_inputs(seed: int = 0) -> dict:
    key = jax.random.key(seed)
    ks = jax.random.split(key, 6)
    B, N, H, T, O = 16, 512, 768, 32, 32
    DIST_DIM, N_BINS = 128, 14
    spans = jax.random.normal(ks[0], (B, N, H), dtype=jnp.float32)
    # span (start, end) indices; sort so start <= end (matches realistic span data)
    span_indices = jnp.sort(jax.random.randint(ks[1], (N, 2), 0, 200, dtype=jnp.int32), axis=1)
    label_lst = jax.random.randint(ks[2], (N,), 0, 50, dtype=jnp.int32)
    target_indices = jax.random.randint(ks[3], (B, T), 0, N, dtype=jnp.int32)
    opinion_indices = jax.random.randint(ks[4], (B, O), 0, N, dtype=jnp.int32)
    # learned parameter: distance bucket embedding table (nn.Embedding(14, 128))
    distance_embeddings = jax.random.normal(ks[5], (N_BINS, DIST_DIM), dtype=jnp.float32) * 0.02
    return {
        'spans': spans,
        'span_indices': span_indices,
        'label_lst': label_lst,
        'target_indices': target_indices,
        'opinion_indices': opinion_indices,
        'distance_embeddings': distance_embeddings,
    }


def reference(spans, span_indices, label_lst, target_indices, opinion_indices, distance_embeddings):
    # use_dep=False path of PairRepresentation.forward
    B, N, H = spans.shape
    T = target_indices.shape[1]
    O = opinion_indices.shape[1]
    # itertools.product(targets, opinions): target repeated O times, opinion tiled T times
    t_idx = jnp.repeat(target_indices, O, axis=1)          # [B, T*O]
    o_idx = jnp.tile(opinion_indices, (1, T))              # [B, T*O]
    # gather span representations for each pair
    span_t = jnp.take_along_axis(spans, t_idx[:, :, None], axis=1)  # [B, P, H]
    span_o = jnp.take_along_axis(spans, o_idx[:, :, None], axis=1)  # [B, P, H]
    # span boundaries (a,b) for target span, (c,d) for opinion span
    a = jnp.take(span_indices[:, 0], t_idx)
    b = jnp.take(span_indices[:, 1], t_idx)
    c = jnp.take(span_indices[:, 0], o_idx)
    d = jnp.take(span_indices[:, 1], o_idx)
    # min_distance(a,b,c,d) = min(|b-c|, |a-d|)
    width = jnp.minimum(jnp.abs(b - c), jnp.abs(a - d))    # [B, P]
    # bucket_embedding: last bin index with width >= bucket_bins[ix]
    em = jnp.sum(width[:, :, None] >= BUCKET_BINS[None, None, :], axis=-1) - 1
    dist_emb = jnp.take(distance_embeddings, em, axis=0)   # [B, P, DIST_DIM]
    # relations = cat(span_t, span_o, dist_emb) ; stacked over pairs and batches
    triplet_span_r = jnp.concatenate([span_t, span_o, dist_emb], axis=-1)  # [B, P, 2H+D]
    relation_indices = jnp.stack([t_idx, o_idx], axis=-1)  # [B, P, 2]
    return (triplet_span_r, relation_indices)

if __name__ == "__main__":
    import jax
    _d = setup_inputs()
    print(jax.jit(kernel)(*tuple(_d.values())))

</pallas_src>

<mosaic_0001>
#map = affine_map<(d0, d1) -> (0, 0)>
#map1 = affine_map<(d0, d1) -> (0)>
#map2 = affine_map<(d0, d1) -> (0, 0, 0)>
module attributes {stable_mosaic.version = 14 : i64} {
  func.func @sc_kern(%arg0: i32, %arg1: i32, %arg2: memref<8192x768xf32, #tpu.memory_space<hbm>>, %arg3: memref<512xi32, #tpu.memory_space<hbm>>, %arg4: memref<512xi32, #tpu.memory_space<hbm>>, %arg5: memref<512xi32, #tpu.memory_space<hbm>>, %arg6: memref<512xi32, #tpu.memory_space<hbm>>, %arg7: memref<1024x768xf32, #tpu.memory_space<hbm>>, %arg8: memref<16x16x1024xf32, #tpu.memory_space<hbm>>, %arg9: memref<16xi32, #tpu.memory_space<vmem>>, %arg10: memref<32xi32, #tpu.memory_space<vmem>>, %arg11: memref<16xi32, #tpu.memory_space<vmem>>, %arg12: memref<16xi32, #tpu.memory_space<vmem>>, %arg13: memref<512xi32, #tpu.memory_space<vmem>>, %arg14: memref<512xi32, #tpu.memory_space<vmem>>, %arg15: memref<16x768xf32, #tpu.memory_space<vmem>>, %arg16: memref<16x768xf32, #tpu.memory_space<vmem>>, %arg17: memref<16x512xf32, #tpu.memory_space<vmem>>, %arg18: memref<!tpu.dma_semaphore, #tpu.memory_space<semaphore_mem>>) attributes {dimension_semantics = [#tpu.dimension_semantics<core_parallel>, #tpu.dimension_semantics<subcore_parallel>], iteration_bounds = array<i64: 2, 16>, scalar_prefetch = 0 : i64, scratch_operands = 10 : i64, tpu.core_type = #tpu.core_type<sc_vector_subcore>, window_params = [{transform_indices = #map}, {transform_indices = #map1}, {transform_indices = #map1}, {transform_indices = #map1}, {transform_indices = #map1}, {transform_indices = #map}, {transform_indices = #map2}]} {
    %mul3A = arith.constant 16 : i32
    %mul3A_0 = arith.muli %arg0, %mul3A : i32
    %mul3A_1 = arith.constant 512 : i32
    %mul3A_2 = arith.muli %arg1, %mul3A_1 : i32
    %mul3A_3 = arith.constant 32 : i32
    %mul3A_4 = arith.muli %arg1, %mul3A_3 : i32
    %add3A = arith.addi %mul3A_4, %mul3A_0 : i32
    %dma_start3A = tpu.memref_slice %arg5[%add3A] : memref<512xi32, #tpu.memory_space<hbm>> -> memref<16xi32, #tpu.memory_space<hbm>>
    %dma_start3A_5 = tpu.memref_slice %arg5[%add3A] : memref<512xi32, #tpu.memory_space<hbm>> -> memref<16xi32, #tpu.memory_space<hbm>>
    tpu.enqueue_dma source(%dma_start3A_5 : memref<16xi32, #tpu.memory_space<hbm>>) target(%arg9 : memref<16xi32, #tpu.memory_space<vmem>>) target_semaphore(%arg18 : memref<!tpu.dma_semaphore, #tpu.memory_space<semaphore_mem>>)
    %mul3A_6 = arith.constant 32 : i32
    %mul3A_7 = arith.muli %arg1, %mul3A_6 : i32
    %dma_start3A_8 = tpu.memref_slice %arg6[%mul3A_7] : memref<512xi32, #tpu.memory_space<hbm>> -> memref<32xi32, #tpu.memory_space<hbm>>
    %dma_start3A_9 = tpu.memref_slice %arg6[%mul3A_7] : memref<512xi32, #tpu.memory_space<hbm>> -> memref<32xi32, #tpu.memory_space<hbm>>
    tpu.enqueue_dma source(%dma_start3A_9 : memref<32xi32, #tpu.memory_space<hbm>>) target(%arg10 : memref<32xi32, #tpu.memory_space<vmem>>) target_semaphore(%arg18 : memref<!tpu.dma_semaphore, #tpu.memory_space<semaphore_mem>>)
    tpu.enqueue_dma source(%arg3 : memref<512xi32, #tpu.memory_space<hbm>>) target(%arg13 : memref<512xi32, #tpu.memory_space<vmem>>) target_semaphore(%arg18 : memref<!tpu.dma_semaphore, #tpu.memory_space<semaphore_mem>>)
    tpu.enqueue_dma source(%arg4 : memref<512xi32, #tpu.memory_space<hbm>>) target(%arg14 : memref<512xi32, #tpu.memory_space<vmem>>) target_semaphore(%arg18 : memref<!tpu.dma_semaphore, #tpu.memory_space<semaphore_mem>>)
    %dma_wait3A = tpu.memref_slice %arg5[%add3A] : memref<512xi32, #tpu.memory_space<hbm>> -> memref<16xi32, #tpu.memory_space<hbm>>
    %dma_wait3A_10 = tpu.memref_slice %arg5[%add3A] : memref<512xi32, #tpu.memory_space<hbm>> -> memref<16xi32, #tpu.memory_space<hbm>>
    tpu.wait_dma2 semaphore(%arg18 : memref<!tpu.dma_semaphore, #tpu.memory_space<semaphore_mem>>) src(%dma_wait3A_10 : memref<16xi32, #tpu.memory_space<hbm>>) dst(%arg9 : memref<16xi32, #tpu.memory_space<vmem>>)
    %dma_wait3A_11 = tpu.memref_slice %arg6[%mul3A_7] : memref<512xi32, #tpu.memory_space<hbm>> -> memref<32xi32, #tpu.memory_space<hbm>>
    %dma_wait3A_12 = tpu.memref_slice %arg6[%mul3A_7] : memref<512xi32, #tpu.memory_space<hbm>> -> memref<32xi32, #tpu.memory_space<hbm>>
    tpu.wait_dma2 semaphore(%arg18 : memref<!tpu.dma_semaphore, #tpu.memory_space<semaphore_mem>>) src(%dma_wait3A_12 : memref<32xi32, #tpu.memory_space<hbm>>) dst(%arg10 : memref<32xi32, #tpu.memory_space<vmem>>)
    tpu.wait_dma2 semaphore(%arg18 : memref<!tpu.dma_semaphore, #tpu.memory_space<semaphore_mem>>) src(%arg3 : memref<512xi32, #tpu.memory_space<hbm>>) dst(%arg13 : memref<512xi32, #tpu.memory_space<vmem>>)
    tpu.wait_dma2 semaphore(%arg18 : memref<!tpu.dma_semaphore, #tpu.memory_space<semaphore_mem>>) src(%arg4 : memref<512xi32, #tpu.memory_space<hbm>>) dst(%arg14 : memref<512xi32, #tpu.memory_space<vmem>>)
    %iota3A = tpu.iota {dimensions = array<i32: 0>} : vector<16xi32>
    %get3A = arith.constant 0 : index
    %get3A_13 = tpu.vector_load %arg9[%get3A] {strides = array<i32>} : memref<16xi32, #tpu.memory_space<vmem>>, vector<16xi32>,
    %add3A_14 = vector.broadcast %mul3A_2 : i32 to vector<16xi32>
    %add3A_15 = arith.addi %get3A_13, %add3A_14 : vector<16xi32>
    %swap3A = arith.constant 0 : index
    %swap3A_16 = tpu.vector_load %arg11[%swap3A] {strides = array<i32>} : memref<16xi32, #tpu.memory_space<vmem>>, vector<16xi32>,
    tpu.vector_store %arg11[%swap3A], %add3A_15 {strides = array<i32>} : memref<16xi32, #tpu.memory_space<vmem>>, vector<16xi32>,
    %get3A_17 = arith.index_cast %mul3A_0 : i32 to index
    %get3A_18 = tpu.vector_load %arg10[%get3A_17] {strides = array<i32>} : memref<32xi32, #tpu.memory_space<vmem>>, vector<16xi32>,
    %add3A_19 = vector.broadcast %mul3A_2 : i32 to vector<16xi32>
    %add3A_20 = arith.addi %get3A_18, %add3A_19 : vector<16xi32>
    %swap3A_21 = arith.constant 0 : index
    %swap3A_22 = tpu.vector_load %arg12[%swap3A_21] {strides = array<i32>} : memref<16xi32, #tpu.memory_space<vmem>>, vector<16xi32>,
    tpu.vector_store %arg12[%swap3A_21], %add3A_20 {strides = array<i32>} : memref<16xi32, #tpu.memory_space<vmem>>, vector<16xi32>,
    %dma_start3A_23 = arith.constant 0 : i32
    %dma_start3A_24 = arith.constant 0 : i32
    %dma_start3A_25 = tpu.memref_slice %arg2[%dma_start3A_23, %dma_start3A_24] : memref<8192x768xf32, #tpu.memory_space<hbm>> -> memref<8192x768xf32, #tpu.memory_space<hbm>>
    tpu.enqueue_indirect_dma source(%dma_start3A_25 : memref<8192x768xf32, #tpu.memory_space<hbm>>) target(%arg15 : memref<16x768xf32, #tpu.memory_space<vmem>>) offsets(%arg11 : memref<16xi32, #tpu.memory_space<vmem>>) semaphore(%arg18 : memref<!tpu.dma_semaphore, #tpu.memory_space<semaphore_mem>>)
    %dma_start3A_26 = arith.constant 0 : i32
    %dma_start3A_27 = arith.constant 0 : i32
    %dma_start3A_28 = tpu.memref_slice %arg2[%dma_start3A_26, %dma_start3A_27] : memref<8192x768xf32, #tpu.memory_space<hbm>> -> memref<8192x768xf32, #tpu.memory_space<hbm>>
    tpu.enqueue_indirect_dma source(%dma_start3A_28 : memref<8192x768xf32, #tpu.memory_space<hbm>>) target(%arg16 : memref<16x768xf32, #tpu.memory_space<vmem>>) offsets(%arg12 : memref<16xi32, #tpu.memory_space<vmem>>) semaphore(%arg18 : memref<!tpu.dma_semaphore, #tpu.memory_space<semaphore_mem>>)
    %get3A_29 = arith.constant 0 : index
    %get3A_30 = tpu.vector_load %arg10[%get3A_29] {strides = array<i32>} : memref<32xi32, #tpu.memory_space<vmem>>, vector<16xi32>,
    %get3A_31 = arith.constant 16 : index
    %get3A_32 = tpu.vector_load %arg10[%get3A_31] {strides = array<i32>} : memref<32xi32, #tpu.memory_space<vmem>>, vector<16xi32>,
    %gather3A = tpu.vector_load_idx %arg13[%get3A_30] : memref<512xi32, #tpu.memory_space<vmem>>[vector<16xi32>], vector<16xi32>,
    %gather3A_33 = tpu.vector_load_idx %arg13[%get3A_32] : memref<512xi32, #tpu.memory_space<vmem>>[vector<16xi32>], vector<16xi32>,
    %gather3A_34 = tpu.vector_load_idx %arg14[%get3A_30] : memref<512xi32, #tpu.memory_space<vmem>>[vector<16xi32>], vector<16xi32>,
    %gather3A_35 = tpu.vector_load_idx %arg14[%get3A_32] : memref<512xi32, #tpu.memory_space<vmem>>[vector<16xi32>], vector<16xi32>,
    %get3A_36 = arith.constant 0 : index
    %get3A_37 = tpu.vector_load %arg9[%get3A_36] {strides = array<i32>} : memref<16xi32, #tpu.memory_space<vmem>>, vector<16xi32>,
    %scan3A = arith.constant 0 : i32
    %scan3A_38 = arith.constant 16 : i32
    %scan3A_39 = arith.addi %scan3A, %scan3A_38 : i32
    %scan3A_40 = arith.constant 1 : i32
    scf.for %scan3A_56 = %scan3A to %scan3A_39 step %scan3A_40  : i32 {
      %mul3A_57 = arith.constant 1 : i32
      %mul3A_58 = arith.muli %scan3A_56, %mul3A_57 : i32
      %add3A_59 = arith.constant 0 : i32
      %add3A_60 = arith.addi %add3A_59, %mul3A_58 : i32
      %eq3A = vector.broadcast %add3A_60 : i32 to vector<16xi32>
      %eq3A_61 = arith.cmpi eq, %iota3A, %eq3A : vector<16xi32>
      %convert_element_type3A = arith.extui %eq3A_61 : vector<16xi1> to vector<16xi32>
      %mul3A_62 = arith.muli %get3A_37, %convert_element_type3A : vector<16xi32>
      %reduce_sum3A = arith.constant true
      %reduce_sum3A_63 = vector.broadcast %reduce_sum3A : i1 to vector<16xi1>
      %reduce_sum3A_64 = tpu.scan <sum>, %mul3A_62 masked %reduce_sum3A_63 : vector<16xi32>, vector<16xi1> -> vector<16xi32>
      %reduce_sum3A_65 = vector.extract %reduce_sum3A_64[15] : i32 from vector<16xi32>
      %broadcast_in_dim3A = arith.constant 0 : i32
      %broadcast_in_dim3A_66 = vector.broadcast %broadcast_in_dim3A : i32 to vector<16xi32>
      %add3A_67 = vector.broadcast %reduce_sum3A_65 : i32 to vector<16xi32>
      %add3A_68 = arith.addi %broadcast_in_dim3A_66, %add3A_67 : vector<16xi32>
      %gather3A_69 = tpu.vector_load_idx %arg13[%add3A_68] : memref<512xi32, #tpu.memory_space<vmem>>[vector<16xi32>], vector<16xi32>,
      %gather3A_70 = tpu.vector_load_idx %arg14[%add3A_68] : memref<512xi32, #tpu.memory_space<vmem>>[vector<16xi32>], vector<16xi32>,
      %sub3A = arith.subi %gather3A_70, %gather3A : vector<16xi32>
      %abs3A = math.absi %sub3A : vector<16xi32>
      %sub3A_71 = arith.subi %gather3A_69, %gather3A_34 : vector<16xi32>
      %abs3A_72 = math.absi %sub3A_71 : vector<16xi32>
      %min3A = arith.minsi %abs3A, %abs3A_72 : vector<16xi32>
      %broadcast_in_dim3A_73 = arith.constant -1 : i32
      %broadcast_in_dim3A_74 = vector.broadcast %broadcast_in_dim3A_73 : i32 to vector<16xi32>
      %ge3A = arith.constant 0 : i32
      %ge3A_75 = vector.broadcast %ge3A : i32 to vector<16xi32>
      %ge3A_76 = arith.cmpi sge, %min3A, %ge3A_75 : vector<16xi32>
      %convert_element_type3A_77 = arith.extui %ge3A_76 : vector<16xi1> to vector<16xi32>
      %add3A_78 = arith.addi %broadcast_in_dim3A_74, %convert_element_type3A_77 : vector<16xi32>
      %ge3A_79 = arith.constant 1 : i32
      %ge3A_80 = vector.broadcast %ge3A_79 : i32 to vector<16xi32>
      %ge3A_81 = arith.cmpi sge, %min3A, %ge3A_80 : vector<16xi32>
      %convert_element_type3A_82 = arith.extui %ge3A_81 : vector<16xi1> to vector<16xi32>
      %add3A_83 = arith.addi %add3A_78, %convert_element_type3A_82 : vector<16xi32>
      %ge3A_84 = arith.constant 2 : i32
      %ge3A_85 = vector.broadcast %ge3A_84 : i32 to vector<16xi32>
      %ge3A_86 = arith.cmpi sge, %min3A, %ge3A_85 : vector<16xi32>
      %convert_element_type3A_87 = arith.extui %ge3A_86 : vector<16xi1> to vector<16xi32>
      %add3A_88 = arith.addi %add3A_83, %convert_element_type3A_87 : vector<16xi32>
      %ge3A_89 = arith.constant 3 : i32
      %ge3A_90 = vector.broadcast %ge3A_89 : i32 to vector<16xi32>
      %ge3A_91 = arith.cmpi sge, %min3A, %ge3A_90 : vector<16xi32>
      %convert_element_type3A_92 = arith.extui %ge3A_91 : vector<16xi1> to vector<16xi32>
      %add3A_93 = arith.addi %add3A_88, %convert_element_type3A_92 : vector<16xi32>
      %ge3A_94 = arith.constant 4 : i32
      %ge3A_95 = vector.broadcast %ge3A_94 : i32 to vector<16xi32>
      %ge3A_96 = arith.cmpi sge, %min3A, %ge3A_95 : vector<16xi32>
      %convert_element_type3A_97 = arith.extui %ge3A_96 : vector<16xi1> to vector<16xi32>
      %add3A_98 = arith.addi %add3A_93, %convert_element_type3A_97 : vector<16xi32>
      %ge3A_99 = arith.constant 5 : i32
      %ge3A_100 = vector.broadcast %ge3A_99 : i32 to vector<16xi32>
      %ge3A_101 = arith.cmpi sge, %min3A, %ge3A_100 : vector<16xi32>
      %convert_element_type3A_102 = arith.extui %ge3A_101 : vector<16xi1> to vector<16xi32>
      %add3A_103 = arith.addi %add3A_98, %convert_element_type3A_102 : vector<16xi32>
      %ge3A_104 = arith.constant 7 : i32
      %ge3A_105 = vector.broadcast %ge3A_104 : i32 to vector<16xi32>
      %ge3A_106 = arith.cmpi sge, %min3A, %ge3A_105 : vector<16xi32>
      %convert_element_type3A_107 = arith.extui %ge3A_106 : vector<16xi1> to vector<16xi32>
      %add3A_108 = arith.addi %add3A_103, %convert_element_type3A_107 : vector<16xi32>
      %ge3A_109 = arith.constant 8 : i32
      %ge3A_110 = vector.broadcast %ge3A_109 : i32 to vector<16xi32>
      %ge3A_111 = arith.cmpi sge, %min3A, %ge3A_110 : vector<16xi32>
      %convert_element_type3A_112 = arith.extui %ge3A_111 : vector<16xi1> to vector<16xi32>
      %add3A_113 = arith.addi %add3A_108, %convert_element_type3A_112 : vector<16xi32>
      %ge3A_114 = arith.constant 15 : i32
      %ge3A_115 = vector.broadcast %ge3A_114 : i32 to vector<16xi32>
      %ge3A_116 = arith.cmpi sge, %min3A, %ge3A_115 : vector<16xi32>
      %convert_element_type3A_117 = arith.extui %ge3A_116 : vector<16xi1> to vector<16xi32>
      %add3A_118 = arith.addi %add3A_113, %convert_element_type3A_117 : vector<16xi32>
      %ge3A_119 = arith.constant 16 : i32
      %ge3A_120 = vector.broadcast %ge3A_119 : i32 to vector<16xi32>
      %ge3A_121 = arith.cmpi sge, %min3A, %ge3A_120 : vector<16xi32>
      %convert_element_type3A_122 = arith.extui %ge3A_121 : vector<16xi1> to vector<16xi32>
      %add3A_123 = arith.addi %add3A_118, %convert_element_type3A_122 : vector<16xi32>
      %ge3A_124 = arith.constant 31 : i32
      %ge3A_125 = vector.broadcast %ge3A_124 : i32 to vector<16xi32>
      %ge3A_126 = arith.cmpi sge, %min3A, %ge3A_125 : vector<16xi32>
      %convert_element_type3A_127 = arith.extui %ge3A_126 : vector<16xi1> to vector<16xi32>
      %add3A_128 = arith.addi %add3A_123, %convert_element_type3A_127 : vector<16xi32>
      %ge3A_129 = arith.constant 32 : i32
      %ge3A_130 = vector.broadcast %ge3A_129 : i32 to vector<16xi32>
      %ge3A_131 = arith.cmpi sge, %min3A, %ge3A_130 : vector<16xi32>
      %convert_element_type3A_132 = arith.extui %ge3A_131 : vector<16xi1> to vector<16xi32>
      %add3A_133 = arith.addi %add3A_128, %convert_element_type3A_132 : vector<16xi32>
      %ge3A_134 = arith.constant 63 : i32
      %ge3A_135 = vector.broadcast %ge3A_134 : i32 to vector<16xi32>
      %ge3A_136 = arith.cmpi sge, %min3A, %ge3A_135 : vector<16xi32>
      %convert_element_type3A_137 = arith.extui %ge3A_136 : vector<16xi1> to vector<16xi32>
      %add3A_138 = arith.addi %add3A_133, %convert_element_type3A_137 : vector<16xi32>
      %ge3A_139 = arith.constant 64 : i32
      %ge3A_140 = vector.broadcast %ge3A_139 : i32 to vector<16xi32>
      %ge3A_141 = arith.cmpi sge, %min3A, %ge3A_140 : vector<16xi32>
      %convert_element_type3A_142 = arith.extui %ge3A_141 : vector<16xi1> to vector<16xi32>
      %add3A_143 = arith.addi %add3A_138, %convert_element_type3A_142 : vector<16xi32>
      %mul3A_144 = arith.constant 32 : i32
      %mul3A_145 = arith.muli %add3A_60, %mul3A_144 : i32
      %add3A_146 = arith.constant 0 : i32
      %add3A_147 = arith.addi %mul3A_145, %add3A_146 : i32
      %eq3A_148 = arith.constant 0 : i32
      %eq3A_149 = vector.broadcast %eq3A_148 : i32 to vector<16xi32>
      %eq3A_150 = arith.cmpi eq, %add3A_143, %eq3A_149 : vector<16xi32>
      %convert_element_type3A_151 = arith.extui %eq3A_150 : vector<16xi1> to vector<16xi32>
      %convert_element_type3A_152 = arith.sitofp %convert_element_type3A_151 : vector<16xi32> to vector<16xf32>
      %swap3A_153 = arith.constant 0 : i32
      %swap3A_154 = arith.index_cast %swap3A_153 : i32 to index
      %swap3A_155 = arith.index_cast %add3A_147 : i32 to index
      %swap3A_156 = tpu.vector_load %arg17[%swap3A_154, %swap3A_155] {strides = array<i32>} : memref<16x512xf32, #tpu.memory_space<vmem>>, vector<16xf32>,
      tpu.vector_store %arg17[%swap3A_154, %swap3A_155], %convert_element_type3A_152 {strides = array<i32>} : memref<16x512xf32, #tpu.memory_space<vmem>>, vector<16xf32>,
      %eq3A_157 = arith.constant 1 : i32
      %eq3A_158 = vector.broadcast %eq3A_157 : i32 to vector<16xi32>
      %eq3A_159 = arith.cmpi eq, %add3A_143, %eq3A_158 : vector<16xi32>
      %convert_element_type3A_160 = arith.extui %eq3A_159 : vector<16xi1> to vector<16xi32>
      %convert_element_type3A_161 = arith.sitofp %convert_element_type3A_160 : vector<16xi32> to vector<16xf32>
      %swap3A_162 = arith.constant 1 : i32
      %swap3A_163 = arith.index_cast %swap3A_162 : i32 to index
      %swap3A_164 = arith.index_cast %add3A_147 : i32 to index
      %swap3A_165 = tpu.vector_load %arg17[%swap3A_163, %swap3A_164] {strides = array<i32>} : memref<16x512xf32, #tpu.memory_space<vmem>>, vector<16xf32>,
      tpu.vector_store %arg17[%swap3A_163, %swap3A_164], %convert_element_type3A_161 {strides = array<i32>} : memref<16x512xf32, #tpu.memory_space<vmem>>, vector<16xf32>,
      %eq3A_166 = arith.constant 2 : i32
      %eq3A_167 = vector.broadcast %eq3A_166 : i32 to vector<16xi32>
      %eq3A_168 = arith.cmpi eq, %add3A_143, %eq3A_167 : vector<16xi32>
      %convert_element_type3A_169 = arith.extui %eq3A_168 : vector<16xi1> to vector<16xi32>
      %convert_element_type3A_170 = arith.sitofp %convert_element_type3A_169 : vector<16xi32> to vector<16xf32>
      %swap3A_171 = arith.constant 2 : i32
      %swap3A_172 = arith.index_cast %swap3A_171 : i32 to index
      %swap3A_173 = arith.index_cast %add3A_147 : i32 to index
      %swap3A_174 = tpu.vector_load %arg17[%swap3A_172, %swap3A_173] {strides = array<i32>} : memref<16x512xf32, #tpu.memory_space<vmem>>, vector<16xf32>,
      tpu.vector_store %arg17[%swap3A_172, %swap3A_173], %convert_element_type3A_170 {strides = array<i32>} : memref<16x512xf32, #tpu.memory_space<vmem>>, vector<16xf32>,
      %eq3A_175 = arith.constant 3 : i32
      %eq3A_176 = vector.broadcast %eq3A_175 : i32 to vector<16xi32>
      %eq3A_177 = arith.cmpi eq, %add3A_143, %eq3A_176 : vector<16xi32>
      %convert_element_type3A_178 = arith.extui %eq3A_177 : vector<16xi1> to vector<16xi32>
      %convert_element_type3A_179 = arith.sitofp %convert_element_type3A_178 : vector<16xi32> to vector<16xf32>
      %swap3A_180 = arith.constant 3 : i32
      %swap3A_181 = arith.index_cast %swap3A_180 : i32 to index
      %swap3A_182 = arith.index_cast %add3A_147 : i32 to index
      %swap3A_183 = tpu.vector_load %arg17[%swap3A_181, %swap3A_182] {strides = array<i32>} : memref<16x512xf32, #tpu.memory_space<vmem>>, vector<16xf32>,
      tpu.vector_store %arg17[%swap3A_181, %swap3A_182], %convert_element_type3A_179 {strides = array<i32>} : memref<16x512xf32, #tpu.memory_space<vmem>>, vector<16xf32>,
      %eq3A_184 = arith.constant 4 : i32
      %eq3A_185 = vector.broadcast %eq3A_184 : i32 to vector<16xi32>
      %eq3A_186 = arith.cmpi eq, %add3A_143, %eq3A_185 : vector<16xi32>
      %convert_element_type3A_187 = arith.extui %eq3A_186 : vector<16xi1> to vector<16xi32>
      %convert_element_type3A_188 = arith.sitofp %convert_element_type3A_187 : vector<16xi32> to vector<16xf32>
      %swap3A_189 = arith.constant 4 : i32
      %swap3A_190 = arith.index_cast %swap3A_189 : i32 to index
      %swap3A_191 = arith.index_cast %add3A_147 : i32 to index
      %swap3A_192 = tpu.vector_load %arg17[%swap3A_190, %swap3A_191] {strides = array<i32>} : memref<16x512xf32, #tpu.memory_space<vmem>>, vector<16xf32>,
      tpu.vector_store %arg17[%swap3A_190, %swap3A_191], %convert_element_type3A_188 {strides = array<i32>} : memref<16x512xf32, #tpu.memory_space<vmem>>, vector<16xf32>,
      %eq3A_193 = arith.constant 5 : i32
      %eq3A_194 = vector.broadcast %eq3A_193 : i32 to vector<16xi32>
      %eq3A_195 = arith.cmpi eq, %add3A_143, %eq3A_194 : vector<16xi32>
      %convert_element_type3A_196 = arith.extui %eq3A_195 : vector<16xi1> to vector<16xi32>
      %convert_element_type3A_197 = arith.sitofp %convert_element_type3A_196 : vector<16xi32> to vector<16xf32>
      %swap3A_198 = arith.constant 5 : i32
      %swap3A_199 = arith.index_cast %swap3A_198 : i32 to index
      %swap3A_200 = arith.index_cast %add3A_147 : i32 to index
      %swap3A_201 = tpu.vector_load %arg17[%swap3A_199, %swap3A_200] {strides = array<i32>} : memref<16x512xf32, #tpu.memory_space<vmem>>, vector<16xf32>,
      tpu.vector_store %arg17[%swap3A_199, %swap3A_200], %convert_element_type3A_197 {strides = array<i32>} : memref<16x512xf32, #tpu.memory_space<vmem>>, vector<16xf32>,
      %eq3A_202 = arith.constant 6 : i32
      %eq3A_203 = vector.broadcast %eq3A_202 : i32 to vector<16xi32>
      %eq3A_204 = arith.cmpi eq, %add3A_143, %eq3A_203 : vector<16xi32>
      %convert_element_type3A_205 = arith.extui %eq3A_204 : vector<16xi1> to vector<16xi32>
      %convert_element_type3A_206 = arith.sitofp %convert_element_type3A_205 : vector<16xi32> to vector<16xf32>
      %swap3A_207 = arith.constant 6 : i32
      %swap3A_208 = arith.index_cast %swap3A_207 : i32 to index
      %swap3A_209 = arith.index_cast %add3A_147 : i32 to index
      %swap3A_210 = tpu.vector_load %arg17[%swap3A_208, %swap3A_209] {strides = array<i32>} : memref<16x512xf32, #tpu.memory_space<vmem>>, vector<16xf32>,
      tpu.vector_store %arg17[%swap3A_208, %swap3A_209], %convert_element_type3A_206 {strides = array<i32>} : memref<16x512xf32, #tpu.memory_space<vmem>>, vector<16xf32>,
      %eq3A_211 = arith.constant 7 : i32
      %eq3A_212 = vector.broadcast %eq3A_211 : i32 to vector<16xi32>
      %eq3A_213 = arith.cmpi eq, %add3A_143, %eq3A_212 : vector<16xi32>
      %convert_element_type3A_214 = arith.extui %eq3A_213 : vector<16xi1> to vector<16xi32>
      %convert_element_type3A_215 = arith.sitofp %convert_element_type3A_214 : vector<16xi32> to vector<16xf32>
      %swap3A_216 = arith.constant 7 : i32
      %swap3A_217 = arith.index_cast %swap3A_216 : i32 to index
      %swap3A_218 = arith.index_cast %add3A_147 : i32 to index
      %swap3A_219 = tpu.vector_load %arg17[%swap3A_217, %swap3A_218] {strides = array<i32>} : memref<16x512xf32, #tpu.memory_space<vmem>>, vector<16xf32>,
      tpu.vector_store %arg17[%swap3A_217, %swap3A_218], %convert_element_type3A_215 {strides = array<i32>} : memref<16x512xf32, #tpu.memory_space<vmem>>, vector<16xf32>,
      %eq3A_220 = arith.constant 8 : i32
      %eq3A_221 = vector.broadcast %eq3A_220 : i32 to vector<16xi32>
      %eq3A_222 = arith.cmpi eq, %add3A_143, %eq3A_221 : vector<16xi32>
      %convert_element_type3A_223 = arith.extui %eq3A_222 : vector<16xi1> to vector<16xi32>
      %convert_element_type3A_224 = arith.sitofp %convert_element_type3A_223 : vector<16xi32> to vector<16xf32>
      %swap3A_225 = arith.constant 8 : i32
      %swap3A_226 = arith.index_cast %swap3A_225 : i32 to index
      %swap3A_227 = arith.index_cast %add3A_147 : i32 to index
      %swap3A_228 = tpu.vector_load %arg17[%swap3A_226, %swap3A_227] {strides = array<i32>} : memref<16x512xf32, #tpu.memory_space<vmem>>, vector<16xf32>,
      tpu.vector_store %arg17[%swap3A_226, %swap3A_227], %convert_element_type3A_224 {strides = array<i32>} : memref<16x512xf32, #tpu.memory_space<vmem>>, vector<16xf32>,
      %eq3A_229 = arith.constant 9 : i32
      %eq3A_230 = vector.broadcast %eq3A_229 : i32 to vector<16xi32>
      %eq3A_231 = arith.cmpi eq, %add3A_143, %eq3A_230 : vector<16xi32>
      %convert_element_type3A_232 = arith.extui %eq3A_231 : vector<16xi1> to vector<16xi32>
      %convert_element_type3A_233 = arith.sitofp %convert_element_type3A_232 : vector<16xi32> to vector<16xf32>
      %swap3A_234 = arith.constant 9 : i32
      %swap3A_235 = arith.index_cast %swap3A_234 : i32 to index
      %swap3A_236 = arith.index_cast %add3A_147 : i32 to index
      %swap3A_237 = tpu.vector_load %arg17[%swap3A_235, %swap3A_236] {strides = array<i32>} : memref<16x512xf32, #tpu.memory_space<vmem>>, vector<16xf32>,
      tpu.vector_store %arg17[%swap3A_235, %swap3A_236], %convert_element_type3A_233 {strides = array<i32>} : memref<16x512xf32, #tpu.memory_space<vmem>>, vector<16xf32>,
      %eq3A_238 = arith.constant 10 : i32
      %eq3A_239 = vector.broadcast %eq3A_238 : i32 to vector<16xi32>
      %eq3A_240 = arith.cmpi eq, %add3A_143, %eq3A_239 : vector<16xi32>
      %convert_element_type3A_241 = arith.extui %eq3A_240 : vector<16xi1> to vector<16xi32>
      %convert_element_type3A_242 = arith.sitofp %convert_element_type3A_241 : vector<16xi32> to vector<16xf32>
      %swap3A_243 = arith.constant 10 : i32
      %swap3A_244 = arith.index_cast %swap3A_243 : i32 to index
      %swap3A_245 = arith.index_cast %add3A_147 : i32 to index
      %swap3A_246 = tpu.vector_load %arg17[%swap3A_244, %swap3A_245] {strides = array<i32>} : memref<16x512xf32, #tpu.memory_space<vmem>>, vector<16xf32>,
      tpu.vector_store %arg17[%swap3A_244, %swap3A_245], %convert_element_type3A_242 {strides = array<i32>} : memref<16x512xf32, #tpu.memory_space<vmem>>, vector<16xf32>,
      %eq3A_247 = arith.constant 11 : i32
      %eq3A_248 = vector.broadcast %eq3A_247 : i32 to vector<16xi32>
      %eq3A_249 = arith.cmpi eq, %add3A_143, %eq3A_248 : vector<16xi32>
      %convert_element_type3A_250 = arith.extui %eq3A_249 : vector<16xi1> to vector<16xi32>
      %convert_element_type3A_251 = arith.sitofp %convert_element_type3A_250 : vector<16xi32> to vector<16xf32>
      %swap3A_252 = arith.constant 11 : i32
      %swap3A_253 = arith.index_cast %swap3A_252 : i32 to index
      %swap3A_254 = arith.index_cast %add3A_147 : i32 to index
      %swap3A_255 = tpu.vector_load %arg17[%swap3A_253, %swap3A_254] {strides = array<i32>} : memref<16x512xf32, #tpu.memory_space<vmem>>, vector<16xf32>,
      tpu.vector_store %arg17[%swap3A_253, %swap3A_254], %convert_element_type3A_251 {strides = array<i32>} : memref<16x512xf32, #tpu.memory_space<vmem>>, vector<16xf32>,
      %eq3A_256 = arith.constant 12 : i32
      %eq3A_257 = vector.broadcast %eq3A_256 : i32 to vector<16xi32>
      %eq3A_258 = arith.cmpi eq, %add3A_143, %eq3A_257 : vector<16xi32>
      %convert_element_type3A_259 = arith.extui %eq3A_258 : vector<16xi1> to vector<16xi32>
      %convert_element_type3A_260 = arith.sitofp %convert_element_type3A_259 : vector<16xi32> to vector<16xf32>
      %swap3A_261 = arith.constant 12 : i32
      %swap3A_262 = arith.index_cast %swap3A_261 : i32 to index
      %swap3A_263 = arith.index_cast %add3A_147 : i32 to index
      %swap3A_264 = tpu.vector_load %arg17[%swap3A_262, %swap3A_263] {strides = array<i32>} : memref<16x512xf32, #tpu.memory_space<vmem>>, vector<16xf32>,
      tpu.vector_store %arg17[%swap3A_262, %swap3A_263], %convert_element_type3A_260 {strides = array<i32>} : memref<16x512xf32, #tpu.memory_space<vmem>>, vector<16xf32>,
      %eq3A_265 = arith.constant 13 : i32
      %eq3A_266 = vector.broadcast %eq3A_265 : i32 to vector<16xi32>
      %eq3A_267 = arith.cmpi eq, %add3A_143, %eq3A_266 : vector<16xi32>
      %convert_element_type3A_268 = arith.extui %eq3A_267 : vector<16xi1> to vector<16xi32>
      %convert_element_type3A_269 = arith.sitofp %convert_element_type3A_268 : vector<16xi32> to vector<16xf32>
      %swap3A_270 = arith.constant 13 : i32
      %swap3A_271 = arith.index_cast %swap3A_270 : i32 to index
      %swap3A_272 = arith.index_cast %add3A_147 : i32 to index
      %swap3A_273 = tpu.vector_load %arg17[%swap3A_271, %swap3A_272] {strides = array<i32>} : memref<16x512xf32, #tpu.memory_space<vmem>>, vector<16xf32>,
      tpu.vector_store %arg17[%swap3A_271, %swap3A_272], %convert_element_type3A_269 {strides = array<i32>} : memref<16x512xf32, #tpu.memory_space<vmem>>, vector<16xf32>,
      %broadcast_in_dim3A_274 = arith.constant 0.000000e+00 : f32
      %broadcast_in_dim3A_275 = vector.broadcast %broadcast_in_dim3A_274 : f32 to vector<16xf32>
      %swap3A_276 = arith.constant 14 : i32
      %swap3A_277 = arith.index_cast %swap3A_276 : i32 to index
      %swap3A_278 = arith.index_cast %add3A_147 : i32 to index
      %swap3A_279 = tpu.vector_load %arg17[%swap3A_277, %swap3A_278] {strides = array<i32>} : memref<16x512xf32, #tpu.memory_space<vmem>>, vector<16xf32>,
      tpu.vector_store %arg17[%swap3A_277, %swap3A_278], %broadcast_in_dim3A_275 {strides = array<i32>} : memref<16x512xf32, #tpu.memory_space<vmem>>, vector<16xf32>,
      %broadcast_in_dim3A_280 = arith.constant 0.000000e+00 : f32
      %broadcast_in_dim3A_281 = vector.broadcast %broadcast_in_dim3A_280 : f32 to vector<16xf32>
      %swap3A_282 = arith.constant 15 : i32
      %swap3A_283 = arith.index_cast %swap3A_282 : i32 to index
      %swap3A_284 = arith.index_cast %add3A_147 : i32 to index
      %swap3A_285 = tpu.vector_load %arg17[%swap3A_283, %swap3A_284] {strides = array<i32>} : memref<16x512xf32, #tpu.memory_space<vmem>>, vector<16xf32>,
      tpu.vector_store %arg17[%swap3A_283, %swap3A_284], %broadcast_in_dim3A_281 {strides = array<i32>} : memref<16x512xf32, #tpu.memory_space<vmem>>, vector<16xf32>,
      %sub3A_286 = arith.subi %gather3A_70, %gather3A_33 : vector<16xi32>
      %abs3A_287 = math.absi %sub3A_286 : vector<16xi32>
      %sub3A_288 = arith.subi %gather3A_69, %gather3A_35 : vector<16xi32>
      %abs3A_289 = math.absi %sub3A_288 : vector<16xi32>
      %min3A_290 = arith.minsi %abs3A_287, %abs3A_289 : vector<16xi32>
      %broadcast_in_dim3A_291 = arith.constant -1 : i32
      %broadcast_in_dim3A_292 = vector.broadcast %broadcast_in_dim3A_291 : i32 to vector<16xi32>
      %ge3A_293 = arith.constant 0 : i32
      %ge3A_294 = vector.broadcast %ge3A_293 : i32 to vector<16xi32>
      %ge3A_295 = arith.cmpi sge, %min3A_290, %ge3A_294 : vector<16xi32>
      %convert_element_type3A_296 = arith.extui %ge3A_295 : vector<16xi1> to vector<16xi32>
      %add3A_297 = arith.addi %broadcast_in_dim3A_292, %convert_element_type3A_296 : vector<16xi32>
      %ge3A_298 = arith.constant 1 : i32
      %ge3A_299 = vector.broadcast %ge3A_298 : i32 to vector<16xi32>
      %ge3A_300 = arith.cmpi sge, %min3A_290, %ge3A_299 : vector<16xi32>
      %convert_element_type3A_301 = arith.extui %ge3A_300 : vector<16xi1> to vector<16xi32>
      %add3A_302 = arith.addi %add3A_297, %convert_element_type3A_301 : vector<16xi32>
      %ge3A_303 = arith.constant 2 : i32
      %ge3A_304 = vector.broadcast %ge3A_303 : i32 to vector<16xi32>
      %ge3A_305 = arith.cmpi sge, %min3A_290, %ge3A_304 : vector<16xi32>
      %convert_element_type3A_306 = arith.extui %ge3A_305 : vector<16xi1> to vector<16xi32>
      %add3A_307 = arith.addi %add3A_302, %convert_element_type3A_306 : vector<16xi32>
      %ge3A_308 = arith.constant 3 : i32
      %ge3A_309 = vector.broadcast %ge3A_308 : i32 to vector<16xi32>
      %ge3A_310 = arith.cmpi sge, %min3A_290, %ge3A_309 : vector<16xi32>
      %convert_element_type3A_311 = arith.extui %ge3A_310 : vector<16xi1> to vector<16xi32>
      %add3A_312 = arith.addi %add3A_307, %convert_element_type3A_311 : vector<16xi32>
      %ge3A_313 = arith.constant 4 : i32
      %ge3A_314 = vector.broadcast %ge3A_313 : i32 to vector<16xi32>
      %ge3A_315 = arith.cmpi sge, %min3A_290, %ge3A_314 : vector<16xi32>
      %convert_element_type3A_316 = arith.extui %ge3A_315 : vector<16xi1> to vector<16xi32>
      %add3A_317 = arith.addi %add3A_312, %convert_element_type3A_316 : vector<16xi32>
      %ge3A_318 = arith.constant 5 : i32
      %ge3A_319 = vector.broadcast %ge3A_318 : i32 to vector<16xi32>
      %ge3A_320 = arith.cmpi sge, %min3A_290, %ge3A_319 : vector<16xi32>
      %convert_element_type3A_321 = arith.extui %ge3A_320 : vector<16xi1> to vector<16xi32>
      %add3A_322 = arith.addi %add3A_317, %convert_element_type3A_321 : vector<16xi32>
      %ge3A_323 = arith.constant 7 : i32
      %ge3A_324 = vector.broadcast %ge3A_323 : i32 to vector<16xi32>
      %ge3A_325 = arith.cmpi sge, %min3A_290, %ge3A_324 : vector<16xi32>
      %convert_element_type3A_326 = arith.extui %ge3A_325 : vector<16xi1> to vector<16xi32>
      %add3A_327 = arith.addi %add3A_322, %convert_element_type3A_326 : vector<16xi32>
      %ge3A_328 = arith.constant 8 : i32
      %ge3A_329 = vector.broadcast %ge3A_328 : i32 to vector<16xi32>
      %ge3A_330 = arith.cmpi sge, %min3A_290, %ge3A_329 : vector<16xi32>
      %convert_element_type3A_331 = arith.extui %ge3A_330 : vector<16xi1> to vector<16xi32>
      %add3A_332 = arith.addi %add3A_327, %convert_element_type3A_331 : vector<16xi32>
      %ge3A_333 = arith.constant 15 : i32
      %ge3A_334 = vector.broadcast %ge3A_333 : i32 to vector<16xi32>
      %ge3A_335 = arith.cmpi sge, %min3A_290, %ge3A_334 : vector<16xi32>
      %convert_element_type3A_336 = arith.extui %ge3A_335 : vector<16xi1> to vector<16xi32>
      %add3A_337 = arith.addi %add3A_332, %convert_element_type3A_336 : vector<16xi32>
      %ge3A_338 = arith.constant 16 : i32
      %ge3A_339 = vector.broadcast %ge3A_338 : i32 to vector<16xi32>
      %ge3A_340 = arith.cmpi sge, %min3A_290, %ge3A_339 : vector<16xi32>
      %convert_element_type3A_341 = arith.extui %ge3A_340 : vector<16xi1> to vector<16xi32>
      %add3A_342 = arith.addi %add3A_337, %convert_element_type3A_341 : vector<16xi32>
      %ge3A_343 = arith.constant 31 : i32
      %ge3A_344 = vector.broadcast %ge3A_343 : i32 to vector<16xi32>
      %ge3A_345 = arith.cmpi sge, %min3A_290, %ge3A_344 : vector<16xi32>
      %convert_element_type3A_346 = arith.extui %ge3A_345 : vector<16xi1> to vector<16xi32>
      %add3A_347 = arith.addi %add3A_342, %convert_element_type3A_346 : vector<16xi32>
      %ge3A_348 = arith.constant 32 : i32
      %ge3A_349 = vector.broadcast %ge3A_348 : i32 to vector<16xi32>
      %ge3A_350 = arith.cmpi sge, %min3A_290, %ge3A_349 : vector<16xi32>
      %convert_element_type3A_351 = arith.extui %ge3A_350 : vector<16xi1> to vector<16xi32>
      %add3A_352 = arith.addi %add3A_347, %convert_element_type3A_351 : vector<16xi32>
      %ge3A_353 = arith.constant 63 : i32
      %ge3A_354 = vector.broadcast %ge3A_353 : i32 to vector<16xi32>
      %ge3A_355 = arith.cmpi sge, %min3A_290, %ge3A_354 : vector<16xi32>
      %convert_element_type3A_356 = arith.extui %ge3A_355 : vector<16xi1> to vector<16xi32>
      %add3A_357 = arith.addi %add3A_352, %convert_element_type3A_356 : vector<16xi32>
      %ge3A_358 = arith.constant 64 : i32
      %ge3A_359 = vector.broadcast %ge3A_358 : i32 to vector<16xi32>
      %ge3A_360 = arith.cmpi sge, %min3A_290, %ge3A_359 : vector<16xi32>
      %convert_element_type3A_361 = arith.extui %ge3A_360 : vector<16xi1> to vector<16xi32>
      %add3A_362 = arith.addi %add3A_357, %convert_element_type3A_361 : vector<16xi32>
      %mul3A_363 = arith.constant 32 : i32
      %mul3A_364 = arith.muli %add3A_60, %mul3A_363 : i32
      %add3A_365 = arith.constant 16 : i32
      %add3A_366 = arith.addi %mul3A_364, %add3A_365 : i32
      %eq3A_367 = arith.constant 0 : i32
      %eq3A_368 = vector.broadcast %eq3A_367 : i32 to vector<16xi32>
      %eq3A_369 = arith.cmpi eq, %add3A_362, %eq3A_368 : vector<16xi32>
      %convert_element_type3A_370 = arith.extui %eq3A_369 : vector<16xi1> to vector<16xi32>
      %convert_element_type3A_371 = arith.sitofp %convert_element_type3A_370 : vector<16xi32> to vector<16xf32>
      %swap3A_372 = arith.constant 0 : i32
      %swap3A_373 = arith.index_cast %swap3A_372 : i32 to index
      %swap3A_374 = arith.index_cast %add3A_366 : i32 to index
      %swap3A_375 = tpu.vector_load %arg17[%swap3A_373, %swap3A_374] {strides = array<i32>} : memref<16x512xf32, #tpu.memory_space<vmem>>, vector<16xf32>,
      tpu.vector_store %arg17[%swap3A_373, %swap3A_374], %convert_element_type3A_371 {strides = array<i32>} : memref<16x512xf32, #tpu.memory_space<vmem>>, vector<16xf32>,
      %eq3A_376 = arith.constant 1 : i32
      %eq3A_377 = vector.broadcast %eq3A_376 : i32 to vector<16xi32>
      %eq3A_378 = arith.cmpi eq, %add3A_362, %eq3A_377 : vector<16xi32>
      %convert_element_type3A_379 = arith.extui %eq3A_378 : vector<16xi1> to vector<16xi32>
      %convert_element_type3A_380 = arith.sitofp %convert_element_type3A_379 : vector<16xi32> to vector<16xf32>
      %swap3A_381 = arith.constant 1 : i32
      %swap3A_382 = arith.index_cast %swap3A_381 : i32 to index
      %swap3A_383 = arith.index_cast %add3A_366 : i32 to index
      %swap3A_384 = tpu.vector_load %arg17[%swap3A_382, %swap3A_383] {strides = array<i32>} : memref<16x512xf32, #tpu.memory_space<vmem>>, vector<16xf32>,
      tpu.vector_store %arg17[%swap3A_382, %swap3A_383], %convert_element_type3A_380 {strides = array<i32>} : memref<16x512xf32, #tpu.memory_space<vmem>>, vector<16xf32>,
      %eq3A_385 = arith.constant 2 : i32
      %eq3A_386 = vector.broadcast %eq3A_385 : i32 to vector<16xi32>
      %eq3A_387 = arith.cmpi eq, %add3A_362, %eq3A_386 : vector<16xi32>
      %convert_element_type3A_388 = arith.extui %eq3A_387 : vector<16xi1> to vector<16xi32>
      %convert_element_type3A_389 = arith.sitofp %convert_element_type3A_388 : vector<16xi32> to vector<16xf32>
      %swap3A_390 = arith.constant 2 : i32
      %swap3A_391 = arith.index_cast %swap3A_390 : i32 to index
      %swap3A_392 = arith.index_cast %add3A_366 : i32 to index
      %swap3A_393 = tpu.vector_load %arg17[%swap3A_391, %swap3A_392] {strides = array<i32>} : memref<16x512xf32, #tpu.memory_space<vmem>>, vector<16xf32>,
      tpu.vector_store %arg17[%swap3A_391, %swap3A_392], %convert_element_type3A_389 {strides = array<i32>} : memref<16x512xf32, #tpu.memory_space<vmem>>, vector<16xf32>,
      %eq3A_394 = arith.constant 3 : i32
      %eq3A_395 = vector.broadcast %eq3A_394 : i32 to vector<16xi32>
      %eq3A_396 = arith.cmpi eq, %add3A_362, %eq3A_395 : vector<16xi32>
      %convert_element_type3A_397 = arith.extui %eq3A_396 : vector<16xi1> to vector<16xi32>
      %convert_element_type3A_398 = arith.sitofp %convert_element_type3A_397 : vector<16xi32> to vector<16xf32>
      %swap3A_399 = arith.constant 3 : i32
      %swap3A_400 = arith.index_cast %swap3A_399 : i32 to index
      %swap3A_401 = arith.index_cast %add3A_366 : i32 to index
      %swap3A_402 = tpu.vector_load %arg17[%swap3A_400, %swap3A_401] {strides = array<i32>} : memref<16x512xf32, #tpu.memory_space<vmem>>, vector<16xf32>,
      tpu.vector_store %arg17[%swap3A_400, %swap3A_401], %convert_element_type3A_398 {strides = array<i32>} : memref<16x512xf32, #tpu.memory_space<vmem>>, vector<16xf32>,
      %eq3A_403 = arith.constant 4 : i32
      %eq3A_404 = vector.broadcast %eq3A_403 : i32 to vector<16xi32>
      %eq3A_405 = arith.cmpi eq, %add3A_362, %eq3A_404 : vector<16xi32>
      %convert_element_type3A_406 = arith.extui %eq3A_405 : vector<16xi1> to vector<16xi32>
      %convert_element_type3A_407 = arith.sitofp %convert_element_type3A_406 : vector<16xi32> to vector<16xf32>
      %swap3A_408 = arith.constant 4 : i32
      %swap3A_409 = arith.index_cast %swap3A_408 : i32 to index
      %swap3A_410 = arith.index_cast %add3A_366 : i32 to index
      %swap3A_411 = tpu.vector_load %arg17[%swap3A_409, %swap3A_410] {strides = array<i32>} : memref<16x512xf32, #tpu.memory_space<vmem>>, vector<16xf32>,
      tpu.vector_store %arg17[%swap3A_409, %swap3A_410], %convert_element_type3A_407 {strides = array<i32>} : memref<16x512xf32, #tpu.memory_space<vmem>>, vector<16xf32>,
      %eq3A_412 = arith.constant 5 : i32
      %eq3A_413 = vector.broadcast %eq3A_412 : i32 to vector<16xi32>
      %eq3A_414 = arith.cmpi eq, %add3A_362, %eq3A_413 : vector<16xi32>
      %convert_element_type3A_415 = arith.extui %eq3A_414 : vector<16xi1> to vector<16xi32>
      %convert_element_type3A_416 = arith.sitofp %convert_element_type3A_415 : vector<16xi32> to vector<16xf32>
      %swap3A_417 = arith.constant 5 : i32
      %swap3A_418 = arith.index_cast %swap3A_417 : i32 to index
      %swap3A_419 = arith.index_cast %add3A_366 : i32 to index
      %swap3A_420 = tpu.vector_load %arg17[%swap3A_418, %swap3A_419] {strides = array<i32>} : memref<16x512xf32, #tpu.memory_space<vmem>>, vector<16xf32>,
      tpu.vector_store %arg17[%swap3A_418, %swap3A_419], %convert_element_type3A_416 {strides = array<i32>} : memref<16x512xf32, #tpu.memory_space<vmem>>, vector<16xf32>,
      %eq3A_421 = arith.constant 6 : i32
      %eq3A_422 = vector.broadcast %eq3A_421 : i32 to vector<16xi32>
      %eq3A_423 = arith.cmpi eq, %add3A_362, %eq3A_422 : vector<16xi32>
      %convert_element_type3A_424 = arith.extui %eq3A_423 : vector<16xi1> to vector<16xi32>
      %convert_element_type3A_425 = arith.sitofp %convert_element_type3A_424 : vector<16xi32> to vector<16xf32>
      %swap3A_426 = arith.constant 6 : i32
      %swap3A_427 = arith.index_cast %swap3A_426 : i32 to index
      %swap3A_428 = arith.index_cast %add3A_366 : i32 to index
      %swap3A_429 = tpu.vector_load %arg17[%swap3A_427, %swap3A_428] {strides = array<i32>} : memref<16x512xf32, #tpu.memory_space<vmem>>, vector<16xf32>,
      tpu.vector_store %arg17[%swap3A_427, %swap3A_428], %convert_element_type3A_425 {strides = array<i32>} : memref<16x512xf32, #tpu.memory_space<vmem>>, vector<16xf32>,
      %eq3A_430 = arith.constant 7 : i32
      %eq3A_431 = vector.broadcast %eq3A_430 : i32 to vector<16xi32>
      %eq3A_432 = arith.cmpi eq, %add3A_362, %eq3A_431 : vector<16xi32>
      %convert_element_type3A_433 = arith.extui %eq3A_432 : vector<16xi1> to vector<16xi32>
      %convert_element_type3A_434 = arith.sitofp %convert_element_type3A_433 : vector<16xi32> to vector<16xf32>
      %swap3A_435 = arith.constant 7 : i32
      %swap3A_436 = arith.index_cast %swap3A_435 : i32 to index
      %swap3A_437 = arith.index_cast %add3A_366 : i32 to index
      %swap3A_438 = tpu.vector_load %arg17[%swap3A_436, %swap3A_437] {strides = array<i32>} : memref<16x512xf32, #tpu.memory_space<vmem>>, vector<16xf32>,
      tpu.vector_store %arg17[%swap3A_436, %swap3A_437], %convert_element_type3A_434 {strides = array<i32>} : memref<16x512xf32, #tpu.memory_space<vmem>>, vector<16xf32>,
      %eq3A_439 = arith.constant 8 : i32
      %eq3A_440 = vector.broadcast %eq3A_439 : i32 to vector<16xi32>
      %eq3A_441 = arith.cmpi eq, %add3A_362, %eq3A_440 : vector<16xi32>
      %convert_element_type3A_442 = arith.extui %eq3A_441 : vector<16xi1> to vector<16xi32>
      %convert_element_type3A_443 = arith.sitofp %convert_element_type3A_442 : vector<16xi32> to vector<16xf32>
      %swap3A_444 = arith.constant 8 : i32
      %swap3A_445 = arith.index_cast %swap3A_444 : i32 to index
      %swap3A_446 = arith.index_cast %add3A_366 : i32 to index
      %swap3A_447 = tpu.vector_load %arg17[%swap3A_445, %swap3A_446] {strides = array<i32>} : memref<16x512xf32, #tpu.memory_space<vmem>>, vector<16xf32>,
      tpu.vector_store %arg17[%swap3A_445, %swap3A_446], %convert_element_type3A_443 {strides = array<i32>} : memref<16x512xf32, #tpu.memory_space<vmem>>, vector<16xf32>,
      %eq3A_448 = arith.constant 9 : i32
      %eq3A_449 = vector.broadcast %eq3A_448 : i32 to vector<16xi32>
      %eq3A_450 = arith.cmpi eq, %add3A_362, %eq3A_449 : vector<16xi32>
      %convert_element_type3A_451 = arith.extui %eq3A_450 : vector<16xi1> to vector<16xi32>
      %convert_element_type3A_452 = arith.sitofp %convert_element_type3A_451 : vector<16xi32> to vector<16xf32>
      %swap3A_453 = arith.constant 9 : i32
      %swap3A_454 = arith.index_cast %swap3A_453 : i32 to index
      %swap3A_455 = arith.index_cast %add3A_366 : i32 to index
      %swap3A_456 = tpu.vector_load %arg17[%swap3A_454, %swap3A_455] {strides = array<i32>} : memref<16x512xf32, #tpu.memory_space<vmem>>, vector<16xf32>,
      tpu.vector_store %arg17[%swap3A_454, %swap3A_455], %convert_element_type3A_452 {strides = array<i32>} : memref<16x512xf32, #tpu.memory_space<vmem>>, vector<16xf32>,
      %eq3A_457 = arith.constant 10 : i32
      %eq3A_458 = vector.broadcast %eq3A_457 : i32 to vector<16xi32>
      %eq3A_459 = arith.cmpi eq, %add3A_362, %eq3A_458 : vector<16xi32>
      %convert_element_type3A_460 = arith.extui %eq3A_459 : vector<16xi1> to vector<16xi32>
      %convert_element_type3A_461 = arith.sitofp %convert_element_type3A_460 : vector<16xi32> to vector<16xf32>
      %swap3A_462 = arith.constant 10 : i32
      %swap3A_463 = arith.index_cast %swap3A_462 : i32 to index
      %swap3A_464 = arith.index_cast %add3A_366 : i32 to index
      %swap3A_465 = tpu.vector_load %arg17[%swap3A_463, %swap3A_464] {strides = array<i32>} : memref<16x512xf32, #tpu.memory_space<vmem>>, vector<16xf32>,
      tpu.vector_store %arg17[%swap3A_463, %swap3A_464], %convert_element_type3A_461 {strides = array<i32>} : memref<16x512xf32, #tpu.memory_space<vmem>>, vector<16xf32>,
      %eq3A_466 = arith.constant 11 : i32
      %eq3A_467 = vector.broadcast %eq3A_466 : i32 to vector<16xi32>
      %eq3A_468 = arith.cmpi eq, %add3A_362, %eq3A_467 : vector<16xi32>
      %convert_element_type3A_469 = arith.extui %eq3A_468 : vector<16xi1> to vector<16xi32>
      %convert_element_type3A_470 = arith.sitofp %convert_element_type3A_469 : vector<16xi32> to vector<16xf32>
      %swap3A_471 = arith.constant 11 : i32
      %swap3A_472 = arith.index_cast %swap3A_471 : i32 to index
      %swap3A_473 = arith.index_cast %add3A_366 : i32 to index
      %swap3A_474 = tpu.vector_load %arg17[%swap3A_472, %swap3A_473] {strides = array<i32>} : memref<16x512xf32, #tpu.memory_space<vmem>>, vector<16xf32>,
      tpu.vector_store %arg17[%swap3A_472, %swap3A_473], %convert_element_type3A_470 {strides = array<i32>} : memref<16x512xf32, #tpu.memory_space<vmem>>, vector<16xf32>,
      %eq3A_475 = arith.constant 12 : i32
      %eq3A_476 = vector.broadcast %eq3A_475 : i32 to vector<16xi32>
      %eq3A_477 = arith.cmpi eq, %add3A_362, %eq3A_476 : vector<16xi32>
      %convert_element_type3A_478 = arith.extui %eq3A_477 : vector<16xi1> to vector<16xi32>
      %convert_element_type3A_479 = arith.sitofp %convert_element_type3A_478 : vector<16xi32> to vector<16xf32>
      %swap3A_480 = arith.constant 12 : i32
      %swap3A_481 = arith.index_cast %swap3A_480 : i32 to index
      %swap3A_482 = arith.index_cast %add3A_366 : i32 to index
      %swap3A_483 = tpu.vector_load %arg17[%swap3A_481, %swap3A_482] {strides = array<i32>} : memref<16x512xf32, #tpu.memory_space<vmem>>, vector<16xf32>,
      tpu.vector_store %arg17[%swap3A_481, %swap3A_482], %convert_element_type3A_479 {strides = array<i32>} : memref<16x512xf32, #tpu.memory_space<vmem>>, vector<16xf32>,
      %eq3A_484 = arith.constant 13 : i32
      %eq3A_485 = vector.broadcast %eq3A_484 : i32 to vector<16xi32>
      %eq3A_486 = arith.cmpi eq, %add3A_362, %eq3A_485 : vector<16xi32>
      %convert_element_type3A_487 = arith.extui %eq3A_486 : vector<16xi1> to vector<16xi32>
      %convert_element_type3A_488 = arith.sitofp %convert_element_type3A_487 : vector<16xi32> to vector<16xf32>
      %swap3A_489 = arith.constant 13 : i32
      %swap3A_490 = arith.index_cast %swap3A_489 : i32 to index
      %swap3A_491 = arith.index_cast %add3A_366 : i32 to index
      %swap3A_492 = tpu.vector_load %arg17[%swap3A_490, %swap3A_491] {strides = array<i32>} : memref<16x512xf32, #tpu.memory_space<vmem>>, vector<16xf32>,
      tpu.vector_store %arg17[%swap3A_490, %swap3A_491], %convert_element_type3A_488 {strides = array<i32>} : memref<16x512xf32, #tpu.memory_space<vmem>>, vector<16xf32>,
      %broadcast_in_dim3A_493 = arith.constant 0.000000e+00 : f32
      %broadcast_in_dim3A_494 = vector.broadcast %broadcast_in_dim3A_493 : f32 to vector<16xf32>
      %swap3A_495 = arith.constant 14 : i32
      %swap3A_496 = arith.index_cast %swap3A_495 : i32 to index
      %swap3A_497 = arith.index_cast %add3A_366 : i32 to index
      %swap3A_498 = tpu.vector_load %arg17[%swap3A_496, %swap3A_497] {strides = array<i32>} : memref<16x512xf32, #tpu.memory_space<vmem>>, vector<16xf32>,
      tpu.vector_store %arg17[%swap3A_496, %swap3A_497], %broadcast_in_dim3A_494 {strides = array<i32>} : memref<16x512xf32, #tpu.memory_space<vmem>>, vector<16xf32>,
      %broadcast_in_dim3A_499 = arith.constant 0.000000e+00 : f32
      %broadcast_in_dim3A_500 = vector.broadcast %broadcast_in_dim3A_499 : f32 to vector<16xf32>
      %swap3A_501 = arith.constant 15 : i32
      %swap3A_502 = arith.index_cast %swap3A_501 : i32 to index
      %swap3A_503 = arith.index_cast %add3A_366 : i32 to index
      %swap3A_504 = tpu.vector_load %arg17[%swap3A_502, %swap3A_503] {strides = array<i32>} : memref<16x512xf32, #tpu.memory_space<vmem>>, vector<16xf32>,
      tpu.vector_store %arg17[%swap3A_502, %swap3A_503], %broadcast_in_dim3A_500 {strides = array<i32>} : memref<16x512xf32, #tpu.memory_space<vmem>>, vector<16xf32>,
    }
    %scan3A_41 = arith.constant 16 : i32
    %mul3A_42 = arith.constant 32 : i32
    %mul3A_43 = arith.muli %mul3A_0, %mul3A_42 : i32
    "tpu.region"() ({
      %run_scoped3A = tpu.sem_alloc : memref<!tpu.dma_semaphore, #tpu.memory_space<semaphore_mem>>
      %dma_start3A_56 = arith.constant 0 : i32
      %dma_start3A_57 = tpu.memref_slice %arg8[%arg1, %dma_start3A_56, %mul3A_43] : memref<16x16x1024xf32, #tpu.memory_space<hbm>> -> memref<1x16x512xf32, #tpu.memory_space<hbm>>
      %dma_start3A_58 = tpu.memref_squeeze %dma_start3A_57 : memref<1x16x512xf32, #tpu.memory_space<hbm>> -> memref<16x512xf32, #tpu.memory_space<hbm>>
      %dma_start3A_59 = arith.constant 0 : i32
      %dma_start3A_60 = tpu.memref_slice %arg8[%arg1, %dma_start3A_59, %mul3A_43] : memref<16x16x1024xf32, #tpu.memory_space<hbm>> -> memref<1x16x512xf32, #tpu.memory_space<hbm>>
      %dma_start3A_61 = tpu.memref_squeeze %dma_start3A_60 : memref<1x16x512xf32, #tpu.memory_space<hbm>> -> memref<16x512xf32, #tpu.memory_space<hbm>>
      tpu.enqueue_dma source(%arg17 : memref<16x512xf32, #tpu.memory_space<vmem>>) target(%dma_start3A_61 : memref<16x512xf32, #tpu.memory_space<hbm>>) target_semaphore(%run_scoped3A : memref<!tpu.dma_semaphore, #tpu.memory_space<semaphore_mem>>)
      %dma_wait3A_62 = arith.constant 0 : i32
      %dma_wait3A_63 = tpu.memref_slice %arg8[%arg1, %dma_wait3A_62, %mul3A_43] : memref<16x16x1024xf32, #tpu.memory_space<hbm>> -> memref<1x16x512xf32, #tpu.memory_space<hbm>>
      %dma_wait3A_64 = tpu.memref_squeeze %dma_wait3A_63 : memref<1x16x512xf32, #tpu.memory_space<hbm>> -> memref<16x512xf32, #tpu.memory_space<hbm>>
      %dma_wait3A_65 = arith.constant 0 : i32
      %dma_wait3A_66 = tpu.memref_slice %arg8[%arg1, %dma_wait3A_65, %mul3A_43] : memref<16x16x1024xf32, #tpu.memory_space<hbm>> -> memref<1x16x512xf32, #tpu.memory_space<hbm>>
      %dma_wait3A_67 = tpu.memref_squeeze %dma_wait3A_66 : memref<1x16x512xf32, #tpu.memory_space<hbm>> -> memref<16x512xf32, #tpu.memory_space<hbm>>
      tpu.wait_dma2 semaphore(%run_scoped3A : memref<!tpu.dma_semaphore, #tpu.memory_space<semaphore_mem>>) src(%arg17 : memref<16x512xf32, #tpu.memory_space<vmem>>) dst(%dma_wait3A_67 : memref<16x512xf32, #tpu.memory_space<hbm>>)
      tpu.yield
    }) : () -> ()
    %dma_wait3A_44 = arith.constant 0 : i32
    %dma_wait3A_45 = arith.constant 0 : i32
    %dma_wait3A_46 = tpu.memref_slice %arg2[%dma_wait3A_44, %dma_wait3A_45] : memref<8192x768xf32, #tpu.memory_space<hbm>> -> memref<8192x768xf32, #tpu.memory_space<hbm>>
    tpu.wait_indirect_dma semaphore(%arg18 : memref<!tpu.dma_semaphore, #tpu.memory_space<semaphore_mem>>) src(%dma_wait3A_46 : memref<8192x768xf32, #tpu.memory_space<hbm>>) dst(%arg15 : memref<16x768xf32, #tpu.memory_space<vmem>>)
    %dma_wait3A_47 = arith.constant 0 : i32
    %dma_wait3A_48 = arith.constant 0 : i32
    %dma_wait3A_49 = tpu.memref_slice %arg2[%dma_wait3A_47, %dma_wait3A_48] : memref<8192x768xf32, #tpu.memory_space<hbm>> -> memref<8192x768xf32, #tpu.memory_space<hbm>>
    tpu.wait_indirect_dma semaphore(%arg18 : memref<!tpu.dma_semaphore, #tpu.memory_space<semaphore_mem>>) src(%dma_wait3A_49 : memref<8192x768xf32, #tpu.memory_space<hbm>>) dst(%arg16 : memref<16x768xf32, #tpu.memory_space<vmem>>)
    %mul3A_50 = arith.constant 64 : i32
    %mul3A_51 = arith.muli %arg1, %mul3A_50 : i32
    %add3A_52 = arith.addi %mul3A_51, %mul3A_0 : i32
    "tpu.region"() ({
      %run_scoped3A = tpu.sem_alloc : memref<!tpu.dma_semaphore, #tpu.memory_space<semaphore_mem>>
      %dma_start3A_56 = arith.constant 0 : i32
      %dma_start3A_57 = tpu.memref_slice %arg7[%add3A_52, %dma_start3A_56] : memref<1024x768xf32, #tpu.memory_space<hbm>> -> memref<16x768xf32, #tpu.memory_space<hbm>>
      %dma_start3A_58 = arith.constant 0 : i32
      %dma_start3A_59 = tpu.memref_slice %arg7[%add3A_52, %dma_start3A_58] : memref<1024x768xf32, #tpu.memory_space<hbm>> -> memref<16x768xf32, #tpu.memory_space<hbm>>
      tpu.enqueue_dma source(%arg15 : memref<16x768xf32, #tpu.memory_space<vmem>>) target(%dma_start3A_59 : memref<16x768xf32, #tpu.memory_space<hbm>>) target_semaphore(%run_scoped3A : memref<!tpu.dma_semaphore, #tpu.memory_space<semaphore_mem>>)
      %dma_wait3A_60 = arith.constant 0 : i32
      %dma_wait3A_61 = tpu.memref_slice %arg7[%add3A_52, %dma_wait3A_60] : memref<1024x768xf32, #tpu.memory_space<hbm>> -> memref<16x768xf32, #tpu.memory_space<hbm>>
      %dma_wait3A_62 = arith.constant 0 : i32
      %dma_wait3A_63 = tpu.memref_slice %arg7[%add3A_52, %dma_wait3A_62] : memref<1024x768xf32, #tpu.memory_space<hbm>> -> memref<16x768xf32, #tpu.memory_space<hbm>>
      tpu.wait_dma2 semaphore(%run_scoped3A : memref<!tpu.dma_semaphore, #tpu.memory_space<semaphore_mem>>) src(%arg15 : memref<16x768xf32, #tpu.memory_space<vmem>>) dst(%dma_wait3A_63 : memref<16x768xf32, #tpu.memory_space<hbm>>)
      tpu.yield
    }) : () -> ()
    %add3A_53 = arith.constant 32 : i32
    %add3A_54 = arith.addi %mul3A_51, %add3A_53 : i32
    %add3A_55 = arith.addi %add3A_54, %mul3A_0 : i32
    "tpu.region"() ({
      %run_scoped3A = tpu.sem_alloc : memref<!tpu.dma_semaphore, #tpu.memory_space<semaphore_mem>>
      %dma_start3A_56 = arith.constant 0 : i32
      %dma_start3A_57 = tpu.memref_slice %arg7[%add3A_55, %dma_start3A_56] : memref<1024x768xf32, #tpu.memory_space<hbm>> -> memref<16x768xf32, #tpu.memory_space<hbm>>
      %dma_start3A_58 = arith.constant 0 : i32
      %dma_start3A_59 = tpu.memref_slice %arg7[%add3A_55, %dma_start3A_58] : memref<1024x768xf32, #tpu.memory_space<hbm>> -> memref<16x768xf32, #tpu.memory_space<hbm>>
      tpu.enqueue_dma source(%arg16 : memref<16x768xf32, #tpu.memory_space<vmem>>) target(%dma_start3A_59 : memref<16x768xf32, #tpu.memory_space<hbm>>) target_semaphore(%run_scoped3A : memref<!tpu.dma_semaphore, #tpu.memory_space<semaphore_mem>>)
      %dma_wait3A_60 = arith.constant 0 : i32
      %dma_wait3A_61 = tpu.memref_slice %arg7[%add3A_55, %dma_wait3A_60] : memref<1024x768xf32, #tpu.memory_space<hbm>> -> memref<16x768xf32, #tpu.memory_space<hbm>>
      %dma_wait3A_62 = arith.constant 0 : i32
      %dma_wait3A_63 = tpu.memref_slice %arg7[%add3A_55, %dma_wait3A_62] : memref<1024x768xf32, #tpu.memory_space<hbm>> -> memref<16x768xf32, #tpu.memory_space<hbm>>
      tpu.wait_dma2 semaphore(%run_scoped3A : memref<!tpu.dma_semaphore, #tpu.memory_space<semaphore_mem>>) src(%arg16 : memref<16x768xf32, #tpu.memory_space<vmem>>) dst(%dma_wait3A_63 : memref<16x768xf32, #tpu.memory_space<hbm>>)
      tpu.yield
    }) : () -> ()
    return
  }
}

module attributes {stable_mosaic.version = 14 : i64} {
  func.func @tc_body(%arg0: i32, %arg1: memref<64x768xf32, #tpu.memory_space<vmem>>, %arg2: memref<1x16x1024xf32, #tpu.memory_space<vmem>>, %arg3: memref<16x128xf32, #tpu.memory_space<vmem>>, %arg4: memref<1x1x32xi32, #tpu.memory_space<vmem>>, %arg5: memref<1x1x32xi32, #tpu.memory_space<vmem>>, %arg6: memref<1x1024x1664xf32, #tpu.memory_space<vmem>>, %arg7: memref<1x2x1024xi32, #tpu.memory_space<vmem>>) attributes {dimension_semantics = [#tpu.dimension_semantics<arbitrary>], iteration_bounds = array<i64: 16>, scalar_prefetch = 0 : i64, scratch_operands = 0 : i64, tpu.core_type = #tpu.core_type<tc>, window_params = [{transform_indices = @transform_0, window_bounds = array<i64: 64, 768>}, {transform_indices = @transform_1, window_bounds = array<i64: 1, 16, 1024>}, {pipeline_mode = #tpu.pipeline_mode<synchronous>, transform_indices = @transform_2, window_bounds = array<i64: 16, 128>}, {transform_indices = @transform_3, window_bounds = array<i64: 1, 1, 32>}, {transform_indices = @transform_4, window_bounds = array<i64: 1, 1, 32>}, {transform_indices = @transform_5, window_bounds = array<i64: 1, 1024, 1664>}, {transform_indices = @transform_6, window_bounds = array<i64: 1, 2, 1024>}]} {
    %get3A = arith.constant 32 : index
    %get3A_0 = arith.constant 0 : index
    %get3A_1 = vector.load %arg1[%get3A, %get3A_0] : memref<64x768xf32, #tpu.memory_space<vmem>>, vector<32x768xf32>
    %get3A_2 = arith.constant 0 : index
    %get3A_3 = arith.constant 0 : index
    %get3A_4 = vector.load %arg1[%get3A_2, %get3A_3] : memref<64x768xf32, #tpu.memory_space<vmem>>, vector<1x768xf32>
    %broadcast_in_dim3A = vector.shape_cast %get3A_4 : vector<1x768xf32> to vector<1x768xf32>
    %broadcast_in_dim3A_5 = vector.broadcast %broadcast_in_dim3A : vector<1x768xf32> to vector<32x768xf32>
    %swap3A = arith.constant 0 : index
    %swap3A_6 = arith.constant 0 : index
    %swap3A_7 = arith.constant 0 : index
    %swap3A_8 = vector.load %arg6[%swap3A, %swap3A_6, %swap3A_7] : memref<1x1024x1664xf32, #tpu.memory_space<vmem>>, vector<1x32x768xf32>
    %swap3A_9 = vector.shape_cast %swap3A_8 : vector<1x32x768xf32> to vector<32x768xf32>
    %swap3A_10 = vector.shape_cast %broadcast_in_dim3A_5 : vector<32x768xf32> to vector<1x32x768xf32>
    tpu.vector_store %arg6[%swap3A, %swap3A_6, %swap3A_7], %swap3A_10 {strides = array<i32>} : memref<1x1024x1664xf32, #tpu.memory_space<vmem>>, vector<1x32x768xf32>,
    %swap3A_11 = arith.constant 0 : index
    %swap3A_12 = arith.constant 0 : index
    %swap3A_13 = arith.constant 768 : index
    %swap3A_14 = vector.load %arg6[%swap3A_11, %swap3A_12, %swap3A_13] : memref<1x1024x1664xf32, #tpu.memory_space<vmem>>, vector<1x32x768xf32>
    %swap3A_15 = vector.shape_cast %swap3A_14 : vector<1x32x768xf32> to vector<32x768xf32>
    %swap3A_16 = vector.shape_cast %get3A_1 : vector<32x768xf32> to vector<1x32x768xf32>
    tpu.vector_store %arg6[%swap3A_11, %swap3A_12, %swap3A_13], %swap3A_16 {strides = array<i32>} : memref<1x1024x1664xf32, #tpu.memory_space<vmem>>, vector<1x32x768xf32>,
    %get3A_17 = arith.constant 1 : index
    %get3A_18 = arith.constant 0 : index
    %get3A_19 = vector.load %arg1[%get3A_17, %get3A_18] : memref<64x768xf32, #tpu.memory_space<vmem>>, vector<1x768xf32>
    %broadcast_in_dim3A_20 = vector.shape_cast %get3A_19 : vector<1x768xf32> to vector<1x768xf32>
    %broadcast_in_dim3A_21 = vector.broadcast %broadcast_in_dim3A_20 : vector<1x768xf32> to vector<32x768xf32>
    %swap3A_22 = arith.constant 0 : index
    %swap3A_23 = arith.constant 32 : index
    %swap3A_24 = arith.constant 0 : index
    %swap3A_25 = vector.load %arg6[%swap3A_22, %swap3A_23, %swap3A_24] : memref<1x1024x1664xf32, #tpu.memory_space<vmem>>, vector<1x32x768xf32>
    %swap3A_26 = vector.shape_cast %swap3A_25 : vector<1x32x768xf32> to vector<32x768xf32>
    %swap3A_27 = vector.shape_cast %broadcast_in_dim3A_21 : vector<32x768xf32> to vector<1x32x768xf32>
    tpu.vector_store %arg6[%swap3A_22, %swap3A_23, %swap3A_24], %swap3A_27 {strides = array<i32>} : memref<1x1024x1664xf32, #tpu.memory_space<vmem>>, vector<1x32x768xf32>,
    %swap3A_28 = arith.constant 0 : index
    %swap3A_29 = arith.constant 32 : index
    %swap3A_30 = arith.constant 768 : index
    %swap3A_31 = vector.load %arg6[%swap3A_28, %swap3A_29, %swap3A_30] : memref<1x1024x1664xf32, #tpu.memory_space<vmem>>, vector<1x32x768xf32>
    %swap3A_32 = vector.shape_cast %swap3A_31 : vector<1x32x768xf32> to vector<32x768xf32>
    %swap3A_33 = vector.shape_cast %get3A_1 : vector<32x768xf32> to vector<1x32x768xf32>
    tpu.vector_store %arg6[%swap3A_28, %swap3A_29, %swap3A_30], %swap3A_33 {strides = array<i32>} : memref<1x1024x1664xf32, #tpu.memory_space<vmem>>, vector<1x32x768xf32>,
    %get3A_34 = arith.constant 2 : index
    %get3A_35 = arith.constant 0 : index
    %get3A_36 = vector.load %arg1[%get3A_34, %get3A_35] : memref<64x768xf32, #tpu.memory_space<vmem>>, vector<1x768xf32>
    %broadcast_in_dim3A_37 = vector.shape_cast %get3A_36 : vector<1x768xf32> to vector<1x768xf32>
    %broadcast_in_dim3A_38 = vector.broadcast %broadcast_in_dim3A_37 : vector<1x768xf32> to vector<32x768xf32>
    %swap3A_39 = arith.constant 0 : index
    %swap3A_40 = arith.constant 64 : index
    %swap3A_41 = arith.constant 0 : index
    %swap3A_42 = vector.load %arg6[%swap3A_39, %swap3A_40, %swap3A_41] : memref<1x1024x1664xf32, #tpu.memory_space<vmem>>, vector<1x32x768xf32>
    %swap3A_43 = vector.shape_cast %swap3A_42 : vector<1x32x768xf32> to vector<32x768xf32>
    %swap3A_44 = vector.shape_cast %broadcast_in_dim3A_38 : vector<32x768xf32> to vector<1x32x768xf32>
    tpu.vector_store %arg6[%swap3A_39, %swap3A_40, %swap3A_41], %swap3A_44 {strides = array<i32>} : memref<1x1024x1664xf32, #tpu.memory_space<vmem>>, vector<1x32x768xf32>,
    %swap3A_45 = arith.constant 0 : index
    %swap3A_46 = arith.constant 64 : index
    %swap3A_47 = arith.constant 768 : index
    %swap3A_48 = vector.load %arg6[%swap3A_45, %swap3A_46, %swap3A_47] : memref<1x1024x1664xf32, #tpu.memory_space<vmem>>, vector<1x32x768xf32>
    %swap3A_49 = vector.shape_cast %swap3A_48 : vector<1x32x768xf32> to vector<32x768xf32>
    %swap3A_50 = vector.shape_cast %get3A_1 : vector<32x768xf32> to vector<1x32x768xf32>
    tpu.vector_store %arg6[%swap3A_45, %swap3A_46, %swap3A_47], %swap3A_50 {strides = array<i32>} : memref<1x1024x1664xf32, #tpu.memory_space<vmem>>, vector<1x32x768xf32>,
    %get3A_51 = arith.constant 3 : index
    %get3A_52 = arith.constant 0 : index
    %get3A_53 = vector.load %arg1[%get3A_51, %get3A_52] : memref<64x768xf32, #tpu.memory_space<vmem>>, vector<1x768xf32>
    %broadcast_in_dim3A_54 = vector.shape_cast %get3A_53 : vector<1x768xf32> to vector<1x768xf32>
    %broadcast_in_dim3A_55 = vector.broadcast %broadcast_in_dim3A_54 : vector<1x768xf32> to vector<32x768xf32>
    %swap3A_56 = arith.constant 0 : index
    %swap3A_57 = arith.constant 96 : index
    %swap3A_58 = arith.constant 0 : index
    %swap3A_59 = vector.load %arg6[%swap3A_56, %swap3A_57, %swap3A_58] : memref<1x1024x1664xf32, #tpu.memory_space<vmem>>, vector<1x32x768xf32>
    %swap3A_60 = vector.shape_cast %swap3A_59 : vector<1x32x768xf32> to vector<32x768xf32>
    %swap3A_61 = vector.shape_cast %broadcast_in_dim3A_55 : vector<32x768xf32> to vector<1x32x768xf32>
    tpu.vector_store %arg6[%swap3A_56, %swap3A_57, %swap3A_58], %swap3A_61 {strides = array<i32>} : memref<1x1024x1664xf32, #tpu.memory_space<vmem>>, vector<1x32x768xf32>,
    %swap3A_62 = arith.constant 0 : index
    %swap3A_63 = arith.constant 96 : index
    %swap3A_64 = arith.constant 768 : index
    %swap3A_65 = vector.load %arg6[%swap3A_62, %swap3A_63, %swap3A_64] : memref<1x1024x1664xf32, #tpu.memory_space<vmem>>, vector<1x32x768xf32>
    %swap3A_66 = vector.shape_cast %swap3A_65 : vector<1x32x768xf32> to vector<32x768xf32>
    %swap3A_67 = vector.shape_cast %get3A_1 : vector<32x768xf32> to vector<1x32x768xf32>
    tpu.vector_store %arg6[%swap3A_62, %swap3A_63, %swap3A_64], %swap3A_67 {strides = array<i32>} : memref<1x1024x1664xf32, #tpu.memory_space<vmem>>, vector<1x32x768xf32>,
    %get3A_68 = arith.constant 4 : index
    %get3A_69 = arith.constant 0 : index
    %get3A_70 = vector.load %arg1[%get3A_68, %get3A_69] : memref<64x768xf32, #tpu.memory_space<vmem>>, vector<1x768xf32>
    %broadcast_in_dim3A_71 = vector.shape_cast %get3A_70 : vector<1x768xf32> to vector<1x768xf32>
    %broadcast_in_dim3A_72 = vector.broadcast %broadcast_in_dim3A_71 : vector<1x768xf32> to vector<32x768xf32>
    %swap3A_73 = arith.constant 0 : index
    %swap3A_74 = arith.constant 128 : index
    %swap3A_75 = arith.constant 0 : index
    %swap3A_76 = vector.load %arg6[%swap3A_73, %swap3A_74, %swap3A_75] : memref<1x1024x1664xf32, #tpu.memory_space<vmem>>, vector<1x32x768xf32>
    %swap3A_77 = vector.shape_cast %swap3A_76 : vector<1x32x768xf32> to vector<32x768xf32>
    %swap3A_78 = vector.shape_cast %broadcast_in_dim3A_72 : vector<32x768xf32> to vector<1x32x768xf32>
    tpu.vector_store %arg6[%swap3A_73, %swap3A_74, %swap3A_75], %swap3A_78 {strides = array<i32>} : memref<1x1024x1664xf32, #tpu.memory_space<vmem>>, vector<1x32x768xf32>,
    %swap3A_79 = arith.constant 0 : index
    %swap3A_80 = arith.constant 128 : index
    %swap3A_81 = arith.constant 768 : index
    %swap3A_82 = vector.load %arg6[%swap3A_79, %swap3A_80, %swap3A_81] : memref<1x1024x1664xf32, #tpu.memory_space<vmem>>, vector<1x32x768xf32>
    %swap3A_83 = vector.shape_cast %swap3A_82 : vector<1x32x768xf32> to vector<32x768xf32>
    %swap3A_84 = vector.shape_cast %get3A_1 : vector<32x768xf32> to vector<1x32x768xf32>
    tpu.vector_store %arg6[%swap3A_79, %swap3A_80, %swap3A_81], %swap3A_84 {strides = array<i32>} : memref<1x1024x1664xf32, #tpu.memory_space<vmem>>, vector<1x32x768xf32>,
    %get3A_85 = arith.constant 5 : index
    %get3A_86 = arith.constant 0 : index
    %get3A_87 = vector.load %arg1[%get3A_85, %get3A_86] : memref<64x768xf32, #tpu.memory_space<vmem>>, vector<1x768xf32>
    %broadcast_in_dim3A_88 = vector.shape_cast %get3A_87 : vector<1x768xf32> to vector<1x768xf32>
    %broadcast_in_dim3A_89 = vector.broadcast %broadcast_in_dim3A_88 : vector<1x768xf32> to vector<32x768xf32>
    %swap3A_90 = arith.constant 0 : index
    %swap3A_91 = arith.constant 160 : index
    %swap3A_92 = arith.constant 0 : index
    %swap3A_93 = vector.load %arg6[%swap3A_90, %swap3A_91, %swap3A_92] : memref<1x1024x1664xf32, #tpu.memory_space<vmem>>, vector<1x32x768xf32>
    %swap3A_94 = vector.shape_cast %swap3A_93 : vector<1x32x768xf32> to vector<32x768xf32>
    %swap3A_95 = vector.shape_cast %broadcast_in_dim3A_89 : vector<32x768xf32> to vector<1x32x768xf32>
    tpu.vector_store %arg6[%swap3A_90, %swap3A_91, %swap3A_92], %swap3A_95 {strides = array<i32>} : memref<1x1024x1664xf32, #tpu.memory_space<vmem>>, vector<1x32x768xf32>,
    %swap3A_96 = arith.constant 0 : index
    %swap3A_97 = arith.constant 160 : index
    %swap3A_98 = arith.constant 768 : index
    %swap3A_99 = vector.load %arg6[%swap3A_96, %swap3A_97, %swap3A_98] : memref<1x1024x1664xf32, #tpu.memory_space<vmem>>, vector<1x32x768xf32>
    %swap3A_100 = vector.shape_cast %swap3A_99 : vector<1x32x768xf32> to vector<32x768xf32>
    %swap3A_101 = vector.shape_cast %get3A_1 : vector<32x768xf32> to vector<1x32x768xf32>
    tpu.vector_store %arg6[%swap3A_96, %swap3A_97, %swap3A_98], %swap3A_101 {strides = array<i32>} : memref<1x1024x1664xf32, #tpu.memory_space<vmem>>, vector<1x32x768xf32>,
    %get3A_102 = arith.constant 6 : index
    %get3A_103 = arith.constant 0 : index
    %get3A_104 = vector.load %arg1[%get3A_102, %get3A_103] : memref<64x768xf32, #tpu.memory_space<vmem>>, vector<1x768xf32>
    %broadcast_in_dim3A_105 = vector.shape_cast %get3A_104 : vector<1x768xf32> to vector<1x768xf32>
    %broadcast_in_dim3A_106 = vector.broadcast %broadcast_in_dim3A_105 : vector<1x768xf32> to vector<32x768xf32>
    %swap3A_107 = arith.constant 0 : index
    %swap3A_108 = arith.constant 192 : index
    %swap3A_109 = arith.constant 0 : index
    %swap3A_110 = vector.load %arg6[%swap3A_107, %swap3A_108, %swap3A_109] : memref<1x1024x1664xf32, #tpu.memory_space<vmem>>, vector<1x32x768xf32>
    %swap3A_111 = vector.shape_cast %swap3A_110 : vector<1x32x768xf32> to vector<32x768xf32>
    %swap3A_112 = vector.shape_cast %broadcast_in_dim3A_106 : vector<32x768xf32> to vector<1x32x768xf32>
    tpu.vector_store %arg6[%swap3A_107, %swap3A_108, %swap3A_109], %swap3A_112 {strides = array<i32>} : memref<1x1024x1664xf32, #tpu.memory_space<vmem>>, vector<1x32x768xf32>,
    %swap3A_113 = arith.constant 0 : index
    %swap3A_114 = arith.constant 192 : index
    %swap3A_115 = arith.constant 768 : index
    %swap3A_116 = vector.load %arg6[%swap3A_113, %swap3A_114, %swap3A_115] : memref<1x1024x1664xf32, #tpu.memory_space<vmem>>, vector<1x32x768xf32>
    %swap3A_117 = vector.shape_cast %swap3A_116 : vector<1x32x768xf32> to vector<32x768xf32>
    %swap3A_118 = vector.shape_cast %get3A_1 : vector<32x768xf32> to vector<1x32x768xf32>
    tpu.vector_store %arg6[%swap3A_113, %swap3A_114, %swap3A_115], %swap3A_118 {strides = array<i32>} : memref<1x1024x1664xf32, #tpu.memory_space<vmem>>, vector<1x32x768xf32>,
    %get3A_119 = arith.constant 7 : index
    %get3A_120 = arith.constant 0 : index
    %get3A_121 = vector.load %arg1[%get3A_119, %get3A_120] : memref<64x768xf32, #tpu.memory_space<vmem>>, vector<1x768xf32>
    %broadcast_in_dim3A_122 = vector.shape_cast %get3A_121 : vector<1x768xf32> to vector<1x768xf32>
    %broadcast_in_dim3A_123 = vector.broadcast %broadcast_in_dim3A_122 : vector<1x768xf32> to vector<32x768xf32>
    %swap3A_124 = arith.constant 0 : index
    %swap3A_125 = arith.constant 224 : index
    %swap3A_126 = arith.constant 0 : index
    %swap3A_127 = vector.load %arg6[%swap3A_124, %swap3A_125, %swap3A_126] : memref<1x1024x1664xf32, #tpu.memory_space<vmem>>, vector<1x32x768xf32>
    %swap3A_128 = vector.shape_cast %swap3A_127 : vector<1x32x768xf32> to vector<32x768xf32>
    %swap3A_129 = vector.shape_cast %broadcast_in_dim3A_123 : vector<32x768xf32> to vector<1x32x768xf32>
    tpu.vector_store %arg6[%swap3A_124, %swap3A_125, %swap3A_126], %swap3A_129 {strides = array<i32>} : memref<1x1024x1664xf32, #tpu.memory_space<vmem>>, vector<1x32x768xf32>,
    %swap3A_130 = arith.constant 0 : index
    %swap3A_131 = arith.constant 224 : index
    %swap3A_132 = arith.constant 768 : index
    %swap3A_133 = vector.load %arg6[%swap3A_130, %swap3A_131, %swap3A_132] : memref<1x1024x1664xf32, #tpu.memory_space<vmem>>, vector<1x32x768xf32>
    %swap3A_134 = vector.shape_cast %swap3A_133 : vector<1x32x768xf32> to vector<32x768xf32>
    %swap3A_135 = vector.shape_cast %get3A_1 : vector<32x768xf32> to vector<1x32x768xf32>
    tpu.vector_store %arg6[%swap3A_130, %swap3A_131, %swap3A_132], %swap3A_135 {strides = array<i32>} : memref<1x1024x1664xf32, #tpu.memory_space<vmem>>, vector<1x32x768xf32>,
    %get3A_136 = arith.constant 8 : index
    %get3A_137 = arith.constant 0 : index
    %get3A_138 = vector.load %arg1[%get3A_136, %get3A_137] : memref<64x768xf32, #tpu.memory_space<vmem>>, vector<1x768xf32>
    %broadcast_in_dim3A_139 = vector.shape_cast %get3A_138 : vector<1x768xf32> to vector<1x768xf32>
    %broadcast_in_dim3A_140 = vector.broadcast %broadcast_in_dim3A_139 : vector<1x768xf32> to vector<32x768xf32>
    %swap3A_141 = arith.constant 0 : index
    %swap3A_142 = arith.constant 256 : index
    %swap3A_143 = arith.constant 0 : index
    %swap3A_144 = vector.load %arg6[%swap3A_141, %swap3A_142, %swap3A_143] : memref<1x1024x1664xf32, #tpu.memory_space<vmem>>, vector<1x32x768xf32>
    %swap3A_145 = vector.shape_cast %swap3A_144 : vector<1x32x768xf32> to vector<32x768xf32>
    %swap3A_146 = vector.shape_cast %broadcast_in_dim3A_140 : vector<32x768xf32> to vector<1x32x768xf32>
    tpu.vector_store %arg6[%swap3A_141, %swap3A_142, %swap3A_143], %swap3A_146 {strides = array<i32>} : memref<1x1024x1664xf32, #tpu.memory_space<vmem>>, vector<1x32x768xf32>,
    %swap3A_147 = arith.constant 0 : index
    %swap3A_148 = arith.constant 256 : index
    %swap3A_149 = arith.constant 768 : index
    %swap3A_150 = vector.load %arg6[%swap3A_147, %swap3A_148, %swap3A_149] : memref<1x1024x1664xf32, #tpu.memory_space<vmem>>, vector<1x32x768xf32>
    %swap3A_151 = vector.shape_cast %swap3A_150 : vector<1x32x768xf32> to vector<32x768xf32>
    %swap3A_152 = vector.shape_cast %get3A_1 : vector<32x768xf32> to vector<1x32x768xf32>
    tpu.vector_store %arg6[%swap3A_147, %swap3A_148, %swap3A_149], %swap3A_152 {strides = array<i32>} : memref<1x1024x1664xf32, #tpu.memory_space<vmem>>, vector<1x32x768xf32>,
    %get3A_153 = arith.constant 9 : index
    %get3A_154 = arith.constant 0 : index
    %get3A_155 = vector.load %arg1[%get3A_153, %get3A_154] : memref<64x768xf32, #tpu.memory_space<vmem>>, vector<1x768xf32>
    %broadcast_in_dim3A_156 = vector.shape_cast %get3A_155 : vector<1x768xf32> to vector<1x768xf32>
    %broadcast_in_dim3A_157 = vector.broadcast %broadcast_in_dim3A_156 : vector<1x768xf32> to vector<32x768xf32>
    %swap3A_158 = arith.constant 0 : index
    %swap3A_159 = arith.constant 288 : index
    %swap3A_160 = arith.constant 0 : index
    %swap3A_161 = vector.load %arg6[%swap3A_158, %swap3A_159, %swap3A_160] : memref<1x1024x1664xf32, #tpu.memory_space<vmem>>, vector<1x32x768xf32>
    %swap3A_162 = vector.shape_cast %swap3A_161 : vector<1x32x768xf32> to vector<32x768xf32>
    %swap3A_163 = vector.shape_cast %broadcast_in_dim3A_157 : vector<32x768xf32> to vector<1x32x768xf32>
    tpu.vector_store %arg6[%swap3A_158, %swap3A_159, %swap3A_160], %swap3A_163 {strides = array<i32>} : memref<1x1024x1664xf32, #tpu.memory_space<vmem>>, vector<1x32x768xf32>,
    %swap3A_164 = arith.constant 0 : index
    %swap3A_165 = arith.constant 288 : index
    %swap3A_166 = arith.constant 768 : index
    %swap3A_167 = vector.load %arg6[%swap3A_164, %swap3A_165, %swap3A_166] : memref<1x1024x1664xf32, #tpu.memory_space<vmem>>, vector<1x32x768xf32>
    %swap3A_168 = vector.shape_cast %swap3A_167 : vector<1x32x768xf32> to vector<32x768xf32>
    %swap3A_169 = vector.shape_cast %get3A_1 : vector<32x768xf32> to vector<1x32x768xf32>
    tpu.vector_store %arg6[%swap3A_164, %swap3A_165, %swap3A_166], %swap3A_169 {strides = array<i32>} : memref<1x1024x1664xf32, #tpu.memory_space<vmem>>, vector<1x32x768xf32>,
    %get3A_170 = arith.constant 10 : index
    %get3A_171 = arith.constant 0 : index
    %get3A_172 = vector.load %arg1[%get3A_170, %get3A_171] : memref<64x768xf32, #tpu.memory_space<vmem>>, vector<1x768xf32>
    %broadcast_in_dim3A_173 = vector.shape_cast %get3A_172 : vector<1x768xf32> to vector<1x768xf32>
    %broadcast_in_dim3A_174 = vector.broadcast %broadcast_in_dim3A_173 : vector<1x768xf32> to vector<32x768xf32>
    %swap3A_175 = arith.constant 0 : index
    %swap3A_176 = arith.constant 320 : index
    %swap3A_177 = arith.constant 0 : index
    %swap3A_178 = vector.load %arg6[%swap3A_175, %swap3A_176, %swap3A_177] : memref<1x1024x1664xf32, #tpu.memory_space<vmem>>, vector<1x32x768xf32>
    %swap3A_179 = vector.shape_cast %swap3A_178 : vector<1x32x768xf32> to vector<32x768xf32>
    %swap3A_180 = vector.shape_cast %broadcast_in_dim3A_174 : vector<32x768xf32> to vector<1x32x768xf32>
    tpu.vector_store %arg6[%swap3A_175, %swap3A_176, %swap3A_177], %swap3A_180 {strides = array<i32>} : memref<1x1024x1664xf32, #tpu.memory_space<vmem>>, vector<1x32x768xf32>,
    %swap3A_181 = arith.constant 0 : index
    %swap3A_182 = arith.constant 320 : index
    %swap3A_183 = arith.constant 768 : index
    %swap3A_184 = vector.load %arg6[%swap3A_181, %swap3A_182, %swap3A_183] : memref<1x1024x1664xf32, #tpu.memory_space<vmem>>, vector<1x32x768xf32>
    %swap3A_185 = vector.shape_cast %swap3A_184 : vector<1x32x768xf32> to vector<32x768xf32>
    %swap3A_186 = vector.shape_cast %get3A_1 : vector<32x768xf32> to vector<1x32x768xf32>
    tpu.vector_store %arg6[%swap3A_181, %swap3A_182, %swap3A_183], %swap3A_186 {strides = array<i32>} : memref<1x1024x1664xf32, #tpu.memory_space<vmem>>, vector<1x32x768xf32>,
    %get3A_187 = arith.constant 11 : index
    %get3A_188 = arith.constant 0 : index
    %get3A_189 = vector.load %arg1[%get3A_187, %get3A_188] : memref<64x768xf32, #tpu.memory_space<vmem>>, vector<1x768xf32>
    %broadcast_in_dim3A_190 = vector.shape_cast %get3A_189 : vector<1x768xf32> to vector<1x768xf32>
    %broadcast_in_dim3A_191 = vector.broadcast %broadcast_in_dim3A_190 : vector<1x768xf32> to vector<32x768xf32>
    %swap3A_192 = arith.constant 0 : index
    %swap3A_193 = arith.constant 352 : index
    %swap3A_194 = arith.constant 0 : index
    %swap3A_195 = vector.load %arg6[%swap3A_192, %swap3A_193, %swap3A_194] : memref<1x1024x1664xf32, #tpu.memory_space<vmem>>, vector<1x32x768xf32>
    %swap3A_196 = vector.shape_cast %swap3A_195 : vector<1x32x768xf32> to vector<32x768xf32>
    %swap3A_197 = vector.shape_cast %broadcast_in_dim3A_191 : vector<32x768xf32> to vector<1x32x768xf32>
    tpu.vector_store %arg6[%swap3A_192, %swap3A_193, %swap3A_194], %swap3A_197 {strides = array<i32>} : memref<1x1024x1664xf32, #tpu.memory_space<vmem>>, vector<1x32x768xf32>,
    %swap3A_198 = arith.constant 0 : index
    %swap3A_199 = arith.constant 352 : index
    %swap3A_200 = arith.constant 768 : index
    %swap3A_201 = vector.load %arg6[%swap3A_198, %swap3A_199, %swap3A_200] : memref<1x1024x1664xf32, #tpu.memory_space<vmem>>, vector<1x32x768xf32>
    %swap3A_202 = vector.shape_cast %swap3A_201 : vector<1x32x768xf32> to vector<32x768xf32>
    %swap3A_203 = vector.shape_cast %get3A_1 : vector<32x768xf32> to vector<1x32x768xf32>
    tpu.vector_store %arg6[%swap3A_198, %swap3A_199, %swap3A_200], %swap3A_203 {strides = array<i32>} : memref<1x1024x1664xf32, #tpu.memory_space<vmem>>, vector<1x32x768xf32>,
    %get3A_204 = arith.constant 12 : index
    %get3A_205 = arith.constant 0 : index
    %get3A_206 = vector.load %arg1[%get3A_204, %get3A_205] : memref<64x768xf32, #tpu.memory_space<vmem>>, vector<1x768xf32>
    %broadcast_in_dim3A_207 = vector.shape_cast %get3A_206 : vector<1x768xf32> to vector<1x768xf32>
    %broadcast_in_dim3A_208 = vector.broadcast %broadcast_in_dim3A_207 : vector<1x768xf32> to vector<32x768xf32>
    %swap3A_209 = arith.constant 0 : index
    %swap3A_210 = arith.constant 384 : index
    %swap3A_211 = arith.constant 0 : index
    %swap3A_212 = vector.load %arg6[%swap3A_209, %swap3A_210, %swap3A_211] : memref<1x1024x1664xf32, #tpu.memory_space<vmem>>, vector<1x32x768xf32>
    %swap3A_213 = vector.shape_cast %swap3A_212 : vector<1x32x768xf32> to vector<32x768xf32>
    %swap3A_214 = vector.shape_cast %broadcast_in_dim3A_208 : vector<32x768xf32> to vector<1x32x768xf32>
    tpu.vector_store %arg6[%swap3A_209, %swap3A_210, %swap3A_211], %swap3A_214 {strides = array<i32>} : memref<1x1024x1664xf32, #tpu.memory_space<vmem>>, vector<1x32x768xf32>,
    %swap3A_215 = arith.constant 0 : index
    %swap3A_216 = arith.constant 384 : index
    %swap3A_217 = arith.constant 768 : index
    %swap3A_218 = vector.load %arg6[%swap3A_215, %swap3A_216, %swap3A_217] : memref<1x1024x1664xf32, #tpu.memory_space<vmem>>, vector<1x32x768xf32>
    %swap3A_219 = vector.shape_cast %swap3A_218 : vector<1x32x768xf32> to vector<32x768xf32>
    %swap3A_220 = vector.shape_cast %get3A_1 : vector<32x768xf32> to vector<1x32x768xf32>
    tpu.vector_store %arg6[%swap3A_215, %swap3A_216, %swap3A_217], %swap3A_220 {strides = array<i32>} : memref<1x1024x1664xf32, #tpu.memory_space<vmem>>, vector<1x32x768xf32>,
    %get3A_221 = arith.constant 13 : index
    %get3A_222 = arith.constant 0 : index
    %get3A_223 = vector.load %arg1[%get3A_221, %get3A_222] : memref<64x768xf32, #tpu.memory_space<vmem>>, vector<1x768xf32>
    %broadcast_in_dim3A_224 = vector.shape_cast %get3A_223 : vector<1x768xf32> to vector<1x768xf32>
    %broadcast_in_dim3A_225 = vector.broadcast %broadcast_in_dim3A_224 : vector<1x768xf32> to vector<32x768xf32>
    %swap3A_226 = arith.constant 0 : index
    %swap3A_227 = arith.constant 416 : index
    %swap3A_228 = arith.constant 0 : index
    %swap3A_229 = vector.load %arg6[%swap3A_226, %swap3A_227, %swap3A_228] : memref<1x1024x1664xf32, #tpu.memory_space<vmem>>, vector<1x32x768xf32>
    %swap3A_230 = vector.shape_cast %swap3A_229 : vector<1x32x768xf32> to vector<32x768xf32>
    %swap3A_231 = vector.shape_cast %broadcast_in_dim3A_225 : vector<32x768xf32> to vector<1x32x768xf32>
    tpu.vector_store %arg6[%swap3A_226, %swap3A_227, %swap3A_228], %swap3A_231 {strides = array<i32>} : memref<1x1024x1664xf32, #tpu.memory_space<vmem>>, vector<1x32x768xf32>,
    %swap3A_232 = arith.constant 0 : index
    %swap3A_233 = arith.constant 416 : index
    %swap3A_234 = arith.constant 768 : index
    %swap3A_235 = vector.load %arg6[%swap3A_232, %swap3A_233, %swap3A_234] : memref<1x1024x1664xf32, #tpu.memory_space<vmem>>, vector<1x32x768xf32>
    %swap3A_236 = vector.shape_cast %swap3A_235 : vector<1x32x768xf32> to vector<32x768xf32>
    %swap3A_237 = vector.shape_cast %get3A_1 : vector<32x768xf32> to vector<1x32x768xf32>
    tpu.vector_store %arg6[%swap3A_232, %swap3A_233, %swap3A_234], %swap3A_237 {strides = array<i32>} : memref<1x1024x1664xf32, #tpu.memory_space<vmem>>, vector<1x32x768xf32>,
    %get3A_238 = arith.constant 14 : index
    %get3A_239 = arith.constant 0 : index
    %get3A_240 = vector.load %arg1[%get3A_238, %get3A_239] : memref<64x768xf32, #tpu.memory_space<vmem>>, vector<1x768xf32>
    %broadcast_in_dim3A_241 = vector.shape_cast %get3A_240 : vector<1x768xf32> to vector<1x768xf32>
    %broadcast_in_dim3A_242 = vector.broadcast %broadcast_in_dim3A_241 : vector<1x768xf32> to vector<32x768xf32>
    %swap3A_243 = arith.constant 0 : index
    %swap3A_244 = arith.constant 448 : index
    %swap3A_245 = arith.constant 0 : index
    %swap3A_246 = vector.load %arg6[%swap3A_243, %swap3A_244, %swap3A_245] : memref<1x1024x1664xf32, #tpu.memory_space<vmem>>, vector<1x32x768xf32>
    %swap3A_247 = vector.shape_cast %swap3A_246 : vector<1x32x768xf32> to vector<32x768xf32>
    %swap3A_248 = vector.shape_cast %broadcast_in_dim3A_242 : vector<32x768xf32> to vector<1x32x768xf32>
    tpu.vector_store %arg6[%swap3A_243, %swap3A_244, %swap3A_245], %swap3A_248 {strides = array<i32>} : memref<1x1024x1664xf32, #tpu.memory_space<vmem>>, vector<1x32x768xf32>,
    %swap3A_249 = arith.constant 0 : index
    %swap3A_250 = arith.constant 448 : index
    %swap3A_251 = arith.constant 768 : index
    %swap3A_252 = vector.load %arg6[%swap3A_249, %swap3A_250, %swap3A_251] : memref<1x1024x1664xf32, #tpu.memory_space<vmem>>, vector<1x32x768xf32>
    %swap3A_253 = vector.shape_cast %swap3A_252 : vector<1x32x768xf32> to vector<32x768xf32>
    %swap3A_254 = vector.shape_cast %get3A_1 : vector<32x768xf32> to vector<1x32x768xf32>
    tpu.vector_store %arg6[%swap3A_249, %swap3A_250, %swap3A_251], %swap3A_254 {strides = array<i32>} : memref<1x1024x1664xf32, #tpu.memory_space<vmem>>, vector<1x32x768xf32>,
    %get3A_255 = arith.constant 15 : index
    %get3A_256 = arith.constant 0 : index
    %get3A_257 = vector.load %arg1[%get3A_255, %get3A_256] : memref<64x768xf32, #tpu.memory_space<vmem>>, vector<1x768xf32>
    %broadcast_in_dim3A_258 = vector.shape_cast %get3A_257 : vector<1x768xf32> to vector<1x768xf32>
    %broadcast_in_dim3A_259 = vector.broadcast %broadcast_in_dim3A_258 : vector<1x768xf32> to vector<32x768xf32>
    %swap3A_260 = arith.constant 0 : index
    %swap3A_261 = arith.constant 480 : index
    %swap3A_262 = arith.constant 0 : index
    %swap3A_263 = vector.load %arg6[%swap3A_260, %swap3A_261, %swap3A_262] : memref<1x1024x1664xf32, #tpu.memory_space<vmem>>, vector<1x32x768xf32>
    %swap3A_264 = vector.shape_cast %swap3A_263 : vector<1x32x768xf32> to vector<32x768xf32>
    %swap3A_265 = vector.shape_cast %broadcast_in_dim3A_259 : vector<32x768xf32> to vector<1x32x768xf32>
    tpu.vector_store %arg6[%swap3A_260, %swap3A_261, %swap3A_262], %swap3A_265 {strides = array<i32>} : memref<1x1024x1664xf32, #tpu.memory_space<vmem>>, vector<1x32x768xf32>,
    %swap3A_266 = arith.constant 0 : index
    %swap3A_267 = arith.constant 480 : index
    %swap3A_268 = arith.constant 768 : index
    %swap3A_269 = vector.load %arg6[%swap3A_266, %swap3A_267, %swap3A_268] : memref<1x1024x1664xf32, #tpu.memory_space<vmem>>, vector<1x32x768xf32>
    %swap3A_270 = vector.shape_cast %swap3A_269 : vector<1x32x768xf32> to vector<32x768xf32>
    %swap3A_271 = vector.shape_cast %get3A_1 : vector<32x768xf32> to vector<1x32x768xf32>
    tpu.vector_store %arg6[%swap3A_266, %swap3A_267, %swap3A_268], %swap3A_271 {strides = array<i32>} : memref<1x1024x1664xf32, #tpu.memory_space<vmem>>, vector<1x32x768xf32>,
    %get3A_272 = arith.constant 16 : index
    %get3A_273 = arith.constant 0 : index
    %get3A_274 = vector.load %arg1[%get3A_272, %get3A_273] : memref<64x768xf32, #tpu.memory_space<vmem>>, vector<1x768xf32>
    %broadcast_in_dim3A_275 = vector.shape_cast %get3A_274 : vector<1x768xf32> to vector<1x768xf32>
    %broadcast_in_dim3A_276 = vector.broadcast %broadcast_in_dim3A_275 : vector<1x768xf32> to vector<32x768xf32>
    %swap3A_277 = arith.constant 0 : index
    %swap3A_278 = arith.constant 512 : index
    %swap3A_279 = arith.constant 0 : index
    %swap3A_280 = vector.load %arg6[%swap3A_277, %swap3A_278, %swap3A_279] : memref<1x1024x1664xf32, #tpu.memory_space<vmem>>, vector<1x32x768xf32>
    %swap3A_281 = vector.shape_cast %swap3A_280 : vector<1x32x768xf32> to vector<32x768xf32>
    %swap3A_282 = vector.shape_cast %broadcast_in_dim3A_276 : vector<32x768xf32> to vector<1x32x768xf32>
    tpu.vector_store %arg6[%swap3A_277, %swap3A_278, %swap3A_279], %swap3A_282 {strides = array<i32>} : memref<1x1024x1664xf32, #tpu.memory_space<vmem>>, vector<1x32x768xf32>,
    %swap3A_283 = arith.constant 0 : index
    %swap3A_284 = arith.constant 512 : index
    %swap3A_285 = arith.constant 768 : index
    %swap3A_286 = vector.load %arg6[%swap3A_283, %swap3A_284, %swap3A_285] : memref<1x1024x1664xf32, #tpu.memory_space<vmem>>, vector<1x32x768xf32>
    %swap3A_287 = vector.shape_cast %swap3A_286 : vector<1x32x768xf32> to vector<32x768xf32>
    %swap3A_288 = vector.shape_cast %get3A_1 : vector<32x768xf32> to vector<1x32x768xf32>
    tpu.vector_store %arg6[%swap3A_283, %swap3A_284, %swap3A_285], %swap3A_288 {strides = array<i32>} : memref<1x1024x1664xf32, #tpu.memory_space<vmem>>, vector<1x32x768xf32>,
    %get3A_289 = arith.constant 17 : index
    %get3A_290 = arith.constant 0 : index
    %get3A_291 = vector.load %arg1[%get3A_289, %get3A_290] : memref<64x768xf32, #tpu.memory_space<vmem>>, vector<1x768xf32>
    %broadcast_in_dim3A_292 = vector.shape_cast %get3A_291 : vector<1x768xf32> to vector<1x768xf32>
    %broadcast_in_dim3A_293 = vector.broadcast %broadcast_in_dim3A_292 : vector<1x768xf32> to vector<32x768xf32>
    %swap3A_294 = arith.constant 0 : index
    %swap3A_295 = arith.constant 544 : index
    %swap3A_296 = arith.constant 0 : index
    %swap3A_297 = vector.load %arg6[%swap3A_294, %swap3A_295, %swap3A_296] : memref<1x1024x1664xf32, #tpu.memory_space<vmem>>, vector<1x32x768xf32>
    %swap3A_298 = vector.shape_cast %swap3A_297 : vector<1x32x768xf32> to vector<32x768xf32>
    %swap3A_299 = vector.shape_cast %broadcast_in_dim3A_293 : vector<32x768xf32> to vector<1x32x768xf32>
    tpu.vector_store %arg6[%swap3A_294, %swap3A_295, %swap3A_296], %swap3A_299 {strides = array<i32>} : memref<1x1024x1664xf32, #tpu.memory_space<vmem>>, vector<1x32x768xf32>,
    %swap3A_300 = arith.constant 0 : index
    %swap3A_301 = arith.constant 544 : index
    %swap3A_302 = arith.constant 768 : index
    %swap3A_303 = vector.load %arg6[%swap3A_300, %swap3A_301, %swap3A_302] : memref<1x1024x1664xf32, #tpu.memory_space<vmem>>, vector<1x32x768xf32>
    %swap3A_304 = vector.shape_cast %swap3A_303 : vector<1x32x768xf32> to vector<32x768xf32>
    %swap3A_305 = vector.shape_cast %get3A_1 : vector<32x768xf32> to vector<1x32x768xf32>
    tpu.vector_store %arg6[%swap3A_300, %swap3A_301, %swap3A_302], %swap3A_305 {strides = array<i32>} : memref<1x1024x1664xf32, #tpu.memory_space<vmem>>, vector<1x32x768xf32>,
    %get3A_306 = arith.constant 18 : index
    %get3A_307 = arith.constant 0 : index
    %get3A_308 = vector.load %arg1[%get3A_306, %get3A_307] : memref<64x768xf32, #tpu.memory_space<vmem>>, vector<1x768xf32>
    %broadcast_in_dim3A_309 = vector.shape_cast %get3A_308 : vector<1x768xf32> to vector<1x768xf32>
    %broadcast_in_dim3A_310 = vector.broadcast %broadcast_in_dim3A_309 : vector<1x768xf32> to vector<32x768xf32>
    %swap3A_311 = arith.constant 0 : index
    %swap3A_312 = arith.constant 576 : index
    %swap3A_313 = arith.constant 0 : index
    %swap3A_314 = vector.load %arg6[%swap3A_311, %swap3A_312, %swap3A_313] : memref<1x1024x1664xf32, #tpu.memory_space<vmem>>, vector<1x32x768xf32>
    %swap3A_315 = vector.shape_cast %swap3A_314 : vector<1x32x768xf32> to vector<32x768xf32>
    %swap3A_316 = vector.shape_cast %broadcast_in_dim3A_310 : vector<32x768xf32> to vector<1x32x768xf32>
    tpu.vector_store %arg6[%swap3A_311, %swap3A_312, %swap3A_313], %swap3A_316 {strides = array<i32>} : memref<1x1024x1664xf32, #tpu.memory_space<vmem>>, vector<1x32x768xf32>,
    %swap3A_317 = arith.constant 0 : index
    %swap3A_318 = arith.constant 576 : index
    %swap3A_319 = arith.constant 768 : index
    %swap3A_320 = vector.load %arg6[%swap3A_317, %swap3A_318, %swap3A_319] : memref<1x1024x1664xf32, #tpu.memory_space<vmem>>, vector<1x32x768xf32>
    %swap3A_321 = vector.shape_cast %swap3A_320 : vector<1x32x768xf32> to vector<32x768xf32>
    %swap3A_322 = vector.shape_cast %get3A_1 : vector<32x768xf32> to vector<1x32x768xf32>
    tpu.vector_store %arg6[%swap3A_317, %swap3A_318, %swap3A_319], %swap3A_322 {strides = array<i32>} : memref<1x1024x1664xf32, #tpu.memory_space<vmem>>, vector<1x32x768xf32>,
    %get3A_323 = arith.constant 19 : index
    %get3A_324 = arith.constant 0 : index
    %get3A_325 = vector.load %arg1[%get3A_323, %get3A_324] : memref<64x768xf32, #tpu.memory_space<vmem>>, vector<1x768xf32>
    %broadcast_in_dim3A_326 = vector.shape_cast %get3A_325 : vector<1x768xf32> to vector<1x768xf32>
    %broadcast_in_dim3A_327 = vector.broadcast %broadcast_in_dim3A_326 : vector<1x768xf32> to vector<32x768xf32>
    %swap3A_328 = arith.constant 0 : index
    %swap3A_329 = arith.constant 608 : index
    %swap3A_330 = arith.constant 0 : index
    %swap3A_331 = vector.load %arg6[%swap3A_328, %swap3A_329, %swap3A_330] : memref<1x1024x1664xf32, #tpu.memory_space<vmem>>, vector<1x32x768xf32>
    %swap3A_332 = vector.shape_cast %swap3A_331 : vector<1x32x768xf32> to vector<32x768xf32>
    %swap3A_333 = vector.shape_cast %broadcast_in_dim3A_327 : vector<32x768xf32> to vector<1x32x768xf32>
    tpu.vector_store %arg6[%swap3A_328, %swap3A_329, %swap3A_330], %swap3A_333 {strides = array<i32>} : memref<1x1024x1664xf32, #tpu.memory_space<vmem>>, vector<1x32x768xf32>,
    %swap3A_334 = arith.constant 0 : index
    %swap3A_335 = arith.constant 608 : index
    %swap3A_336 = arith.constant 768 : index
    %swap3A_337 = vector.load %arg6[%swap3A_334, %swap3A_335, %swap3A_336] : memref<1x1024x1664xf32, #tpu.memory_space<vmem>>, vector<1x32x768xf32>
    %swap3A_338 = vector.shape_cast %swap3A_337 : vector<1x32x768xf32> to vector<32x768xf32>
    %swap3A_339 = vector.shape_cast %get3A_1 : vector<32x768xf32> to vector<1x32x768xf32>
    tpu.vector_store %arg6[%swap3A_334, %swap3A_335, %swap3A_336], %swap3A_339 {strides = array<i32>} : memref<1x1024x1664xf32, #tpu.memory_space<vmem>>, vector<1x32x768xf32>,
    %get3A_340 = arith.constant 20 : index
    %get3A_341 = arith.constant 0 : index
    %get3A_342 = vector.load %arg1[%get3A_340, %get3A_341] : memref<64x768xf32, #tpu.memory_space<vmem>>, vector<1x768xf32>
    %broadcast_in_dim3A_343 = vector.shape_cast %get3A_342 : vector<1x768xf32> to vector<1x768xf32>
    %broadcast_in_dim3A_344 = vector.broadcast %broadcast_in_dim3A_343 : vector<1x768xf32> to vector<32x768xf32>
    %swap3A_345 = arith.constant 0 : index
    %swap3A_346 = arith.constant 640 : index
    %swap3A_347 = arith.constant 0 : index
    %swap3A_348 = vector.load %arg6[%swap3A_345, %swap3A_346, %swap3A_347] : memref<1x1024x1664xf32, #tpu.memory_space<vmem>>, vector<1x32x768xf32>
    %swap3A_349 = vector.shape_cast %swap3A_348 : vector<1x32x768xf32> to vector<32x768xf32>
    %swap3A_350 = vector.shape_cast %broadcast_in_dim3A_344 : vector<32x768xf32> to vector<1x32x768xf32>
    tpu.vector_store %arg6[%swap3A_345, %swap3A_346, %swap3A_347], %swap3A_350 {strides = array<i32>} : memref<1x1024x1664xf32, #tpu.memory_space<vmem>>, vector<1x32x768xf32>,
    %swap3A_351 = arith.constant 0 : index
    %swap3A_352 = arith.constant 640 : index
    %swap3A_353 = arith.constant 768 : index
    %swap3A_354 = vector.load %arg6[%swap3A_351, %swap3A_352, %swap3A_353] : memref<1x1024x1664xf32, #tpu.memory_space<vmem>>, vector<1x32x768xf32>
    %swap3A_355 = vector.shape_cast %swap3A_354 : vector<1x32x768xf32> to vector<32x768xf32>
    %swap3A_356 = vector.shape_cast %get3A_1 : vector<32x768xf32> to vector<1x32x768xf32>
    tpu.vector_store %arg6[%swap3A_351, %swap3A_352, %swap3A_353], %swap3A_356 {strides = array<i32>} : memref<1x1024x1664xf32, #tpu.memory_space<vmem>>, vector<1x32x768xf32>,
    %get3A_357 = arith.constant 21 : index
    %get3A_358 = arith.constant 0 : index
    %get3A_359 = vector.load %arg1[%get3A_357, %get3A_358] : memref<64x768xf32, #tpu.memory_space<vmem>>, vector<1x768xf32>
    %broadcast_in_dim3A_360 = vector.shape_cast %get3A_359 : vector<1x768xf32> to vector<1x768xf32>
    %broadcast_in_dim3A_361 = vector.broadcast %broadcast_in_dim3A_360 : vector<1x768xf32> to vector<32x768xf32>
    %swap3A_362 = arith.constant 0 : index
    %swap3A_363 = arith.constant 672 : index
    %swap3A_364 = arith.constant 0 : index
    %swap3A_365 = vector.load %arg6[%swap3A_362, %swap3A_363, %swap3A_364] : memref<1x1024x1664xf32, #tpu.memory_space<vmem>>, vector<1x32x768xf32>
    %swap3A_366 = vector.shape_cast %swap3A_365 : vector<1x32x768xf32> to vector<32x768xf32>
    %swap3A_367 = vector.shape_cast %broadcast_in_dim3A_361 : vector<32x768xf32> to vector<1x32x768xf32>
    tpu.vector_store %arg6[%swap3A_362, %swap3A_363, %swap3A_364], %swap3A_367 {strides = array<i32>} : memref<1x1024x1664xf32, #tpu.memory_space<vmem>>, vector<1x32x768xf32>,
    %swap3A_368 = arith.constant 0 : index
    %swap3A_369 = arith.constant 672 : index
    %swap3A_370 = arith.constant 768 : index
    %swap3A_371 = vector.load %arg6[%swap3A_368, %swap3A_369, %swap3A_370] : memref<1x1024x1664xf32, #tpu.memory_space<vmem>>, vector<1x32x768xf32>
    %swap3A_372 = vector.shape_cast %swap3A_371 : vector<1x32x768xf32> to vector<32x768xf32>
    %swap3A_373 = vector.shape_cast %get3A_1 : vector<32x768xf32> to vector<1x32x768xf32>
    tpu.vector_store %arg6[%swap3A_368, %swap3A_369, %swap3A_370], %swap3A_373 {strides = array<i32>} : memref<1x1024x1664xf32, #tpu.memory_space<vmem>>, vector<1x32x768xf32>,
    %get3A_374 = arith.constant 22 : index
    %get3A_375 = arith.constant 0 : index
    %get3A_376 = vector.load %arg1[%get3A_374, %get3A_375] : memref<64x768xf32, #tpu.memory_space<vmem>>, vector<1x768xf32>
    %broadcast_in_dim3A_377 = vector.shape_cast %get3A_376 : vector<1x768xf32> to vector<1x768xf32>
    %broadcast_in_dim3A_378 = vector.broadcast %broadcast_in_dim3A_377 : vector<1x768xf32> to vector<32x768xf32>
    %swap3A_379 = arith.constant 0 : index
    %swap3A_380 = arith.constant 704 : index
    %swap3A_381 = arith.constant 0 : index
    %swap3A_382 = vector.load %arg6[%swap3A_379, %swap3A_380, %swap3A_381] : memref<1x1024x1664xf32, #tpu.memory_space<vmem>>, vector<1x32x768xf32>
    %swap3A_383 = vector.shape_cast %swap3A_382 : vector<1x32x768xf32> to vector<32x768xf32>
    %swap3A_384 = vector.shape_cast %broadcast_in_dim3A_378 : vector<32x768xf32> to vector<1x32x768xf32>
    tpu.vector_store %arg6[%swap3A_379, %swap3A_380, %swap3A_381], %swap3A_384 {strides = array<i32>} : memref<1x1024x1664xf32, #tpu.memory_space<vmem>>, vector<1x32x768xf32>,
    %swap3A_385 = arith.constant 0 : index
    %swap3A_386 = arith.constant 704 : index
    %swap3A_387 = arith.constant 768 : index
    %swap3A_388 = vector.load %arg6[%swap3A_385, %swap3A_386, %swap3A_387] : memref<1x1024x1664xf32, #tpu.memory_space<vmem>>, vector<1x32x768xf32>
    %swap3A_389 = vector.shape_cast %swap3A_388 : vector<1x32x768xf32> to vector<32x768xf32>
    %swap3A_390 = vector.shape_cast %get3A_1 : vector<32x768xf32> to vector<1x32x768xf32>
    tpu.vector_store %arg6[%swap3A_385, %swap3A_386, %swap3A_387], %swap3A_390 {strides = array<i32>} : memref<1x1024x1664xf32, #tpu.memory_space<vmem>>, vector<1x32x768xf32>,
    %get3A_391 = arith.constant 23 : index
    %get3A_392 = arith.constant 0 : index
    %get3A_393 = vector.load %arg1[%get3A_391, %get3A_392] : memref<64x768xf32, #tpu.memory_space<vmem>>, vector<1x768xf32>
    %broadcast_in_dim3A_394 = vector.shape_cast %get3A_393 : vector<1x768xf32> to vector<1x768xf32>
    %broadcast_in_dim3A_395 = vector.broadcast %broadcast_in_dim3A_394 : vector<1x768xf32> to vector<32x768xf32>
    %swap3A_396 = arith.constant 0 : index
    %swap3A_397 = arith.constant 736 : index
    %swap3A_398 = arith.constant 0 : index
    %swap3A_399 = vector.load %arg6[%swap3A_396, %swap3A_397, %swap3A_398] : memref<1x1024x1664xf32, #tpu.memory_space<vmem>>, vector<1x32x768xf32>
    %swap3A_400 = vector.shape_cast %swap3A_399 : vector<1x32x768xf32> to vector<32x768xf32>
    %swap3A_401 = vector.shape_cast %broadcast_in_dim3A_395 : vector<32x768xf32> to vector<1x32x768xf32>
    tpu.vector_store %arg6[%swap3A_396, %swap3A_397, %swap3A_398], %swap3A_401 {strides = array<i32>} : memref<1x1024x1664xf32, #tpu.memory_space<vmem>>, vector<1x32x768xf32>,
    %swap3A_402 = arith.constant 0 : index
    %swap3A_403 = arith.constant 736 : index
    %swap3A_404 = arith.constant 768 : index
    %swap3A_405 = vector.load %arg6[%swap3A_402, %swap3A_403, %swap3A_404] : memref<1x1024x1664xf32, #tpu.memory_space<vmem>>, vector<1x32x768xf32>
    %swap3A_406 = vector.shape_cast %swap3A_405 : vector<1x32x768xf32> to vector<32x768xf32>
    %swap3A_407 = vector.shape_cast %get3A_1 : vector<32x768xf32> to vector<1x32x768xf32>
    tpu.vector_store %arg6[%swap3A_402, %swap3A_403, %swap3A_404], %swap3A_407 {strides = array<i32>} : memref<1x1024x1664xf32, #tpu.memory_space<vmem>>, vector<1x32x768xf32>,
    %get3A_408 = arith.constant 24 : index
    %get3A_409 = arith.constant 0 : index
    %get3A_410 = vector.load %arg1[%get3A_408, %get3A_409] : memref<64x768xf32, #tpu.memory_space<vmem>>, vector<1x768xf32>
    %broadcast_in_dim3A_411 = vector.shape_cast %get3A_410 : vector<1x768xf32> to vector<1x768xf32>
    %broadcast_in_dim3A_412 = vector.broadcast %broadcast_in_dim3A_411 : vector<1x768xf32> to vector<32x768xf32>
    %swap3A_413 = arith.constant 0 : index
    %swap3A_414 = arith.constant 768 : index
    %swap3A_415 = arith.constant 0 : index
    %swap3A_416 = vector.load %arg6[%swap3A_413, %swap3A_414, %swap3A_415] : memref<1x1024x1664xf32, #tpu.memory_space<vmem>>, vector<1x32x768xf32>
    %swap3A_417 = vector.shape_cast %swap3A_416 : vector<1x32x768xf32> to vector<32x768xf32>
    %swap3A_418 = vector.shape_cast %broadcast_in_dim3A_412 : vector<32x768xf32> to vector<1x32x768xf32>
    tpu.vector_store %arg6[%swap3A_413, %swap3A_414, %swap3A_415], %swap3A_418 {strides = array<i32>} : memref<1x1024x1664xf32, #tpu.memory_space<vmem>>, vector<1x32x768xf32>,
    %swap3A_419 = arith.constant 0 : index
    %swap3A_420 = arith.constant 768 : index
    %swap3A_421 = arith.constant 768 : index
    %swap3A_422 = vector.load %arg6[%swap3A_419, %swap3A_420, %swap3A_421] : memref<1x1024x1664xf32, #tpu.memory_space<vmem>>, vector<1x32x768xf32>
    %swap3A_423 = vector.shape_cast %swap3A_422 : vector<1x32x768xf32> to vector<32x768xf32>
    %swap3A_424 = vector.shape_cast %get3A_1 : vector<32x768xf32> to vector<1x32x768xf32>
    tpu.vector_store %arg6[%swap3A_419, %swap3A_420, %swap3A_421], %swap3A_424 {strides = array<i32>} : memref<1x1024x1664xf32, #tpu.memory_space<vmem>>, vector<1x32x768xf32>,
    %get3A_425 = arith.constant 25 : index
    %get3A_426 = arith.constant 0 : index
    %get3A_427 = vector.load %arg1[%get3A_425, %get3A_426] : memref<64x768xf32, #tpu.memory_space<vmem>>, vector<1x768xf32>
    %broadcast_in_dim3A_428 = vector.shape_cast %get3A_427 : vector<1x768xf32> to vector<1x768xf32>
    %broadcast_in_dim3A_429 = vector.broadcast %broadcast_in_dim3A_428 : vector<1x768xf32> to vector<32x768xf32>
    %swap3A_430 = arith.constant 0 : index
    %swap3A_431 = arith.constant 800 : index
    %swap3A_432 = arith.constant 0 : index
    %swap3A_433 = vector.load %arg6[%swap3A_430, %swap3A_431, %swap3A_432] : memref<1x1024x1664xf32, #tpu.memory_space<vmem>>, vector<1x32x768xf32>
    %swap3A_434 = vector.shape_cast %swap3A_433 : vector<1x32x768xf32> to vector<32x768xf32>
    %swap3A_435 = vector.shape_cast %broadcast_in_dim3A_429 : vector<32x768xf32> to vector<1x32x768xf32>
    tpu.vector_store %arg6[%swap3A_430, %swap3A_431, %swap3A_432], %swap3A_435 {strides = array<i32>} : memref<1x1024x1664xf32, #tpu.memory_space<vmem>>, vector<1x32x768xf32>,
    %swap3A_436 = arith.constant 0 : index
    %swap3A_437 = arith.constant 800 : index
    %swap3A_438 = arith.constant 768 : index
    %swap3A_439 = vector.load %arg6[%swap3A_436, %swap3A_437, %swap3A_438] : memref<1x1024x1664xf32, #tpu.memory_space<vmem>>, vector<1x32x768xf32>
    %swap3A_440 = vector.shape_cast %swap3A_439 : vector<1x32x768xf32> to vector<32x768xf32>
    %swap3A_441 = vector.shape_cast %get3A_1 : vector<32x768xf32> to vector<1x32x768xf32>
    tpu.vector_store %arg6[%swap3A_436, %swap3A_437, %swap3A_438], %swap3A_441 {strides = array<i32>} : memref<1x1024x1664xf32, #tpu.memory_space<vmem>>, vector<1x32x768xf32>,
    %get3A_442 = arith.constant 26 : index
    %get3A_443 = arith.constant 0 : index
    %get3A_444 = vector.load %arg1[%get3A_442, %get3A_443] : memref<64x768xf32, #tpu.memory_space<vmem>>, vector<1x768xf32>
    %broadcast_in_dim3A_445 = vector.shape_cast %get3A_444 : vector<1x768xf32> to vector<1x768xf32>
    %broadcast_in_dim3A_446 = vector.broadcast %broadcast_in_dim3A_445 : vector<1x768xf32> to vector<32x768xf32>
    %swap3A_447 = arith.constant 0 : index
    %swap3A_448 = arith.constant 832 : index
    %swap3A_449 = arith.constant 0 : index
    %swap3A_450 = vector.load %arg6[%swap3A_447, %swap3A_448, %swap3A_449] : memref<1x1024x1664xf32, #tpu.memory_space<vmem>>, vector<1x32x768xf32>
    %swap3A_451 = vector.shape_cast %swap3A_450 : vector<1x32x768xf32> to vector<32x768xf32>
    %swap3A_452 = vector.shape_cast %broadcast_in_dim3A_446 : vector<32x768xf32> to vector<1x32x768xf32>
    tpu.vector_store %arg6[%swap3A_447, %swap3A_448, %swap3A_449], %swap3A_452 {strides = array<i32>} : memref<1x1024x1664xf32, #tpu.memory_space<vmem>>, vector<1x32x768xf32>,
    %swap3A_453 = arith.constant 0 : index
    %swap3A_454 = arith.constant 832 : index
    %swap3A_455 = arith.constant 768 : index
    %swap3A_456 = vector.load %arg6[%swap3A_453, %swap3A_454, %swap3A_455] : memref<1x1024x1664xf32, #tpu.memory_space<vmem>>, vector<1x32x768xf32>
    %swap3A_457 = vector.shape_cast %swap3A_456 : vector<1x32x768xf32> to vector<32x768xf32>
    %swap3A_458 = vector.shape_cast %get3A_1 : vector<32x768xf32> to vector<1x32x768xf32>
    tpu.vector_store %arg6[%swap3A_453, %swap3A_454, %swap3A_455], %swap3A_458 {strides = array<i32>} : memref<1x1024x1664xf32, #tpu.memory_space<vmem>>, vector<1x32x768xf32>,
    %get3A_459 = arith.constant 27 : index
    %get3A_460 = arith.constant 0 : index
    %get3A_461 = vector.load %arg1[%get3A_459, %get3A_460] : memref<64x768xf32, #tpu.memory_space<vmem>>, vector<1x768xf32>
    %broadcast_in_dim3A_462 = vector.shape_cast %get3A_461 : vector<1x768xf32> to vector<1x768xf32>
    %broadcast_in_dim3A_463 = vector.broadcast %broadcast_in_dim3A_462 : vector<1x768xf32> to vector<32x768xf32>
    %swap3A_464 = arith.constant 0 : index
    %swap3A_465 = arith.constant 864 : index
    %swap3A_466 = arith.constant 0 : index
    %swap3A_467 = vector.load %arg6[%swap3A_464, %swap3A_465, %swap3A_466] : memref<1x1024x1664xf32, #tpu.memory_space<vmem>>, vector<1x32x768xf32>
    %swap3A_468 = vector.shape_cast %swap3A_467 : vector<1x32x768xf32> to vector<32x768xf32>
    %swap3A_469 = vector.shape_cast %broadcast_in_dim3A_463 : vector<32x768xf32> to vector<1x32x768xf32>
    tpu.vector_store %arg6[%swap3A_464, %swap3A_465, %swap3A_466], %swap3A_469 {strides = array<i32>} : memref<1x1024x1664xf32, #tpu.memory_space<vmem>>, vector<1x32x768xf32>,
    %swap3A_470 = arith.constant 0 : index
    %swap3A_471 = arith.constant 864 : index
    %swap3A_472 = arith.constant 768 : index
    %swap3A_473 = vector.load %arg6[%swap3A_470, %swap3A_471, %swap3A_472] : memref<1x1024x1664xf32, #tpu.memory_space<vmem>>, vector<1x32x768xf32>
    %swap3A_474 = vector.shape_cast %swap3A_473 : vector<1x32x768xf32> to vector<32x768xf32>
    %swap3A_475 = vector.shape_cast %get3A_1 : vector<32x768xf32> to vector<1x32x768xf32>
    tpu.vector_store %arg6[%swap3A_470, %swap3A_471, %swap3A_472], %swap3A_475 {strides = array<i32>} : memref<1x1024x1664xf32, #tpu.memory_space<vmem>>, vector<1x32x768xf32>,
    %get3A_476 = arith.constant 28 : index
    %get3A_477 = arith.constant 0 : index
    %get3A_478 = vector.load %arg1[%get3A_476, %get3A_477] : memref<64x768xf32, #tpu.memory_space<vmem>>, vector<1x768xf32>
    %broadcast_in_dim3A_479 = vector.shape_cast %get3A_478 : vector<1x768xf32> to vector<1x768xf32>
    %broadcast_in_dim3A_480 = vector.broadcast %broadcast_in_dim3A_479 : vector<1x768xf32> to vector<32x768xf32>
    %swap3A_481 = arith.constant 0 : index
    %swap3A_482 = arith.constant 896 : index
    %swap3A_483 = arith.constant 0 : index
    %swap3A_484 = vector.load %arg6[%swap3A_481, %swap3A_482, %swap3A_483] : memref<1x1024x1664xf32, #tpu.memory_space<vmem>>, vector<1x32x768xf32>
    %swap3A_485 = vector.shape_cast %swap3A_484 : vector<1x32x768xf32> to vector<32x768xf32>
    %swap3A_486 = vector.shape_cast %broadcast_in_dim3A_480 : vector<32x768xf32> to vector<1x32x768xf32>
    tpu.vector_store %arg6[%swap3A_481, %swap3A_482, %swap3A_483], %swap3A_486 {strides = array<i32>} : memref<1x1024x1664xf32, #tpu.memory_space<vmem>>, vector<1x32x768xf32>,
    %swap3A_487 = arith.constant 0 : index
    %swap3A_488 = arith.constant 896 : index
    %swap3A_489 = arith.constant 768 : index
    %swap3A_490 = vector.load %arg6[%swap3A_487, %swap3A_488, %swap3A_489] : memref<1x1024x1664xf32, #tpu.memory_space<vmem>>, vector<1x32x768xf32>
    %swap3A_491 = vector.shape_cast %swap3A_490 : vector<1x32x768xf32> to vector<32x768xf32>
    %swap3A_492 = vector.shape_cast %get3A_1 : vector<32x768xf32> to vector<1x32x768xf32>
    tpu.vector_store %arg6[%swap3A_487, %swap3A_488, %swap3A_489], %swap3A_492 {strides = array<i32>} : memref<1x1024x1664xf32, #tpu.memory_space<vmem>>, vector<1x32x768xf32>,
    %get3A_493 = arith.constant 29 : index
    %get3A_494 = arith.constant 0 : index
    %get3A_495 = vector.load %arg1[%get3A_493, %get3A_494] : memref<64x768xf32, #tpu.memory_space<vmem>>, vector<1x768xf32>
    %broadcast_in_dim3A_496 = vector.shape_cast %get3A_495 : vector<1x768xf32> to vector<1x768xf32>
    %broadcast_in_dim3A_497 = vector.broadcast %broadcast_in_dim3A_496 : vector<1x768xf32> to vector<32x768xf32>
    %swap3A_498 = arith.constant 0 : index
    %swap3A_499 = arith.constant 928 : index
    %swap3A_500 = arith.constant 0 : index
    %swap3A_501 = vector.load %arg6[%swap3A_498, %swap3A_499, %swap3A_500] : memref<1x1024x1664xf32, #tpu.memory_space<vmem>>, vector<1x32x768xf32>
    %swap3A_502 = vector.shape_cast %swap3A_501 : vector<1x32x768xf32> to vector<32x768xf32>
    %swap3A_503 = vector.shape_cast %broadcast_in_dim3A_497 : vector<32x768xf32> to vector<1x32x768xf32>
    tpu.vector_store %arg6[%swap3A_498, %swap3A_499, %swap3A_500], %swap3A_503 {strides = array<i32>} : memref<1x1024x1664xf32, #tpu.memory_space<vmem>>, vector<1x32x768xf32>,
    %swap3A_504 = arith.constant 0 : index
    %swap3A_505 = arith.constant 928 : index
    %swap3A_506 = arith.constant 768 : index
    %swap3A_507 = vector.load %arg6[%swap3A_504, %swap3A_505, %swap3A_506] : memref<1x1024x1664xf32, #tpu.memory_space<vmem>>, vector<1x32x768xf32>
    %swap3A_508 = vector.shape_cast %swap3A_507 : vector<1x32x768xf32> to vector<32x768xf32>
    %swap3A_509 = vector.shape_cast %get3A_1 : vector<32x768xf32> to vector<1x32x768xf32>
    tpu.vector_store %arg6[%swap3A_504, %swap3A_505, %swap3A_506], %swap3A_509 {strides = array<i32>} : memref<1x1024x1664xf32, #tpu.memory_space<vmem>>, vector<1x32x768xf32>,
    %get3A_510 = arith.constant 30 : index
    %get3A_511 = arith.constant 0 : index
    %get3A_512 = vector.load %arg1[%get3A_510, %get3A_511] : memref<64x768xf32, #tpu.memory_space<vmem>>, vector<1x768xf32>
    %broadcast_in_dim3A_513 = vector.shape_cast %get3A_512 : vector<1x768xf32> to vector<1x768xf32>
    %broadcast_in_dim3A_514 = vector.broadcast %broadcast_in_dim3A_513 : vector<1x768xf32> to vector<32x768xf32>
    %swap3A_515 = arith.constant 0 : index
    %swap3A_516 = arith.constant 960 : index
    %swap3A_517 = arith.constant 0 : index
    %swap3A_518 = vector.load %arg6[%swap3A_515, %swap3A_516, %swap3A_517] : memref<1x1024x1664xf32, #tpu.memory_space<vmem>>, vector<1x32x768xf32>
    %swap3A_519 = vector.shape_cast %swap3A_518 : vector<1x32x768xf32> to vector<32x768xf32>
    %swap3A_520 = vector.shape_cast %broadcast_in_dim3A_514 : vector<32x768xf32> to vector<1x32x768xf32>
    tpu.vector_store %arg6[%swap3A_515, %swap3A_516, %swap3A_517], %swap3A_520 {strides = array<i32>} : memref<1x1024x1664xf32, #tpu.memory_space<vmem>>, vector<1x32x768xf32>,
    %swap3A_521 = arith.constant 0 : index
    %swap3A_522 = arith.constant 960 : index
    %swap3A_523 = arith.constant 768 : index
    %swap3A_524 = vector.load %arg6[%swap3A_521, %swap3A_522, %swap3A_523] : memref<1x1024x1664xf32, #tpu.memory_space<vmem>>, vector<1x32x768xf32>
    %swap3A_525 = vector.shape_cast %swap3A_524 : vector<1x32x768xf32> to vector<32x768xf32>
    %swap3A_526 = vector.shape_cast %get3A_1 : vector<32x768xf32> to vector<1x32x768xf32>
    tpu.vector_store %arg6[%swap3A_521, %swap3A_522, %swap3A_523], %swap3A_526 {strides = array<i32>} : memref<1x1024x1664xf32, #tpu.memory_space<vmem>>, vector<1x32x768xf32>,
    %get3A_527 = arith.constant 31 : index
    %get3A_528 = arith.constant 0 : index
    %get3A_529 = vector.load %arg1[%get3A_527, %get3A_528] : memref<64x768xf32, #tpu.memory_space<vmem>>, vector<1x768xf32>
    %broadcast_in_dim3A_530 = vector.shape_cast %get3A_529 : vector<1x768xf32> to vector<1x768xf32>
    %broadcast_in_dim3A_531 = vector.broadcast %broadcast_in_dim3A_530 : vector<1x768xf32> to vector<32x768xf32>
    %swap3A_532 = arith.constant 0 : index
    %swap3A_533 = arith.constant 992 : index
    %swap3A_534 = arith.constant 0 : index
    %swap3A_535 = vector.load %arg6[%swap3A_532, %swap3A_533, %swap3A_534] : memref<1x1024x1664xf32, #tpu.memory_space<vmem>>, vector<1x32x768xf32>
    %swap3A_536 = vector.shape_cast %swap3A_535 : vector<1x32x768xf32> to vector<32x768xf32>
    %swap3A_537 = vector.shape_cast %broadcast_in_dim3A_531 : vector<32x768xf32> to vector<1x32x768xf32>
    tpu.vector_store %arg6[%swap3A_532, %swap3A_533, %swap3A_534], %swap3A_537 {strides = array<i32>} : memref<1x1024x1664xf32, #tpu.memory_space<vmem>>, vector<1x32x768xf32>,
    %swap3A_538 = arith.constant 0 : index
    %swap3A_539 = arith.constant 992 : index
    %swap3A_540 = arith.constant 768 : index
    %swap3A_541 = vector.load %arg6[%swap3A_538, %swap3A_539, %swap3A_540] : memref<1x1024x1664xf32, #tpu.memory_space<vmem>>, vector<1x32x768xf32>
    %swap3A_542 = vector.shape_cast %swap3A_541 : vector<1x32x768xf32> to vector<32x768xf32>
    %swap3A_543 = vector.shape_cast %get3A_1 : vector<32x768xf32> to vector<1x32x768xf32>
    tpu.vector_store %arg6[%swap3A_538, %swap3A_539, %swap3A_540], %swap3A_543 {strides = array<i32>} : memref<1x1024x1664xf32, #tpu.memory_space<vmem>>, vector<1x32x768xf32>,
    %get3A_544 = arith.constant 0 : index
    %get3A_545 = arith.constant 0 : index
    %get3A_546 = arith.constant 0 : index
    %get3A_547 = vector.load %arg2[%get3A_544, %get3A_545, %get3A_546] : memref<1x16x1024xf32, #tpu.memory_space<vmem>>, vector<1x16x1024xf32>
    %get3A_548 = vector.shape_cast %get3A_547 : vector<1x16x1024xf32> to vector<16x1024xf32>
    %get3A_549 = arith.constant 0 : index
    %get3A_550 = arith.constant 0 : index
    %get3A_551 = vector.load %arg3[%get3A_549, %get3A_550] : memref<16x128xf32, #tpu.memory_space<vmem>>, vector<16x128xf32>
    %dot_general3A = arith.constant dense<0.000000e+00> : vector<1024x128xf32>
    %dot_general3A_552 = tpu.matmul %get3A_548, %get3A_551, %dot_general3A {dimension_numbers = #tpu.dot_dimension_numbers<[0], [0], [1], [1], [0, 1, 1, 1], [], []>, transpose_lhs_hint = false} : vector<16x1024xf32>, vector<16x128xf32>, vector<1024x128xf32> -> vector<1024x128xf32>
    %swap3A_553 = arith.constant 0 : index
    %swap3A_554 = arith.constant 0 : index
    %swap3A_555 = arith.constant 1536 : index
    %swap3A_556 = vector.load %arg6[%swap3A_553, %swap3A_554, %swap3A_555] : memref<1x1024x1664xf32, #tpu.memory_space<vmem>>, vector<1x1024x128xf32>
    %swap3A_557 = vector.shape_cast %swap3A_556 : vector<1x1024x128xf32> to vector<1024x128xf32>
    %swap3A_558 = vector.shape_cast %dot_general3A_552 : vector<1024x128xf32> to vector<1x1024x128xf32>
    tpu.vector_store %arg6[%swap3A_553, %swap3A_554, %swap3A_555], %swap3A_558 {strides = array<i32>} : memref<1x1024x1664xf32, #tpu.memory_space<vmem>>, vector<1x1024x128xf32>,
    %iota3A = tpu.iota {dimensions = array<i32: 1>} : vector<1x1024xi32>
    %jit3A = arith.constant 32 : i32
    %div3A = vector.broadcast %jit3A : i32 to vector<1x1024xi32>
    %div3A_559 = arith.divsi %iota3A, %div3A : vector<1x1024xi32>
    %sign3A = arith.constant 0 : i32
    %sign3A_560 = vector.broadcast %sign3A : i32 to vector<1x1024xi32>
    %sign3A_561 = arith.cmpi sgt, %iota3A, %sign3A_560 : vector<1x1024xi32>
    %sign3A_562 = arith.extui %sign3A_561 : vector<1x1024xi1> to vector<1x1024xi32>
    %sign3A_563 = arith.constant 0 : i32
    %sign3A_564 = vector.broadcast %sign3A_563 : i32 to vector<1x1024xi32>
    %sign3A_565 = arith.cmpi slt, %iota3A, %sign3A_564 : vector<1x1024xi32>
    %sign3A_566 = arith.extui %sign3A_565 : vector<1x1024xi1> to vector<1x1024xi32>
    %sign3A_567 = arith.subi %sign3A_562, %sign3A_566 : vector<1x1024xi32>
    %sign3A_568 = arith.constant 0 : i32
    %sign3A_569 = arith.cmpi sgt, %jit3A, %sign3A_568 : i32
    %sign3A_570 = arith.extui %sign3A_569 : i1 to i32
    %sign3A_571 = arith.constant 0 : i32
    %sign3A_572 = arith.cmpi slt, %jit3A, %sign3A_571 : i32
    %sign3A_573 = arith.extui %sign3A_572 : i1 to i32
    %sign3A_574 = arith.subi %sign3A_570, %sign3A_573 : i32
    %ne3A = vector.broadcast %sign3A_574 : i32 to vector<1x1024xi32>
    %ne3A_575 = arith.cmpi ne, %sign3A_567, %ne3A : vector<1x1024xi32>
    %rem3A = vector.broadcast %jit3A : i32 to vector<1x1024xi32>
    %rem3A_576 = arith.remsi %iota3A, %rem3A : vector<1x1024xi32>
    %ne3A_577 = arith.constant 0 : i32
    %ne3A_578 = vector.broadcast %ne3A_577 : i32 to vector<1x1024xi32>
    %ne3A_579 = arith.cmpi ne, %rem3A_576, %ne3A_578 : vector<1x1024xi32>
    %and3A = arith.andi %ne3A_575, %ne3A_579 : vector<1x1024xi1>
    %sub3A = arith.constant 1 : i32
    %sub3A_580 = vector.broadcast %sub3A : i32 to vector<1x1024xi32>
    %sub3A_581 = arith.subi %div3A_559, %sub3A_580 : vector<1x1024xi32>
    %select_n3A = arith.select %and3A, %sub3A_581, %div3A_559 : vector<1x1024xi1>, vector<1x1024xi32>
    %jit3A_582 = arith.constant 32 : i32
    %eq3A = arith.constant 0 : i32
    %eq3A_583 = arith.cmpi eq, %jit3A_582, %eq3A : i32
    %jit3A_584 = arith.constant 1 : i32
    %select_n3A_585 = arith.select %eq3A_583, %jit3A_584, %jit3A_582 : i32
    %rem3A_586 = vector.broadcast %select_n3A_585 : i32 to vector<1x1024xi32>
    %rem3A_587 = arith.remsi %iota3A, %rem3A_586 : vector<1x1024xi32>
    %ne3A_588 = arith.constant 0 : i32
    %ne3A_589 = vector.broadcast %ne3A_588 : i32 to vector<1x1024xi32>
    %ne3A_590 = arith.cmpi ne, %rem3A_587, %ne3A_589 : vector<1x1024xi32>
    %lt3A = arith.constant 0 : i32
    %lt3A_591 = vector.broadcast %lt3A : i32 to vector<1x1024xi32>
    %lt3A_592 = arith.cmpi slt, %rem3A_587, %lt3A_591 : vector<1x1024xi32>
    %lt3A_593 = arith.constant 0 : i32
    %lt3A_594 = arith.cmpi slt, %select_n3A_585, %lt3A_593 : i32
    %ne3A_595 = vector.broadcast %lt3A_594 : i1 to vector<1x1024xi1>
    %ne3A_596 = vector.broadcast %ne3A_595 : vector<1x1024xi1> to vector<1x1024xi1>
    %ne3A_597 = arith.xori %lt3A_592, %ne3A_596 : vector<1x1024xi1>
    %and3A_598 = arith.andi %ne3A_597, %ne3A_590 : vector<1x1024xi1>
    %add3A = vector.broadcast %select_n3A_585 : i32 to vector<1x1024xi32>
    %add3A_599 = arith.addi %rem3A_587, %add3A : vector<1x1024xi32>
    %select_n3A_600 = arith.select %and3A_598, %add3A_599, %rem3A_587 : vector<1x1024xi1>, vector<1x1024xi32>
    %broadcast_in_dim3A_601 = arith.constant 0 : i32
    %broadcast_in_dim3A_602 = vector.broadcast %broadcast_in_dim3A_601 : i32 to vector<1x1024xi32>
    %broadcast_in_dim3A_603 = arith.constant 0 : i32
    %broadcast_in_dim3A_604 = vector.broadcast %broadcast_in_dim3A_603 : i32 to vector<1x1024xi32>
    %eq3A_605 = arith.constant 0 : i32
    %eq3A_606 = vector.broadcast %eq3A_605 : i32 to vector<1x1024xi32>
    %eq3A_607 = arith.cmpi eq, %select_n3A, %eq3A_606 : vector<1x1024xi32>
    %get3A_608 = arith.constant 0 : index
    %get3A_609 = arith.constant 0 : index
    %get3A_610 = arith.constant 0 : index
    %get3A_611 = vector.load %arg4[%get3A_608, %get3A_609, %get3A_610] : memref<1x1x32xi32, #tpu.memory_space<vmem>>, vector<1x1x1xi32>
    %get3A_612 = vector.extract %get3A_611[0, 0, 0] : i32 from vector<1x1x1xi32>
    %broadcast_in_dim3A_613 = vector.broadcast %get3A_612 : i32 to vector<1x1024xi32>
    %select_n3A_614 = arith.select %eq3A_607, %broadcast_in_dim3A_613, %broadcast_in_dim3A_602 : vector<1x1024xi1>, vector<1x1024xi32>
    %eq3A_615 = arith.constant 0 : i32
    %eq3A_616 = vector.broadcast %eq3A_615 : i32 to vector<1x1024xi32>
    %eq3A_617 = arith.cmpi eq, %select_n3A_600, %eq3A_616 : vector<1x1024xi32>
    %get3A_618 = arith.constant 0 : index
    %get3A_619 = arith.constant 0 : index
    %get3A_620 = arith.constant 0 : index
    %get3A_621 = vector.load %arg5[%get3A_618, %get3A_619, %get3A_620] : memref<1x1x32xi32, #tpu.memory_space<vmem>>, vector<1x1x1xi32>
    %get3A_622 = vector.extract %get3A_621[0, 0, 0] : i32 from vector<1x1x1xi32>
    %broadcast_in_dim3A_623 = vector.broadcast %get3A_622 : i32 to vector<1x1024xi32>
    %select_n3A_624 = arith.select %eq3A_617, %broadcast_in_dim3A_623, %broadcast_in_dim3A_604 : vector<1x1024xi1>, vector<1x1024xi32>
    %eq3A_625 = arith.constant 1 : i32
    %eq3A_626 = vector.broadcast %eq3A_625 : i32 to vector<1x1024xi32>
    %eq3A_627 = arith.cmpi eq, %select_n3A, %eq3A_626 : vector<1x1024xi32>
    %get3A_628 = arith.constant 0 : index
    %get3A_629 = arith.constant 0 : index
    %get3A_630 = arith.constant 1 : index
    %get3A_631 = vector.load %arg4[%get3A_628, %get3A_629, %get3A_630] : memref<1x1x32xi32, #tpu.memory_space<vmem>>, vector<1x1x1xi32>
    %get3A_632 = vector.extract %get3A_631[0, 0, 0] : i32 from vector<1x1x1xi32>
    %broadcast_in_dim3A_633 = vector.broadcast %get3A_632 : i32 to vector<1x1024xi32>
    %select_n3A_634 = arith.select %eq3A_627, %broadcast_in_dim3A_633, %select_n3A_614 : vector<1x1024xi1>, vector<1x1024xi32>
    %eq3A_635 = arith.constant 1 : i32
    %eq3A_636 = vector.broadcast %eq3A_635 : i32 to vector<1x1024xi32>
    %eq3A_637 = arith.cmpi eq, %select_n3A_600, %eq3A_636 : vector<1x1024xi32>
    %get3A_638 = arith.constant 0 : index
    %get3A_639 = arith.constant 0 : index
    %get3A_640 = arith.constant 1 : index
    %get3A_641 = vector.load %arg5[%get3A_638, %get3A_639, %get3A_640] : memref<1x1x32xi32, #tpu.memory_space<vmem>>, vector<1x1x1xi32>
    %get3A_642 = vector.extract %get3A_641[0, 0, 0] : i32 from vector<1x1x1xi32>
    %broadcast_in_dim3A_643 = vector.broadcast %get3A_642 : i32 to vector<1x1024xi32>
    %select_n3A_644 = arith.select %eq3A_637, %broadcast_in_dim3A_643, %select_n3A_624 : vector<1x1024xi1>, vector<1x1024xi32>
    %eq3A_645 = arith.constant 2 : i32
    %eq3A_646 = vector.broadcast %eq3A_645 : i32 to vector<1x1024xi32>
    %eq3A_647 = arith.cmpi eq, %select_n3A, %eq3A_646 : vector<1x1024xi32>
    %get3A_648 = arith.constant 0 : index
    %get3A_649 = arith.constant 0 : index
    %get3A_650 = arith.constant 2 : index
    %get3A_651 = vector.load %arg4[%get3A_648, %get3A_649, %get3A_650] : memref<1x1x32xi32, #tpu.memory_space<vmem>>, vector<1x1x1xi32>
    %get3A_652 = vector.extract %get3A_651[0, 0, 0] : i32 from vector<1x1x1xi32>
    %broadcast_in_dim3A_653 = vector.broadcast %get3A_652 : i32 to vector<1x1024xi32>
    %select_n3A_654 = arith.select %eq3A_647, %broadcast_in_dim3A_653, %select_n3A_634 : vector<1x1024xi1>, vector<1x1024xi32>
    %eq3A_655 = arith.constant 2 : i32
    %eq3A_656 = vector.broadcast %eq3A_655 : i32 to vector<1x1024xi32>
    %eq3A_657 = arith.cmpi eq, %select_n3A_600, %eq3A_656 : vector<1x1024xi32>
    %get3A_658 = arith.constant 0 : index
    %get3A_659 = arith.constant 0 : index
    %get3A_660 = arith.constant 2 : index
    %get3A_661 = vector.load %arg5[%get3A_658, %get3A_659, %get3A_660] : memref<1x1x32xi32, #tpu.memory_space<vmem>>, vector<1x1x1xi32>
    %get3A_662 = vector.extract %get3A_661[0, 0, 0] : i32 from vector<1x1x1xi32>
    %broadcast_in_dim3A_663 = vector.broadcast %get3A_662 : i32 to vector<1x1024xi32>
    %select_n3A_664 = arith.select %eq3A_657, %broadcast_in_dim3A_663, %select_n3A_644 : vector<1x1024xi1>, vector<1x1024xi32>
    %eq3A_665 = arith.constant 3 : i32
    %eq3A_666 = vector.broadcast %eq3A_665 : i32 to vector<1x1024xi32>
    %eq3A_667 = arith.cmpi eq, %select_n3A, %eq3A_666 : vector<1x1024xi32>
    %get3A_668 = arith.constant 0 : index
    %get3A_669 = arith.constant 0 : index
    %get3A_670 = arith.constant 3 : index
    %get3A_671 = vector.load %arg4[%get3A_668, %get3A_669, %get3A_670] : memref<1x1x32xi32, #tpu.memory_space<vmem>>, vector<1x1x1xi32>
    %get3A_672 = vector.extract %get3A_671[0, 0, 0] : i32 from vector<1x1x1xi32>
    %broadcast_in_dim3A_673 = vector.broadcast %get3A_672 : i32 to vector<1x1024xi32>
    %select_n3A_674 = arith.select %eq3A_667, %broadcast_in_dim3A_673, %select_n3A_654 : vector<1x1024xi1>, vector<1x1024xi32>
    %eq3A_675 = arith.constant 3 : i32
    %eq3A_676 = vector.broadcast %eq3A_675 : i32 to vector<1x1024xi32>
    %eq3A_677 = arith.cmpi eq, %select_n3A_600, %eq3A_676 : vector<1x1024xi32>
    %get3A_678 = arith.constant 0 : index
    %get3A_679 = arith.constant 0 : index
    %get3A_680 = arith.constant 3 : index
    %get3A_681 = vector.load %arg5[%get3A_678, %get3A_679, %get3A_680] : memref<1x1x32xi32, #tpu.memory_space<vmem>>, vector<1x1x1xi32>
    %get3A_682 = vector.extract %get3A_681[0, 0, 0] : i32 from vector<1x1x1xi32>
    %broadcast_in_dim3A_683 = vector.broadcast %get3A_682 : i32 to vector<1x1024xi32>
    %select_n3A_684 = arith.select %eq3A_677, %broadcast_in_dim3A_683, %select_n3A_664 : vector<1x1024xi1>, vector<1x1024xi32>
    %eq3A_685 = arith.constant 4 : i32
    %eq3A_686 = vector.broadcast %eq3A_685 : i32 to vector<1x1024xi32>
    %eq3A_687 = arith.cmpi eq, %select_n3A, %eq3A_686 : vector<1x1024xi32>
    %get3A_688 = arith.constant 0 : index
    %get3A_689 = arith.constant 0 : index
    %get3A_690 = arith.constant 4 : index
    %get3A_691 = vector.load %arg4[%get3A_688, %get3A_689, %get3A_690] : memref<1x1x32xi32, #tpu.memory_space<vmem>>, vector<1x1x1xi32>
    %get3A_692 = vector.extract %get3A_691[0, 0, 0] : i32 from vector<1x1x1xi32>
    %broadcast_in_dim3A_693 = vector.broadcast %get3A_692 : i32 to vector<1x1024xi32>
    %select_n3A_694 = arith.select %eq3A_687, %broadcast_in_dim3A_693, %select_n3A_674 : vector<1x1024xi1>, vector<1x1024xi32>
    %eq3A_695 = arith.constant 4 : i32
    %eq3A_696 = vector.broadcast %eq3A_695 : i32 to vector<1x1024xi32>
    %eq3A_697 = arith.cmpi eq, %select_n3A_600, %eq3A_696 : vector<1x1024xi32>
    %get3A_698 = arith.constant 0 : index
    %get3A_699 = arith.constant 0 : index
    %get3A_700 = arith.constant 4 : index
    %get3A_701 = vector.load %arg5[%get3A_698, %get3A_699, %get3A_700] : memref<1x1x32xi32, #tpu.memory_space<vmem>>, vector<1x1x1xi32>
    %get3A_702 = vector.extract %get3A_701[0, 0, 0] : i32 from vector<1x1x1xi32>
    %broadcast_in_dim3A_703 = vector.broadcast %get3A_702 : i32 to vector<1x1024xi32>
    %select_n3A_704 = arith.select %eq3A_697, %broadcast_in_dim3A_703, %select_n3A_684 : vector<1x1024xi1>, vector<1x1024xi32>
    %eq3A_705 = arith.constant 5 : i32
    %eq3A_706 = vector.broadcast %eq3A_705 : i32 to vector<1x1024xi32>
    %eq3A_707 = arith.cmpi eq, %select_n3A, %eq3A_706 : vector<1x1024xi32>
    %get3A_708 = arith.constant 0 : index
    %get3A_709 = arith.constant 0 : index
    %get3A_710 = arith.constant 5 : index
    %get3A_711 = vector.load %arg4[%get3A_708, %get3A_709, %get3A_710] : memref<1x1x32xi32, #tpu.memory_space<vmem>>, vector<1x1x1xi32>
    %get3A_712 = vector.extract %get3A_711[0, 0, 0] : i32 from vector<1x1x1xi32>
    %broadcast_in_dim3A_713 = vector.broadcast %get3A_712 : i32 to vector<1x1024xi32>
    %select_n3A_714 = arith.select %eq3A_707, %broadcast_in_dim3A_713, %select_n3A_694 : vector<1x1024xi1>, vector<1x1024xi32>
    %eq3A_715 = arith.constant 5 : i32
    %eq3A_716 = vector.broadcast %eq3A_715 : i32 to vector<1x1024xi32>
    %eq3A_717 = arith.cmpi eq, %select_n3A_600, %eq3A_716 : vector<1x1024xi32>
    %get3A_718 = arith.constant 0 : index
    %get3A_719 = arith.constant 0 : index
    %get3A_720 = arith.constant 5 : index
    %get3A_721 = vector.load %arg5[%get3A_718, %get3A_719, %get3A_720] : memref<1x1x32xi32, #tpu.memory_space<vmem>>, vector<1x1x1xi32>
    %get3A_722 = vector.extract %get3A_721[0, 0, 0] : i32 from vector<1x1x1xi32>
    %broadcast_in_dim3A_723 = vector.broadcast %get3A_722 : i32 to vector<1x1024xi32>
    %select_n3A_724 = arith.select %eq3A_717, %broadcast_in_dim3A_723, %select_n3A_704 : vector<1x1024xi1>, vector<1x1024xi32>
    %eq3A_725 = arith.constant 6 : i32
    %eq3A_726 = vector.broadcast %eq3A_725 : i32 to vector<1x1024xi32>
    %eq3A_727 = arith.cmpi eq, %select_n3A, %eq3A_726 : vector<1x1024xi32>
    %get3A_728 = arith.constant 0 : index
    %get3A_729 = arith.constant 0 : index
    %get3A_730 = arith.constant 6 : index
    %get3A_731 = vector.load %arg4[%get3A_728, %get3A_729, %get3A_730] : memref<1x1x32xi32, #tpu.memory_space<vmem>>, vector<1x1x1xi32>
    %get3A_732 = vector.extract %get3A_731[0, 0, 0] : i32 from vector<1x1x1xi32>
    %broadcast_in_dim3A_733 = vector.broadcast %get3A_732 : i32 to vector<1x1024xi32>
    %select_n3A_734 = arith.select %eq3A_727, %broadcast_in_dim3A_733, %select_n3A_714 : vector<1x1024xi1>, vector<1x1024xi32>
    %eq3A_735 = arith.constant 6 : i32
    %eq3A_736 = vector.broadcast %eq3A_735 : i32 to vector<1x1024xi32>
    %eq3A_737 = arith.cmpi eq, %select_n3A_600, %eq3A_736 : vector<1x1024xi32>
    %get3A_738 = arith.constant 0 : index
    %get3A_739 = arith.constant 0 : index
    %get3A_740 = arith.constant 6 : index
    %get3A_741 = vector.load %arg5[%get3A_738, %get3A_739, %get3A_740] : memref<1x1x32xi32, #tpu.memory_space<vmem>>, vector<1x1x1xi32>
    %get3A_742 = vector.extract %get3A_741[0, 0, 0] : i32 from vector<1x1x1xi32>
    %broadcast_in_dim3A_743 = vector.broadcast %get3A_742 : i32 to vector<1x1024xi32>
    %select_n3A_744 = arith.select %eq3A_737, %broadcast_in_dim3A_743, %select_n3A_724 : vector<1x1024xi1>, vector<1x1024xi32>
    %eq3A_745 = arith.constant 7 : i32
    %eq3A_746 = vector.broadcast %eq3A_745 : i32 to vector<1x1024xi32>
    %eq3A_747 = arith.cmpi eq, %select_n3A, %eq3A_746 : vector<1x1024xi32>
    %get3A_748 = arith.constant 0 : index
    %get3A_749 = arith.constant 0 : index
    %get3A_750 = arith.constant 7 : index
    %get3A_751 = vector.load %arg4[%get3A_748, %get3A_749, %get3A_750] : memref<1x1x32xi32, #tpu.memory_space<vmem>>, vector<1x1x1xi32>
    %get3A_752 = vector.extract %get3A_751[0, 0, 0] : i32 from vector<1x1x1xi32>
    %broadcast_in_dim3A_753 = vector.broadcast %get3A_752 : i32 to vector<1x1024xi32>
    %select_n3A_754 = arith.select %eq3A_747, %broadcast_in_dim3A_753, %select_n3A_734 : vector<1x1024xi1>, vector<1x1024xi32>
    %eq3A_755 = arith.constant 7 : i32
    %eq3A_756 = vector.broadcast %eq3A_755 : i32 to vector<1x1024xi32>
    %eq3A_757 = arith.cmpi eq, %select_n3A_600, %eq3A_756 : vector<1x1024xi32>
    %get3A_758 = arith.constant 0 : index
    %get3A_759 = arith.constant 0 : index
    %get3A_760 = arith.constant 7 : index
    %get3A_761 = vector.load %arg5[%get3A_758, %get3A_759, %get3A_760] : memref<1x1x32xi32, #tpu.memory_space<vmem>>, vector<1x1x1xi32>
    %get3A_762 = vector.extract %get3A_761[0, 0, 0] : i32 from vector<1x1x1xi32>
    %broadcast_in_dim3A_763 = vector.broadcast %get3A_762 : i32 to vector<1x1024xi32>
    %select_n3A_764 = arith.select %eq3A_757, %broadcast_in_dim3A_763, %select_n3A_744 : vector<1x1024xi1>, vector<1x1024xi32>
    %eq3A_765 = arith.constant 8 : i32
    %eq3A_766 = vector.broadcast %eq3A_765 : i32 to vector<1x1024xi32>
    %eq3A_767 = arith.cmpi eq, %select_n3A, %eq3A_766 : vector<1x1024xi32>
    %get3A_768 = arith.constant 0 : index
    %get3A_769 = arith.constant 0 : index
    %get3A_770 = arith.constant 8 : index
    %get3A_771 = vector.load %arg4[%get3A_768, %get3A_769, %get3A_770] : memref<1x1x32xi32, #tpu.memory_space<vmem>>, vector<1x1x1xi32>
    %get3A_772 = vector.extract %get3A_771[0, 0, 0] : i32 from vector<1x1x1xi32>
    %broadcast_in_dim3A_773 = vector.broadcast %get3A_772 : i32 to vector<1x1024xi32>
    %select_n3A_774 = arith.select %eq3A_767, %broadcast_in_dim3A_773, %select_n3A_754 : vector<1x1024xi1>, vector<1x1024xi32>
    %eq3A_775 = arith.constant 8 : i32
    %eq3A_776 = vector.broadcast %eq3A_775 : i32 to vector<1x1024xi32>
    %eq3A_777 = arith.cmpi eq, %select_n3A_600, %eq3A_776 : vector<1x1024xi32>
    %get3A_778 = arith.constant 0 : index
    %get3A_779 = arith.constant 0 : index
    %get3A_780 = arith.constant 8 : index
    %get3A_781 = vector.load %arg5[%get3A_778, %get3A_779, %get3A_780] : memref<1x1x32xi32, #tpu.memory_space<vmem>>, vector<1x1x1xi32>
    %get3A_782 = vector.extract %get3A_781[0, 0, 0] : i32 from vector<1x1x1xi32>
    %broadcast_in_dim3A_783 = vector.broadcast %get3A_782 : i32 to vector<1x1024xi32>
    %select_n3A_784 = arith.select %eq3A_777, %broadcast_in_dim3A_783, %select_n3A_764 : vector<1x1024xi1>, vector<1x1024xi32>
    %eq3A_785 = arith.constant 9 : i32
    %eq3A_786 = vector.broadcast %eq3A_785 : i32 to vector<1x1024xi32>
    %eq3A_787 = arith.cmpi eq, %select_n3A, %eq3A_786 : vector<1x1024xi32>
    %get3A_788 = arith.constant 0 : index
    %get3A_789 = arith.constant 0 : index
    %get3A_790 = arith.constant 9 : index
    %get3A_791 = vector.load %arg4[%get3A_788, %get3A_789, %get3A_790] : memref<1x1x32xi32, #tpu.memory_space<vmem>>, vector<1x1x1xi32>
    %get3A_792 = vector.extract %get3A_791[0, 0, 0] : i32 from vector<1x1x1xi32>
    %broadcast_in_dim3A_793 = vector.broadcast %get3A_792 : i32 to vector<1x1024xi32>
    %select_n3A_794 = arith.select %eq3A_787, %broadcast_in_dim3A_793, %select_n3A_774 : vector<1x1024xi1>, vector<1x1024xi32>
    %eq3A_795 = arith.constant 9 : i32
    %eq3A_796 = vector.broadcast %eq3A_795 : i32 to vector<1x1024xi32>
    %eq3A_797 = arith.cmpi eq, %select_n3A_600, %eq3A_796 : vector<1x1024xi32>
    %get3A_798 = arith.constant 0 : index
    %get3A_799 = arith.constant 0 : index
    %get3A_800 = arith.constant 9 : index
    %get3A_801 = vector.load %arg5[%get3A_798, %get3A_799, %get3A_800] : memref<1x1x32xi32, #tpu.memory_space<vmem>>, vector<1x1x1xi32>
    %get3A_802 = vector.extract %get3A_801[0, 0, 0] : i32 from vector<1x1x1xi32>
    %broadcast_in_dim3A_803 = vector.broadcast %get3A_802 : i32 to vector<1x1024xi32>
    %select_n3A_804 = arith.select %eq3A_797, %broadcast_in_dim3A_803, %select_n3A_784 : vector<1x1024xi1>, vector<1x1024xi32>
    %eq3A_805 = arith.constant 10 : i32
    %eq3A_806 = vector.broadcast %eq3A_805 : i32 to vector<1x1024xi32>
    %eq3A_807 = arith.cmpi eq, %select_n3A, %eq3A_806 : vector<1x1024xi32>
    %get3A_808 = arith.constant 0 : index
    %get3A_809 = arith.constant 0 : index
    %get3A_810 = arith.constant 10 : index
    %get3A_811 = vector.load %arg4[%get3A_808, %get3A_809, %get3A_810] : memref<1x1x32xi32, #tpu.memory_space<vmem>>, vector<1x1x1xi32>
    %get3A_812 = vector.extract %get3A_811[0, 0, 0] : i32 from vector<1x1x1xi32>
    %broadcast_in_dim3A_813 = vector.broadcast %get3A_812 : i32 to vector<1x1024xi32>
    %select_n3A_814 = arith.select %eq3A_807, %broadcast_in_dim3A_813, %select_n3A_794 : vector<1x1024xi1>, vector<1x1024xi32>
    %eq3A_815 = arith.constant 10 : i32
    %eq3A_816 = vector.broadcast %eq3A_815 : i32 to vector<1x1024xi32>
    %eq3A_817 = arith.cmpi eq, %select_n3A_600, %eq3A_816 : vector<1x1024xi32>
    %get3A_818 = arith.constant 0 : index
    %get3A_819 = arith.constant 0 : index
    %get3A_820 = arith.constant 10 : index
    %get3A_821 = vector.load %arg5[%get3A_818, %get3A_819, %get3A_820] : memref<1x1x32xi32, #tpu.memory_space<vmem>>, vector<1x1x1xi32>
    %get3A_822 = vector.extract %get3A_821[0, 0, 0] : i32 from vector<1x1x1xi32>
    %broadcast_in_dim3A_823 = vector.broadcast %get3A_822 : i32 to vector<1x1024xi32>
    %select_n3A_824 = arith.select %eq3A_817, %broadcast_in_dim3A_823, %select_n3A_804 : vector<1x1024xi1>, vector<1x1024xi32>
    %eq3A_825 = arith.constant 11 : i32
    %eq3A_826 = vector.broadcast %eq3A_825 : i32 to vector<1x1024xi32>
    %eq3A_827 = arith.cmpi eq, %select_n3A, %eq3A_826 : vector<1x1024xi32>
    %get3A_828 = arith.constant 0 : index
    %get3A_829 = arith.constant 0 : index
    %get3A_830 = arith.constant 11 : index
    %get3A_831 = vector.load %arg4[%get3A_828, %get3A_829, %get3A_830] : memref<1x1x32xi32, #tpu.memory_space<vmem>>, vector<1x1x1xi32>
    %get3A_832 = vector.extract %get3A_831[0, 0, 0] : i32 from vector<1x1x1xi32>
    %broadcast_in_dim3A_833 = vector.broadcast %get3A_832 : i32 to vector<1x1024xi32>
    %select_n3A_834 = arith.select %eq3A_827, %broadcast_in_dim3A_833, %select_n3A_814 : vector<1x1024xi1>, vector<1x1024xi32>
    %eq3A_835 = arith.constant 11 : i32
    %eq3A_836 = vector.broadcast %eq3A_835 : i32 to vector<1x1024xi32>
    %eq3A_837 = arith.cmpi eq, %select_n3A_600, %eq3A_836 : vector<1x1024xi32>
    %get3A_838 = arith.constant 0 : index
    %get3A_839 = arith.constant 0 : index
    %get3A_840 = arith.constant 11 : index
    %get3A_841 = vector.load %arg5[%get3A_838, %get3A_839, %get3A_840] : memref<1x1x32xi32, #tpu.memory_space<vmem>>, vector<1x1x1xi32>
    %get3A_842 = vector.extract %get3A_841[0, 0, 0] : i32 from vector<1x1x1xi32>
    %broadcast_in_dim3A_843 = vector.broadcast %get3A_842 : i32 to vector<1x1024xi32>
    %select_n3A_844 = arith.select %eq3A_837, %broadcast_in_dim3A_843, %select_n3A_824 : vector<1x1024xi1>, vector<1x1024xi32>
    %eq3A_845 = arith.constant 12 : i32
    %eq3A_846 = vector.broadcast %eq3A_845 : i32 to vector<1x1024xi32>
    %eq3A_847 = arith.cmpi eq, %select_n3A, %eq3A_846 : vector<1x1024xi32>
    %get3A_848 = arith.constant 0 : index
    %get3A_849 = arith.constant 0 : index
    %get3A_850 = arith.constant 12 : index
    %get3A_851 = vector.load %arg4[%get3A_848, %get3A_849, %get3A_850] : memref<1x1x32xi32, #tpu.memory_space<vmem>>, vector<1x1x1xi32>
    %get3A_852 = vector.extract %get3A_851[0, 0, 0] : i32 from vector<1x1x1xi32>
    %broadcast_in_dim3A_853 = vector.broadcast %get3A_852 : i32 to vector<1x1024xi32>
    %select_n3A_854 = arith.select %eq3A_847, %broadcast_in_dim3A_853, %select_n3A_834 : vector<1x1024xi1>, vector<1x1024xi32>
    %eq3A_855 = arith.constant 12 : i32
    %eq3A_856 = vector.broadcast %eq3A_855 : i32 to vector<1x1024xi32>
    %eq3A_857 = arith.cmpi eq, %select_n3A_600, %eq3A_856 : vector<1x1024xi32>
    %get3A_858 = arith.constant 0 : index
    %get3A_859 = arith.constant 0 : index
    %get3A_860 = arith.constant 12 : index
    %get3A_861 = vector.load %arg5[%get3A_858, %get3A_859, %get3A_860] : memref<1x1x32xi32, #tpu.memory_space<vmem>>, vector<1x1x1xi32>
    %get3A_862 = vector.extract %get3A_861[0, 0, 0] : i32 from vector<1x1x1xi32>
    %broadcast_in_dim3A_863 = vector.broadcast %get3A_862 : i32 to vector<1x1024xi32>
    %select_n3A_864 = arith.select %eq3A_857, %broadcast_in_dim3A_863, %select_n3A_844 : vector<1x1024xi1>, vector<1x1024xi32>
    %eq3A_865 = arith.constant 13 : i32
    %eq3A_866 = vector.broadcast %eq3A_865 : i32 to vector<1x1024xi32>
    %eq3A_867 = arith.cmpi eq, %select_n3A, %eq3A_866 : vector<1x1024xi32>
    %get3A_868 = arith.constant 0 : index
    %get3A_869 = arith.constant 0 : index
    %get3A_870 = arith.constant 13 : index
    %get3A_871 = vector.load %arg4[%get3A_868, %get3A_869, %get3A_870] : memref<1x1x32xi32, #tpu.memory_space<vmem>>, vector<1x1x1xi32>
    %get3A_872 = vector.extract %get3A_871[0, 0, 0] : i32 from vector<1x1x1xi32>
    %broadcast_in_dim3A_873 = vector.broadcast %get3A_872 : i32 to vector<1x1024xi32>
    %select_n3A_874 = arith.select %eq3A_867, %broadcast_in_dim3A_873, %select_n3A_854 : vector<1x1024xi1>, vector<1x1024xi32>
    %eq3A_875 = arith.constant 13 : i32
    %eq3A_876 = vector.broadcast %eq3A_875 : i32 to vector<1x1024xi32>
    %eq3A_877 = arith.cmpi eq, %select_n3A_600, %eq3A_876 : vector<1x1024xi32>
    %get3A_878 = arith.constant 0 : index
    %get3A_879 = arith.constant 0 : index
    %get3A_880 = arith.constant 13 : index
    %get3A_881 = vector.load %arg5[%get3A_878, %get3A_879, %get3A_880] : memref<1x1x32xi32, #tpu.memory_space<vmem>>, vector<1x1x1xi32>
    %get3A_882 = vector.extract %get3A_881[0, 0, 0] : i32 from vector<1x1x1xi32>
    %broadcast_in_dim3A_883 = vector.broadcast %get3A_882 : i32 to vector<1x1024xi32>
    %select_n3A_884 = arith.select %eq3A_877, %broadcast_in_dim3A_883, %select_n3A_864 : vector<1x1024xi1>, vector<1x1024xi32>
    %eq3A_885 = arith.constant 14 : i32
    %eq3A_886 = vector.broadcast %eq3A_885 : i32 to vector<1x1024xi32>
    %eq3A_887 = arith.cmpi eq, %select_n3A, %eq3A_886 : vector<1x1024xi32>
    %get3A_888 = arith.constant 0 : index
    %get3A_889 = arith.constant 0 : index
    %get3A_890 = arith.constant 14 : index
    %get3A_891 = vector.load %arg4[%get3A_888, %get3A_889, %get3A_890] : memref<1x1x32xi32, #tpu.memory_space<vmem>>, vector<1x1x1xi32>
    %get3A_892 = vector.extract %get3A_891[0, 0, 0] : i32 from vector<1x1x1xi32>
    %broadcast_in_dim3A_893 = vector.broadcast %get3A_892 : i32 to vector<1x1024xi32>
    %select_n3A_894 = arith.select %eq3A_887, %broadcast_in_dim3A_893, %select_n3A_874 : vector<1x1024xi1>, vector<1x1024xi32>
    %eq3A_895 = arith.constant 14 : i32
    %eq3A_896 = vector.broadcast %eq3A_895 : i32 to vector<1x1024xi32>
    %eq3A_897 = arith.cmpi eq, %select_n3A_600, %eq3A_896 : vector<1x1024xi32>
    %get3A_898 = arith.constant 0 : index
    %get3A_899 = arith.constant 0 : index
    %get3A_900 = arith.constant 14 : index
    %get3A_901 = vector.load %arg5[%get3A_898, %get3A_899, %get3A_900] : memref<1x1x32xi32, #tpu.memory_space<vmem>>, vector<1x1x1xi32>
    %get3A_902 = vector.extract %get3A_901[0, 0, 0] : i32 from vector<1x1x1xi32>
    %broadcast_in_dim3A_903 = vector.broadcast %get3A_902 : i32 to vector<1x1024xi32>
    %select_n3A_904 = arith.select %eq3A_897, %broadcast_in_dim3A_903, %select_n3A_884 : vector<1x1024xi1>, vector<1x1024xi32>
    %eq3A_905 = arith.constant 15 : i32
    %eq3A_906 = vector.broadcast %eq3A_905 : i32 to vector<1x1024xi32>
    %eq3A_907 = arith.cmpi eq, %select_n3A, %eq3A_906 : vector<1x1024xi32>
    %get3A_908 = arith.constant 0 : index
    %get3A_909 = arith.constant 0 : index
    %get3A_910 = arith.constant 15 : index
    %get3A_911 = vector.load %arg4[%get3A_908, %get3A_909, %get3A_910] : memref<1x1x32xi32, #tpu.memory_space<vmem>>, vector<1x1x1xi32>
    %get3A_912 = vector.extract %get3A_911[0, 0, 0] : i32 from vector<1x1x1xi32>
    %broadcast_in_dim3A_913 = vector.broadcast %get3A_912 : i32 to vector<1x1024xi32>
    %select_n3A_914 = arith.select %eq3A_907, %broadcast_in_dim3A_913, %select_n3A_894 : vector<1x1024xi1>, vector<1x1024xi32>
    %eq3A_915 = arith.constant 15 : i32
    %eq3A_916 = vector.broadcast %eq3A_915 : i32 to vector<1x1024xi32>
    %eq3A_917 = arith.cmpi eq, %select_n3A_600, %eq3A_916 : vector<1x1024xi32>
    %get3A_918 = arith.constant 0 : index
    %get3A_919 = arith.constant 0 : index
    %get3A_920 = arith.constant 15 : index
    %get3A_921 = vector.load %arg5[%get3A_918, %get3A_919, %get3A_920] : memref<1x1x32xi32, #tpu.memory_space<vmem>>, vector<1x1x1xi32>
    %get3A_922 = vector.extract %get3A_921[0, 0, 0] : i32 from vector<1x1x1xi32>
    %broadcast_in_dim3A_923 = vector.broadcast %get3A_922 : i32 to vector<1x1024xi32>
    %select_n3A_924 = arith.select %eq3A_917, %broadcast_in_dim3A_923, %select_n3A_904 : vector<1x1024xi1>, vector<1x1024xi32>
    %eq3A_925 = arith.constant 16 : i32
    %eq3A_926 = vector.broadcast %eq3A_925 : i32 to vector<1x1024xi32>
    %eq3A_927 = arith.cmpi eq, %select_n3A, %eq3A_926 : vector<1x1024xi32>
    %get3A_928 = arith.constant 0 : index
    %get3A_929 = arith.constant 0 : index
    %get3A_930 = arith.constant 16 : index
    %get3A_931 = vector.load %arg4[%get3A_928, %get3A_929, %get3A_930] : memref<1x1x32xi32, #tpu.memory_space<vmem>>, vector<1x1x1xi32>
    %get3A_932 = vector.extract %get3A_931[0, 0, 0] : i32 from vector<1x1x1xi32>
    %broadcast_in_dim3A_933 = vector.broadcast %get3A_932 : i32 to vector<1x1024xi32>
    %select_n3A_934 = arith.select %eq3A_927, %broadcast_in_dim3A_933, %select_n3A_914 : vector<1x1024xi1>, vector<1x1024xi32>
    %eq3A_935 = arith.constant 16 : i32
    %eq3A_936 = vector.broadcast %eq3A_935 : i32 to vector<1x1024xi32>
    %eq3A_937 = arith.cmpi eq, %select_n3A_600, %eq3A_936 : vector<1x1024xi32>
    %get3A_938 = arith.constant 0 : index
    %get3A_939 = arith.constant 0 : index
    %get3A_940 = arith.constant 16 : index
    %get3A_941 = vector.load %arg5[%get3A_938, %get3A_939, %get3A_940] : memref<1x1x32xi32, #tpu.memory_space<vmem>>, vector<1x1x1xi32>
    %get3A_942 = vector.extract %get3A_941[0, 0, 0] : i32 from vector<1x1x1xi32>
    %broadcast_in_dim3A_943 = vector.broadcast %get3A_942 : i32 to vector<1x1024xi32>
    %select_n3A_944 = arith.select %eq3A_937, %broadcast_in_dim3A_943, %select_n3A_924 : vector<1x1024xi1>, vector<1x1024xi32>
    %eq3A_945 = arith.constant 17 : i32
    %eq3A_946 = vector.broadcast %eq3A_945 : i32 to vector<1x1024xi32>
    %eq3A_947 = arith.cmpi eq, %select_n3A, %eq3A_946 : vector<1x1024xi32>
    %get3A_948 = arith.constant 0 : index
    %get3A_949 = arith.constant 0 : index
    %get3A_950 = arith.constant 17 : index
    %get3A_951 = vector.load %arg4[%get3A_948, %get3A_949, %get3A_950] : memref<1x1x32xi32, #tpu.memory_space<vmem>>, vector<1x1x1xi32>
    %get3A_952 = vector.extract %get3A_951[0, 0, 0] : i32 from vector<1x1x1xi32>
    %broadcast_in_dim3A_953 = vector.broadcast %get3A_952 : i32 to vector<1x1024xi32>
    %select_n3A_954 = arith.select %eq3A_947, %broadcast_in_dim3A_953, %select_n3A_934 : vector<1x1024xi1>, vector<1x1024xi32>
    %eq3A_955 = arith.constant 17 : i32
    %eq3A_956 = vector.broadcast %eq3A_955 : i32 to vector<1x1024xi32>
    %eq3A_957 = arith.cmpi eq, %select_n3A_600, %eq3A_956 : vector<1x1024xi32>
    %get3A_958 = arith.constant 0 : index
    %get3A_959 = arith.constant 0 : index
    %get3A_960 = arith.constant 17 : index
    %get3A_961 = vector.load %arg5[%get3A_958, %get3A_959, %get3A_960] : memref<1x1x32xi32, #tpu.memory_space<vmem>>, vector<1x1x1xi32>
    %get3A_962 = vector.extract %get3A_961[0, 0, 0] : i32 from vector<1x1x1xi32>
    %broadcast_in_dim3A_963 = vector.broadcast %get3A_962 : i32 to vector<1x1024xi32>
    %select_n3A_964 = arith.select %eq3A_957, %broadcast_in_dim3A_963, %select_n3A_944 : vector<1x1024xi1>, vector<1x1024xi32>
    %eq3A_965 = arith.constant 18 : i32
    %eq3A_966 = vector.broadcast %eq3A_965 : i32 to vector<1x1024xi32>
    %eq3A_967 = arith.cmpi eq, %select_n3A, %eq3A_966 : vector<1x1024xi32>
    %get3A_968 = arith.constant 0 : index
    %get3A_969 = arith.constant 0 : index
    %get3A_970 = arith.constant 18 : index
    %get3A_971 = vector.load %arg4[%get3A_968, %get3A_969, %get3A_970] : memref<1x1x32xi32, #tpu.memory_space<vmem>>, vector<1x1x1xi32>
    %get3A_972 = vector.extract %get3A_971[0, 0, 0] : i32 from vector<1x1x1xi32>
    %broadcast_in_dim3A_973 = vector.broadcast %get3A_972 : i32 to vector<1x1024xi32>
    %select_n3A_974 = arith.select %eq3A_967, %broadcast_in_dim3A_973, %select_n3A_954 : vector<1x1024xi1>, vector<1x1024xi32>
    %eq3A_975 = arith.constant 18 : i32
    %eq3A_976 = vector.broadcast %eq3A_975 : i32 to vector<1x1024xi32>
    %eq3A_977 = arith.cmpi eq, %select_n3A_600, %eq3A_976 : vector<1x1024xi32>
    %get3A_978 = arith.constant 0 : index
    %get3A_979 = arith.constant 0 : index
    %get3A_980 = arith.constant 18 : index
    %get3A_981 = vector.load %arg5[%get3A_978, %get3A_979, %get3A_980] : memref<1x1x32xi32, #tpu.memory_space<vmem>>, vector<1x1x1xi32>
    %get3A_982 = vector.extract %get3A_981[0, 0, 0] : i32 from vector<1x1x1xi32>
    %broadcast_in_dim3A_983 = vector.broadcast %get3A_982 : i32 to vector<1x1024xi32>
    %select_n3A_984 = arith.select %eq3A_977, %broadcast_in_dim3A_983, %select_n3A_964 : vector<1x1024xi1>, vector<1x1024xi32>
    %eq3A_985 = arith.constant 19 : i32
    %eq3A_986 = vector.broadcast %eq3A_985 : i32 to vector<1x1024xi32>
    %eq3A_987 = arith.cmpi eq, %select_n3A, %eq3A_986 : vector<1x1024xi32>
    %get3A_988 = arith.constant 0 : index
    %get3A_989 = arith.constant 0 : index
    %get3A_990 = arith.constant 19 : index
    %get3A_991 = vector.load %arg4[%get3A_988, %get3A_989, %get3A_990] : memref<1x1x32xi32, #tpu.memory_space<vmem>>, vector<1x1x1xi32>
    %get3A_992 = vector.extract %get3A_991[0, 0, 0] : i32 from vector<1x1x1xi32>
    %broadcast_in_dim3A_993 = vector.broadcast %get3A_992 : i32 to vector<1x1024xi32>
    %select_n3A_994 = arith.select %eq3A_987, %broadcast_in_dim3A_993, %select_n3A_974 : vector<1x1024xi1>, vector<1x1024xi32>
    %eq3A_995 = arith.constant 19 : i32
    %eq3A_996 = vector.broadcast %eq3A_995 : i32 to vector<1x1024xi32>
    %eq3A_997 = arith.cmpi eq, %select_n3A_600, %eq3A_996 : vector<1x1024xi32>
    %get3A_998 = arith.constant 0 : index
    %get3A_999 = arith.constant 0 : index
    %get3A_1000 = arith.constant 19 : index
    %get3A_1001 = vector.load %arg5[%get3A_998, %get3A_999, %get3A_1000] : memref<1x1x32xi32, #tpu.memory_space<vmem>>, vector<1x1x1xi32>
    %get3A_1002 = vector.extract %get3A_1001[0, 0, 0] : i32 from vector<1x1x1xi32>
    %broadcast_in_dim3A_1003 = vector.broadcast %get3A_1002 : i32 to vector<1x1024xi32>
    %select_n3A_1004 = arith.select %eq3A_997, %broadcast_in_dim3A_1003, %select_n3A_984 : vector<1x1024xi1>, vector<1x1024xi32>
    %eq3A_1005 = arith.constant 20 : i32
    %eq3A_1006 = vector.broadcast %eq3A_1005 : i32 to vector<1x1024xi32>
    %eq3A_1007 = arith.cmpi eq, %select_n3A, %eq3A_1006 : vector<1x1024xi32>
    %get3A_1008 = arith.constant 0 : index
    %get3A_1009 = arith.constant 0 : index
    %get3A_1010 = arith.constant 20 : index
    %get3A_1011 = vector.load %arg4[%get3A_1008, %get3A_1009, %get3A_1010] : memref<1x1x32xi32, #tpu.memory_space<vmem>>, vector<1x1x1xi32>
    %get3A_1012 = vector.extract %get3A_1011[0, 0, 0] : i32 from vector<1x1x1xi32>
    %broadcast_in_dim3A_1013 = vector.broadcast %get3A_1012 : i32 to vector<1x1024xi32>
    %select_n3A_1014 = arith.select %eq3A_1007, %broadcast_in_dim3A_1013, %select_n3A_994 : vector<1x1024xi1>, vector<1x1024xi32>
    %eq3A_1015 = arith.constant 20 : i32
    %eq3A_1016 = vector.broadcast %eq3A_1015 : i32 to vector<1x1024xi32>
    %eq3A_1017 = arith.cmpi eq, %select_n3A_600, %eq3A_1016 : vector<1x1024xi32>
    %get3A_1018 = arith.constant 0 : index
    %get3A_1019 = arith.constant 0 : index
    %get3A_1020 = arith.constant 20 : index
    %get3A_1021 = vector.load %arg5[%get3A_1018, %get3A_1019, %get3A_1020] : memref<1x1x32xi32, #tpu.memory_space<vmem>>, vector<1x1x1xi32>
    %get3A_1022 = vector.extract %get3A_1021[0, 0, 0] : i32 from vector<1x1x1xi32>
    %broadcast_in_dim3A_1023 = vector.broadcast %get3A_1022 : i32 to vector<1x1024xi32>
    %select_n3A_1024 = arith.select %eq3A_1017, %broadcast_in_dim3A_1023, %select_n3A_1004 : vector<1x1024xi1>, vector<1x1024xi32>
    %eq3A_1025 = arith.constant 21 : i32
    %eq3A_1026 = vector.broadcast %eq3A_1025 : i32 to vector<1x1024xi32>
    %eq3A_1027 = arith.cmpi eq, %select_n3A, %eq3A_1026 : vector<1x1024xi32>
    %get3A_1028 = arith.constant 0 : index
    %get3A_1029 = arith.constant 0 : index
    %get3A_1030 = arith.constant 21 : index
    %get3A_1031 = vector.load %arg4[%get3A_1028, %get3A_1029, %get3A_1030] : memref<1x1x32xi32, #tpu.memory_space<vmem>>, vector<1x1x1xi32>
    %get3A_1032 = vector.extract %get3A_1031[0, 0, 0] : i32 from vector<1x1x1xi32>
    %broadcast_in_dim3A_1033 = vector.broadcast %get3A_1032 : i32 to vector<1x1024xi32>
    %select_n3A_1034 = arith.select %eq3A_1027, %broadcast_in_dim3A_1033, %select_n3A_1014 : vector<1x1024xi1>, vector<1x1024xi32>
    %eq3A_1035 = arith.constant 21 : i32
    %eq3A_1036 = vector.broadcast %eq3A_1035 : i32 to vector<1x1024xi32>
    %eq3A_1037 = arith.cmpi eq, %select_n3A_600, %eq3A_1036 : vector<1x1024xi32>
    %get3A_1038 = arith.constant 0 : index
    %get3A_1039 = arith.constant 0 : index
    %get3A_1040 = arith.constant 21 : index
    %get3A_1041 = vector.load %arg5[%get3A_1038, %get3A_1039, %get3A_1040] : memref<1x1x32xi32, #tpu.memory_space<vmem>>, vector<1x1x1xi32>
    %get3A_1042 = vector.extract %get3A_1041[0, 0, 0] : i32 from vector<1x1x1xi32>
    %broadcast_in_dim3A_1043 = vector.broadcast %get3A_1042 : i32 to vector<1x1024xi32>
    %select_n3A_1044 = arith.select %eq3A_1037, %broadcast_in_dim3A_1043, %select_n3A_1024 : vector<1x1024xi1>, vector<1x1024xi32>
    %eq3A_1045 = arith.constant 22 : i32
    %eq3A_1046 = vector.broadcast %eq3A_1045 : i32 to vector<1x1024xi32>
    %eq3A_1047 = arith.cmpi eq, %select_n3A, %eq3A_1046 : vector<1x1024xi32>
    %get3A_1048 = arith.constant 0 : index
    %get3A_1049 = arith.constant 0 : index
    %get3A_1050 = arith.constant 22 : index
    %get3A_1051 = vector.load %arg4[%get3A_1048, %get3A_1049, %get3A_1050] : memref<1x1x32xi32, #tpu.memory_space<vmem>>, vector<1x1x1xi32>
    %get3A_1052 = vector.extract %get3A_1051[0, 0, 0] : i32 from vector<1x1x1xi32>
    %broadcast_in_dim3A_1053 = vector.broadcast %get3A_1052 : i32 to vector<1x1024xi32>
    %select_n3A_1054 = arith.select %eq3A_1047, %broadcast_in_dim3A_1053, %select_n3A_1034 : vector<1x1024xi1>, vector<1x1024xi32>
    %eq3A_1055 = arith.constant 22 : i32
    %eq3A_1056 = vector.broadcast %eq3A_1055 : i32 to vector<1x1024xi32>
    %eq3A_1057 = arith.cmpi eq, %select_n3A_600, %eq3A_1056 : vector<1x1024xi32>
    %get3A_1058 = arith.constant 0 : index
    %get3A_1059 = arith.constant 0 : index
    %get3A_1060 = arith.constant 22 : index
    %get3A_1061 = vector.load %arg5[%get3A_1058, %get3A_1059, %get3A_1060] : memref<1x1x32xi32, #tpu.memory_space<vmem>>, vector<1x1x1xi32>
    %get3A_1062 = vector.extract %get3A_1061[0, 0, 0] : i32 from vector<1x1x1xi32>
    %broadcast_in_dim3A_1063 = vector.broadcast %get3A_1062 : i32 to vector<1x1024xi32>
    %select_n3A_1064 = arith.select %eq3A_1057, %broadcast_in_dim3A_1063, %select_n3A_1044 : vector<1x1024xi1>, vector<1x1024xi32>
    %eq3A_1065 = arith.constant 23 : i32
    %eq3A_1066 = vector.broadcast %eq3A_1065 : i32 to vector<1x1024xi32>
    %eq3A_1067 = arith.cmpi eq, %select_n3A, %eq3A_1066 : vector<1x1024xi32>
    %get3A_1068 = arith.constant 0 : index
    %get3A_1069 = arith.constant 0 : index
    %get3A_1070 = arith.constant 23 : index
    %get3A_1071 = vector.load %arg4[%get3A_1068, %get3A_1069, %get3A_1070] : memref<1x1x32xi32, #tpu.memory_space<vmem>>, vector<1x1x1xi32>
    %get3A_1072 = vector.extract %get3A_1071[0, 0, 0] : i32 from vector<1x1x1xi32>
    %broadcast_in_dim3A_1073 = vector.broadcast %get3A_1072 : i32 to vector<1x1024xi32>
    %select_n3A_1074 = arith.select %eq3A_1067, %broadcast_in_dim3A_1073, %select_n3A_1054 : vector<1x1024xi1>, vector<1x1024xi32>
    %eq3A_1075 = arith.constant 23 : i32
    %eq3A_1076 = vector.broadcast %eq3A_1075 : i32 to vector<1x1024xi32>
    %eq3A_1077 = arith.cmpi eq, %select_n3A_600, %eq3A_1076 : vector<1x1024xi32>
    %get3A_1078 = arith.constant 0 : index
    %get3A_1079 = arith.constant 0 : index
    %get3A_1080 = arith.constant 23 : index
    %get3A_1081 = vector.load %arg5[%get3A_1078, %get3A_1079, %get3A_1080] : memref<1x1x32xi32, #tpu.memory_space<vmem>>, vector<1x1x1xi32>
    %get3A_1082 = vector.extract %get3A_1081[0, 0, 0] : i32 from vector<1x1x1xi32>
    %broadcast_in_dim3A_1083 = vector.broadcast %get3A_1082 : i32 to vector<1x1024xi32>
    %select_n3A_1084 = arith.select %eq3A_1077, %broadcast_in_dim3A_1083, %select_n3A_1064 : vector<1x1024xi1>, vector<1x1024xi32>
    %eq3A_1085 = arith.constant 24 : i32
    %eq3A_1086 = vector.broadcast %eq3A_1085 : i32 to vector<1x1024xi32>
    %eq3A_1087 = arith.cmpi eq, %select_n3A, %eq3A_1086 : vector<1x1024xi32>
    %get3A_1088 = arith.constant 0 : index
    %get3A_1089 = arith.constant 0 : index
    %get3A_1090 = arith.constant 24 : index
    %get3A_1091 = vector.load %arg4[%get3A_1088, %get3A_1089, %get3A_1090] : memref<1x1x32xi32, #tpu.memory_space<vmem>>, vector<1x1x1xi32>
    %get3A_1092 = vector.extract %get3A_1091[0, 0, 0] : i32 from vector<1x1x1xi32>
    %broadcast_in_dim3A_1093 = vector.broadcast %get3A_1092 : i32 to vector<1x1024xi32>
    %select_n3A_1094 = arith.select %eq3A_1087, %broadcast_in_dim3A_1093, %select_n3A_1074 : vector<1x1024xi1>, vector<1x1024xi32>
    %eq3A_1095 = arith.constant 24 : i32
    %eq3A_1096 = vector.broadcast %eq3A_1095 : i32 to vector<1x1024xi32>
    %eq3A_1097 = arith.cmpi eq, %select_n3A_600, %eq3A_1096 : vector<1x1024xi32>
    %get3A_1098 = arith.constant 0 : index
    %get3A_1099 = arith.constant 0 : index
    %get3A_1100 = arith.constant 24 : index
    %get3A_1101 = vector.load %arg5[%get3A_1098, %get3A_1099, %get3A_1100] : memref<1x1x32xi32, #tpu.memory_space<vmem>>, vector<1x1x1xi32>
    %get3A_1102 = vector.extract %get3A_1101[0, 0, 0] : i32 from vector<1x1x1xi32>
    %broadcast_in_dim3A_1103 = vector.broadcast %get3A_1102 : i32 to vector<1x1024xi32>
    %select_n3A_1104 = arith.select %eq3A_1097, %broadcast_in_dim3A_1103, %select_n3A_1084 : vector<1x1024xi1>, vector<1x1024xi32>
    %eq3A_1105 = arith.constant 25 : i32
    %eq3A_1106 = vector.broadcast %eq3A_1105 : i32 to vector<1x1024xi32>
    %eq3A_1107 = arith.cmpi eq, %select_n3A, %eq3A_1106 : vector<1x1024xi32>
    %get3A_1108 = arith.constant 0 : index
    %get3A_1109 = arith.constant 0 : index
    %get3A_1110 = arith.constant 25 : index
    %get3A_1111 = vector.load %arg4[%get3A_1108, %get3A_1109, %get3A_1110] : memref<1x1x32xi32, #tpu.memory_space<vmem>>, vector<1x1x1xi32>
    %get3A_1112 = vector.extract %get3A_1111[0, 0, 0] : i32 from vector<1x1x1xi32>
    %broadcast_in_dim3A_1113 = vector.broadcast %get3A_1112 : i32 to vector<1x1024xi32>
    %select_n3A_1114 = arith.select %eq3A_1107, %broadcast_in_dim3A_1113, %select_n3A_1094 : vector<1x1024xi1>, vector<1x1024xi32>
    %eq3A_1115 = arith.constant 25 : i32
    %eq3A_1116 = vector.broadcast %eq3A_1115 : i32 to vector<1x1024xi32>
    %eq3A_1117 = arith.cmpi eq, %select_n3A_600, %eq3A_1116 : vector<1x1024xi32>
    %get3A_1118 = arith.constant 0 : index
    %get3A_1119 = arith.constant 0 : index
    %get3A_1120 = arith.constant 25 : index
    %get3A_1121 = vector.load %arg5[%get3A_1118, %get3A_1119, %get3A_1120] : memref<1x1x32xi32, #tpu.memory_space<vmem>>, vector<1x1x1xi32>
    %get3A_1122 = vector.extract %get3A_1121[0, 0, 0] : i32 from vector<1x1x1xi32>
    %broadcast_in_dim3A_1123 = vector.broadcast %get3A_1122 : i32 to vector<1x1024xi32>
    %select_n3A_1124 = arith.select %eq3A_1117, %broadcast_in_dim3A_1123, %select_n3A_1104 : vector<1x1024xi1>, vector<1x1024xi32>
    %eq3A_1125 = arith.constant 26 : i32
    %eq3A_1126 = vector.broadcast %eq3A_1125 : i32 to vector<1x1024xi32>
    %eq3A_1127 = arith.cmpi eq, %select_n3A, %eq3A_1126 : vector<1x1024xi32>
    %get3A_1128 = arith.constant 0 : index
    %get3A_1129 = arith.constant 0 : index
    %get3A_1130 = arith.constant 26 : index
    %get3A_1131 = vector.load %arg4[%get3A_1128, %get3A_1129, %get3A_1130] : memref<1x1x32xi32, #tpu.memory_space<vmem>>, vector<1x1x1xi32>
    %get3A_1132 = vector.extract %get3A_1131[0, 0, 0] : i32 from vector<1x1x1xi32>
    %broadcast_in_dim3A_1133 = vector.broadcast %get3A_1132 : i32 to vector<1x1024xi32>
    %select_n3A_1134 = arith.select %eq3A_1127, %broadcast_in_dim3A_1133, %select_n3A_1114 : vector<1x1024xi1>, vector<1x1024xi32>
    %eq3A_1135 = arith.constant 26 : i32
    %eq3A_1136 = vector.broadcast %eq3A_1135 : i32 to vector<1x1024xi32>
    %eq3A_1137 = arith.cmpi eq, %select_n3A_600, %eq3A_1136 : vector<1x1024xi32>
    %get3A_1138 = arith.constant 0 : index
    %get3A_1139 = arith.constant 0 : index
    %get3A_1140 = arith.constant 26 : index
    %get3A_1141 = vector.load %arg5[%get3A_1138, %get3A_1139, %get3A_1140] : memref<1x1x32xi32, #tpu.memory_space<vmem>>, vector<1x1x1xi32>
    %get3A_1142 = vector.extract %get3A_1141[0, 0, 0] : i32 from vector<1x1x1xi32>
    %broadcast_in_dim3A_1143 = vector.broadcast %get3A_1142 : i32 to vector<1x1024xi32>
    %select_n3A_1144 = arith.select %eq3A_1137, %broadcast_in_dim3A_1143, %select_n3A_1124 : vector<1x1024xi1>, vector<1x1024xi32>
    %eq3A_1145 = arith.constant 27 : i32
    %eq3A_1146 = vector.broadcast %eq3A_1145 : i32 to vector<1x1024xi32>
    %eq3A_1147 = arith.cmpi eq, %select_n3A, %eq3A_1146 : vector<1x1024xi32>
    %get3A_1148 = arith.constant 0 : index
    %get3A_1149 = arith.constant 0 : index
    %get3A_1150 = arith.constant 27 : index
    %get3A_1151 = vector.load %arg4[%get3A_1148, %get3A_1149, %get3A_1150] : memref<1x1x32xi32, #tpu.memory_space<vmem>>, vector<1x1x1xi32>
    %get3A_1152 = vector.extract %get3A_1151[0, 0, 0] : i32 from vector<1x1x1xi32>
    %broadcast_in_dim3A_1153 = vector.broadcast %get3A_1152 : i32 to vector<1x1024xi32>
    %select_n3A_1154 = arith.select %eq3A_1147, %broadcast_in_dim3A_1153, %select_n3A_1134 : vector<1x1024xi1>, vector<1x1024xi32>
    %eq3A_1155 = arith.constant 27 : i32
    %eq3A_1156 = vector.broadcast %eq3A_1155 : i32 to vector<1x1024xi32>
    %eq3A_1157 = arith.cmpi eq, %select_n3A_600, %eq3A_1156 : vector<1x1024xi32>
    %get3A_1158 = arith.constant 0 : index
    %get3A_1159 = arith.constant 0 : index
    %get3A_1160 = arith.constant 27 : index
    %get3A_1161 = vector.load %arg5[%get3A_1158, %get3A_1159, %get3A_1160] : memref<1x1x32xi32, #tpu.memory_space<vmem>>, vector<1x1x1xi32>
    %get3A_1162 = vector.extract %get3A_1161[0, 0, 0] : i32 from vector<1x1x1xi32>
    %broadcast_in_dim3A_1163 = vector.broadcast %get3A_1162 : i32 to vector<1x1024xi32>
    %select_n3A_1164 = arith.select %eq3A_1157, %broadcast_in_dim3A_1163, %select_n3A_1144 : vector<1x1024xi1>, vector<1x1024xi32>
    %eq3A_1165 = arith.constant 28 : i32
    %eq3A_1166 = vector.broadcast %eq3A_1165 : i32 to vector<1x1024xi32>
    %eq3A_1167 = arith.cmpi eq, %select_n3A, %eq3A_1166 : vector<1x1024xi32>
    %get3A_1168 = arith.constant 0 : index
    %get3A_1169 = arith.constant 0 : index
    %get3A_1170 = arith.constant 28 : index
    %get3A_1171 = vector.load %arg4[%get3A_1168, %get3A_1169, %get3A_1170] : memref<1x1x32xi32, #tpu.memory_space<vmem>>, vector<1x1x1xi32>
    %get3A_1172 = vector.extract %get3A_1171[0, 0, 0] : i32 from vector<1x1x1xi32>
    %broadcast_in_dim3A_1173 = vector.broadcast %get3A_1172 : i32 to vector<1x1024xi32>
    %select_n3A_1174 = arith.select %eq3A_1167, %broadcast_in_dim3A_1173, %select_n3A_1154 : vector<1x1024xi1>, vector<1x1024xi32>
    %eq3A_1175 = arith.constant 28 : i32
    %eq3A_1176 = vector.broadcast %eq3A_1175 : i32 to vector<1x1024xi32>
    %eq3A_1177 = arith.cmpi eq, %select_n3A_600, %eq3A_1176 : vector<1x1024xi32>
    %get3A_1178 = arith.constant 0 : index
    %get3A_1179 = arith.constant 0 : index
    %get3A_1180 = arith.constant 28 : index
    %get3A_1181 = vector.load %arg5[%get3A_1178, %get3A_1179, %get3A_1180] : memref<1x1x32xi32, #tpu.memory_space<vmem>>, vector<1x1x1xi32>
    %get3A_1182 = vector.extract %get3A_1181[0, 0, 0] : i32 from vector<1x1x1xi32>
    %broadcast_in_dim3A_1183 = vector.broadcast %get3A_1182 : i32 to vector<1x1024xi32>
    %select_n3A_1184 = arith.select %eq3A_1177, %broadcast_in_dim3A_1183, %select_n3A_1164 : vector<1x1024xi1>, vector<1x1024xi32>
    %eq3A_1185 = arith.constant 29 : i32
    %eq3A_1186 = vector.broadcast %eq3A_1185 : i32 to vector<1x1024xi32>
    %eq3A_1187 = arith.cmpi eq, %select_n3A, %eq3A_1186 : vector<1x1024xi32>
    %get3A_1188 = arith.constant 0 : index
    %get3A_1189 = arith.constant 0 : index
    %get3A_1190 = arith.constant 29 : index
    %get3A_1191 = vector.load %arg4[%get3A_1188, %get3A_1189, %get3A_1190] : memref<1x1x32xi32, #tpu.memory_space<vmem>>, vector<1x1x1xi32>
    %get3A_1192 = vector.extract %get3A_1191[0, 0, 0] : i32 from vector<1x1x1xi32>
    %broadcast_in_dim3A_1193 = vector.broadcast %get3A_1192 : i32 to vector<1x1024xi32>
    %select_n3A_1194 = arith.select %eq3A_1187, %broadcast_in_dim3A_1193, %select_n3A_1174 : vector<1x1024xi1>, vector<1x1024xi32>
    %eq3A_1195 = arith.constant 29 : i32
    %eq3A_1196 = vector.broadcast %eq3A_1195 : i32 to vector<1x1024xi32>
    %eq3A_1197 = arith.cmpi eq, %select_n3A_600, %eq3A_1196 : vector<1x1024xi32>
    %get3A_1198 = arith.constant 0 : index
    %get3A_1199 = arith.constant 0 : index
    %get3A_1200 = arith.constant 29 : index
    %get3A_1201 = vector.load %arg5[%get3A_1198, %get3A_1199, %get3A_1200] : memref<1x1x32xi32, #tpu.memory_space<vmem>>, vector<1x1x1xi32>
    %get3A_1202 = vector.extract %get3A_1201[0, 0, 0] : i32 from vector<1x1x1xi32>
    %broadcast_in_dim3A_1203 = vector.broadcast %get3A_1202 : i32 to vector<1x1024xi32>
    %select_n3A_1204 = arith.select %eq3A_1197, %broadcast_in_dim3A_1203, %select_n3A_1184 : vector<1x1024xi1>, vector<1x1024xi32>
    %eq3A_1205 = arith.constant 30 : i32
    %eq3A_1206 = vector.broadcast %eq3A_1205 : i32 to vector<1x1024xi32>
    %eq3A_1207 = arith.cmpi eq, %select_n3A, %eq3A_1206 : vector<1x1024xi32>
    %get3A_1208 = arith.constant 0 : index
    %get3A_1209 = arith.constant 0 : index
    %get3A_1210 = arith.constant 30 : index
    %get3A_1211 = vector.load %arg4[%get3A_1208, %get3A_1209, %get3A_1210] : memref<1x1x32xi32, #tpu.memory_space<vmem>>, vector<1x1x1xi32>
    %get3A_1212 = vector.extract %get3A_1211[0, 0, 0] : i32 from vector<1x1x1xi32>
    %broadcast_in_dim3A_1213 = vector.broadcast %get3A_1212 : i32 to vector<1x1024xi32>
    %select_n3A_1214 = arith.select %eq3A_1207, %broadcast_in_dim3A_1213, %select_n3A_1194 : vector<1x1024xi1>, vector<1x1024xi32>
    %eq3A_1215 = arith.constant 30 : i32
    %eq3A_1216 = vector.broadcast %eq3A_1215 : i32 to vector<1x1024xi32>
    %eq3A_1217 = arith.cmpi eq, %select_n3A_600, %eq3A_1216 : vector<1x1024xi32>
    %get3A_1218 = arith.constant 0 : index
    %get3A_1219 = arith.constant 0 : index
    %get3A_1220 = arith.constant 30 : index
    %get3A_1221 = vector.load %arg5[%get3A_1218, %get3A_1219, %get3A_1220] : memref<1x1x32xi32, #tpu.memory_space<vmem>>, vector<1x1x1xi32>
    %get3A_1222 = vector.extract %get3A_1221[0, 0, 0] : i32 from vector<1x1x1xi32>
    %broadcast_in_dim3A_1223 = vector.broadcast %get3A_1222 : i32 to vector<1x1024xi32>
    %select_n3A_1224 = arith.select %eq3A_1217, %broadcast_in_dim3A_1223, %select_n3A_1204 : vector<1x1024xi1>, vector<1x1024xi32>
    %eq3A_1225 = arith.constant 31 : i32
    %eq3A_1226 = vector.broadcast %eq3A_1225 : i32 to vector<1x1024xi32>
    %eq3A_1227 = arith.cmpi eq, %select_n3A, %eq3A_1226 : vector<1x1024xi32>
    %get3A_1228 = arith.constant 0 : index
    %get3A_1229 = arith.constant 0 : index
    %get3A_1230 = arith.constant 31 : index
    %get3A_1231 = vector.load %arg4[%get3A_1228, %get3A_1229, %get3A_1230] : memref<1x1x32xi32, #tpu.memory_space<vmem>>, vector<1x1x1xi32>
    %get3A_1232 = vector.extract %get3A_1231[0, 0, 0] : i32 from vector<1x1x1xi32>
    %broadcast_in_dim3A_1233 = vector.broadcast %get3A_1232 : i32 to vector<1x1024xi32>
    %select_n3A_1234 = arith.select %eq3A_1227, %broadcast_in_dim3A_1233, %select_n3A_1214 : vector<1x1024xi1>, vector<1x1024xi32>
    %eq3A_1235 = arith.constant 31 : i32
    %eq3A_1236 = vector.broadcast %eq3A_1235 : i32 to vector<1x1024xi32>
    %eq3A_1237 = arith.cmpi eq, %select_n3A_600, %eq3A_1236 : vector<1x1024xi32>
    %get3A_1238 = arith.constant 0 : index
    %get3A_1239 = arith.constant 0 : index
    %get3A_1240 = arith.constant 31 : index
    %get3A_1241 = vector.load %arg5[%get3A_1238, %get3A_1239, %get3A_1240] : memref<1x1x32xi32, #tpu.memory_space<vmem>>, vector<1x1x1xi32>
    %get3A_1242 = vector.extract %get3A_1241[0, 0, 0] : i32 from vector<1x1x1xi32>
    %broadcast_in_dim3A_1243 = vector.broadcast %get3A_1242 : i32 to vector<1x1024xi32>
    %select_n3A_1244 = arith.select %eq3A_1237, %broadcast_in_dim3A_1243, %select_n3A_1224 : vector<1x1024xi1>, vector<1x1024xi32>
    %swap3A_1245 = arith.constant 0 : index
    %swap3A_1246 = arith.constant 0 : index
    %swap3A_1247 = arith.constant 0 : index
    %swap3A_1248 = vector.load %arg7[%swap3A_1245, %swap3A_1246, %swap3A_1247] : memref<1x2x1024xi32, #tpu.memory_space<vmem>>, vector<1x1x1024xi32>
    %swap3A_1249 = vector.shape_cast %swap3A_1248 : vector<1x1x1024xi32> to vector<1x1024xi32>
    %swap3A_1250 = vector.shape_cast %select_n3A_1234 : vector<1x1024xi32> to vector<1x1x1024xi32>
    tpu.vector_store %arg7[%swap3A_1245, %swap3A_1246, %swap3A_1247], %swap3A_1250 {strides = array<i32>} : memref<1x2x1024xi32, #tpu.memory_space<vmem>>, vector<1x1x1024xi32>,
    %swap3A_1251 = arith.constant 0 : index
    %swap3A_1252 = arith.constant 1 : index
    %swap3A_1253 = arith.constant 0 : index
    %swap3A_1254 = vector.load %arg7[%swap3A_1251, %swap3A_1252, %swap3A_1253] : memref<1x2x1024xi32, #tpu.memory_space<vmem>>, vector<1x1x1024xi32>
    %swap3A_1255 = vector.shape_cast %swap3A_1254 : vector<1x1x1024xi32> to vector<1x1024xi32>
    %swap3A_1256 = vector.shape_cast %select_n3A_1244 : vector<1x1024xi32> to vector<1x1x1024xi32>
    tpu.vector_store %arg7[%swap3A_1251, %swap3A_1252, %swap3A_1253], %swap3A_1256 {strides = array<i32>} : memref<1x2x1024xi32, #tpu.memory_space<vmem>>, vector<1x1x1024xi32>,
    return
  }
  func.func @transform_0(%arg0: i32) -> (i32, i32) {
    %c0_i32 = arith.constant 0 : i32
    %c0_i32_0 = arith.constant 0 : i32
    return %arg0, %c0_i32 : i32, i32
  }
  func.func @transform_1(%arg0: i32) -> (i32, i32, i32) {
    %c0_i32 = arith.constant 0 : i32
    %c0_i32_0 = arith.constant 0 : i32
    %c0_i32_1 = arith.constant 0 : i32
    return %arg0, %c0_i32, %c0_i32_0 : i32, i32, i32
  }
  func.func @transform_2(%arg0: i32) -> (i32, i32) {
    %c0_i32 = arith.constant 0 : i32
    %c0_i32_0 = arith.constant 0 : i32
    %c0_i32_1 = arith.constant 0 : i32
    return %c0_i32, %c0_i32_0 : i32, i32
  }
  func.func @transform_3(%arg0: i32) -> (i32, i32, i32) {
    %c0_i32 = arith.constant 0 : i32
    %c0_i32_0 = arith.constant 0 : i32
    %c0_i32_1 = arith.constant 0 : i32
    return %arg0, %c0_i32, %c0_i32_0 : i32, i32, i32
  }
  func.func @transform_4(%arg0: i32) -> (i32, i32, i32) {
    %c0_i32 = arith.constant 0 : i32
    %c0_i32_0 = arith.constant 0 : i32
    %c0_i32_1 = arith.constant 0 : i32
    return %arg0, %c0_i32, %c0_i32_0 : i32, i32, i32
  }
  func.func @transform_5(%arg0: i32) -> (i32, i32, i32) {
    %c0_i32 = arith.constant 0 : i32
    %c0_i32_0 = arith.constant 0 : i32
    %c0_i32_1 = arith.constant 0 : i32
    return %arg0, %c0_i32, %c0_i32_0 : i32, i32, i32
  }
  func.func @transform_6(%arg0: i32) -> (i32, i32, i32) {
    %c0_i32 = arith.constant 0 : i32
    %c0_i32_0 = arith.constant 0 : i32
    %c0_i32_1 = arith.constant 0 : i32
    return %arg0, %c0_i32, %c0_i32_0 : i32, i32, i32
  }
}

</mosaic_0001>

<sc_bundles>
// kernel: kernel.4.cloned.1.call-start
scs
__scs_entry_jumppad:
0x0: {  	(pc) =	sbr.rel $0x88, $3  }
0x1: {  	(tag) =	ssettag $0x0;
	lr =	simm.s32 $0x1  }
0x2: {  	[smem:$0x3F9C] =	sst lr;
	_ =	strace $0xD0000000  }
0x3: {  	_ = 	snop  }
0x4: {  	_ = 	snop  }
0x5: {  	_ = 	snop  }
0x6: {  	_ = 	snop  }
0x7: {  	_ = 	snop  }
__scs_overlays_trampoline_lowered:
0x8: {  	[smem:$0x3FAB] =	sst s0  }
0x9: {  	[smem:$0x3FAC] =	sst s1  }
0xa: {  	[smem:$0x3FAD] =	sst s2  }
0xb: {  	[smem:$0x3FAE] =	sst s3  }
0xc: {  	[smem:$0x3FAF] =	sst s4  }
0xd: {  	[smem:$0x3FB0] =	sst s5  }
0xe: {  	[smem:$0x3FB1] =	sst s6  }
0xf: {  	[smem:$0x3FB2] =	sst s7  }
0x10: {  	[smem:$0x3FB3] =	sst s8  }
0x11: {  	[smem:$0x3FB4] =	sst s9;
	s0 =	simm.s32 @!p0 $0x0  }
0x12: {  	s1 =	sld [smem:$0x3F9A];
	s0 =	simm.s32 @p0 $0x1  }
0x13: {  	[smem:$0x3FB5] =	sst s0;
	s0 =	simm.s32 @!p1 $0x0  }
0x14: {  	s2 =	sld [smem:$0x3F99];
	s0 =	simm.s32 @p1 $0x1  }
0x15: {  	[smem:$0x3FB6] =	sst s0;
	s0 =	simm.s32 @!p2 $0x0  }
0x16: {  	s3 =	sld [smem:$0x3FDB];
	s0 =	simm.s32 @p2 $0x1  }
0x17: {  	s4 =	simm.s32 $0x1BF5;
	[smem:$0x3FB8] =	sst s0  }
0x18: {  	s0 =	sld [smem:$0x3F9B];
	_ =	swait.ge [sflag:s4], $0x0  }
0x19: {  	s7 =	sld [smem:$0x3F9C]  }
0x1a: {  	s8 =	sadd.s32 $0xFFFFE003, lr  }
0x1b: {  	s9 =	sadd.s32 $0xFFFFFEF7, lr;
	s5 =	simm.s32 $0xFFFFFFFF;
	p2 =	slt.u32 s8, $0xFFFFF086  }
0x1c: {  	p1 =	slt.u32 s9, $0xF7A;
	s5 =	simm.s32 @!p2 $0x0  }
0x1d: {  	s5 =	simm.s32 @p1 $0x1;
	p0 =	seq.s32 s7, s2  }
0x1e: {  	s7 =	smul.u32 @!p0 $0xF7A, s2;
	p2 =	seq.s32 @!p0 s5, $0x0  }
0x1f: {  	s9 =	smul.u32 $0xF7A, s1;
	s8 =	simm.s32 @!p0 $0x1BF5;
	p2 =	por !p2, p0  }
0x20: {  	[sflag:s8] =	ssyncset.s32 @!p0 $0xFFFFF086;
	s6 =	sadd.s32 @!p0 s3, s7;
	s7 =	simm.s32 @!p0 $0x108  }
0x21: {  	s3 =	sadd.s32 s3, s9;
	s6 =	sadd.s32 @!p0 $0x88, s6;
	s7 =	simm.s32 @p2 $0x1082  }
0x22: {  	[simem:s7], [sflag:s8] =	dma.local @!p0 [hbm:s6], $0xF7A  }
0x23: {  	s9 =	sor.u32 $0xD0000000, s2;
	s6 =	simm.s32 $0x108;
	_ =	swait.ge @!p0 [sflag:s8], $0x0  }
0x24: {  	s3 =	sadd.s32 $0x88, s3;
	s6 =	simm.s32 @!p1 $0x1082;
	[sflag:s4] =	ssyncset.s32 $0xFFFFF086  }
0x25: {  	[simem:s6], [sflag:s4] =	dma.local [hbm:s3], $0xF7A  }
0x26: {  	[smem:$0x3F9C] =	sst s1;
	(tag) =	ssettag s2;
	_ =	strace s9  }
0x27: {  	s1 =	sld [smem:$0x3FAC]  }
0x28: {  	s2 =	sld [smem:$0x3FAD]  }
0x29: {  	s4 =	sld [smem:$0x3FAF]  }
0x2a: {  	p0 =	seq.s32 s5, $0x0;
	s5 =	sld [smem:$0x3FB0]  }
0x2b: {  	s6 =	sld [smem:$0x3FB1]  }
0x2c: {  	s7 =	sld [smem:$0x3FB2]  }
0x2d: {  	s3 =	simm.s32 $0x108;
	s8 =	sld [smem:$0x3FB3]  }
0x2e: {  	s3 =	simm.s32 @!p0 $0x1082;
	s9 =	sld [smem:$0x3FB4]  }
0x2f: {  	lr =	sadd.s32 s0, s3;
	s0 =	sld [smem:$0x3FAB]  }
0x30: {  	s3 =	sld [smem:$0x3FAE]  }
0x31: {  	[smem:$0x3FB7] =	sst s10  }
0x32: {  	s10 =	sld [smem:$0x3FB5];
	_ =	sdelay $0x3  }
0x33: {  	p0 =	seq.s32 s10, $0x1;
	s10 =	sld [smem:$0x3FB7];
	_ =	sdelay $0x3  }
0x34: {  	[smem:$0x3FB7] =	sst s10  }
0x35: {  	s10 =	sld [smem:$0x3FB6];
	_ =	sdelay $0x3  }
0x36: {  	p1 =	seq.s32 s10, $0x1;
	s10 =	sld [smem:$0x3FB7];
	_ =	sdelay $0x3  }
0x37: {  	[smem:$0x3FB7] =	sst s10  }
0x38: {  	s10 =	sld [smem:$0x3FB8]  }
0x39: {  	_ = 	snop;
	(pc) =	sbr.ind lr, $3  }
0x3a: {  	_ = 	snop  }
0x3b: {  	_ = 	snop  }
0x3c: {  	p2 =	seq.s32 s10, $0x1;
	s10 =	sld [smem:$0x3FB7]  }
0x3d: {  	_ =	shalt  }
0x3e: {  	_ =	shalt  }
0x3f: {  	_ =	shalt  }
0x40: {  	_ =	shalt  }
0x41: {  	_ =	shalt  }
0x42: {  	_ =	shalt  }
0x43: {  	_ =	shalt  }
0x44: {  	_ =	shalt  }
0x45: {  	_ =	shalt  }
0x46: {  	_ =	shalt  }
0x47: {  	_ =	shalt  }
0x48: {  	_ =	shalt  }
0x49: {  	_ =	shalt  }
0x4a: {  	_ =	shalt  }
0x4b: {  	_ =	shalt  }
0x4c: {  	_ =	shalt  }
0x4d: {  	_ =	shalt  }
0x4e: {  	_ =	shalt  }
0x4f: {  	_ =	shalt  }
0x50: {  	_ =	shalt  }
0x51: {  	_ =	shalt  }
0x52: {  	_ =	shalt  }
0x53: {  	_ =	shalt  }
0x54: {  	_ =	shalt  }
0x55: {  	_ =	shalt  }
0x56: {  	_ =	shalt  }
0x57: {  	_ =	shalt  }
0x58: {  	_ =	shalt  }
0x59: {  	_ =	shalt  }
0x5a: {  	_ =	shalt  }
0x5b: {  	_ =	shalt  }
0x5c: {  	_ =	shalt  }
0x5d: {  	_ =	shalt  }
0x5e: {  	_ =	shalt  }
0x5f: {  	_ =	shalt  }
0x60: {  	_ =	shalt  }
0x61: {  	_ =	shalt  }
0x62: {  	_ =	shalt  }
0x63: {  	_ =	shalt  }
0x64: {  	_ =	shalt  }
0x65: {  	_ =	shalt  }
0x66: {  	_ =	shalt  }
0x67: {  	_ =	shalt  }
0x68: {  	_ =	shalt  }
0x69: {  	_ =	shalt  }
0x6a: {  	_ =	shalt  }
0x6b: {  	_ =	shalt  }
0x6c: {  	_ =	shalt  }
0x6d: {  	_ =	shalt  }
0x6e: {  	_ =	shalt  }
0x6f: {  	_ =	shalt  }
0x70: {  	_ =	shalt  }
0x71: {  	_ =	shalt  }
0x72: {  	_ =	shalt  }
0x73: {  	_ =	shalt  }
0x74: {  	_ =	shalt  }
0x75: {  	_ =	shalt  }
0x76: {  	_ =	shalt  }
0x77: {  	_ =	shalt  }
0x78: {  	_ =	shalt  }
0x79: {  	_ =	shalt  }
0x7a: {  	_ =	shalt  }
0x7b: {  	_ =	shalt  }
0x7c: {  	_ =	shalt  }
0x7d: {  	_ =	shalt  }
0x7e: {  	_ =	shalt  }
0x7f: {  	_ =	shalt  }
0x80: {  	_ =	shalt  }
0x81: {  	_ =	shalt  }
0x82: {  	_ =	shalt  }
0x83: {  	_ =	shalt  }
0x84: {  	_ =	shalt  }
0x85: {  	_ =	shalt  }
0x86: {  	_ =	shalt  }
0x87: {  	_ =	shalt  }
.Lfunc_end0:
.L_simem_size_0:
called_computation_lowered:
.L_overlay_start_0:
0x88: {  	s2 =	sld [smem:$0x3FD9]  }
0x89: {  	s3 =	sld [smem:$0x3FFE];
	_ =	sdelay $0x1  }
0x8a: {  	s1 =	srdreg.scid  }
0x8b: {  	s0 =	sand.u32 $0x1, s1  }
0x8c: {  	s14 =	sshll.u32 s0, $0xA;
	s2 =	sadd.s32 s3, s2  }
0x8d: {  	s2 =	sadd.s32 s2, s14  }
0x8e: {  	[smem:$0x3FC3] =	sst s2  }
0x8f: {  	_ = 	snop  }
0x90: {  	s2 =	sld [smem:$0x3FD0];
	_ =	sdelay $0x2  }
0x91: {  	s4 =	simm.s32 $0xA;
	s5 =	simm.s32 $0x10;
	s15 =	sld [smem:$0x3FC9]  }
0x92: {  	[smem:s5], [sflag:s4] =	dma.local [hbm:s2], $0x1  }
0x93: {  	_ =	swait.eq [sflag:s4], $0x1  }
0x94: {  	[sflag:s4] =	ssyncset.done $0x0  }
0x95: {  	s16 =	sld [smem:$0x10];
	[sflag:s4] =	ssyncadd.s32 $0xFFFFFFFF  }
0x96: {  	s17 =	sld [smem:$0x11];
	(tm) =	ssettm $0x1  }
0x97: {  	s18 =	sld [smem:$0x3FFB];
	_ =	sdelay $0x3  }
0x98: {  	_ =	strace s18  }
0x99: {  	s5 =	sld [smem:$0x3FFC];
	_ =	sdelay $0x3  }
0x9a: {  	_ =	strace s5  }
0x9b: {  	s5 =	sld [smem:$0x3FFD];
	_ =	sdelay $0x3  }
0x9c: {  	_ =	strace s5  }
0x9d: {  	_ =	strace $0x8FFFFFFF  }
0x9e: {  	s19 =	sld [smem:$0x3FDB];
	_ =	sdelay $0x1  }
0x9f: {  	s6 =	simm.s32 $_scs_section_size  }
0xa0: {  	s7 =	simm.s32 $_size__tile_overlayer_lowered;
	s8 =	simm.s32 $_tile_overlayer_lowered  }
0xa1: {  	s22 =	simm.s32 $0x1BFF;
	s21 =	sshll.u32 s8, $0x1;
	s5 =	sadd.s32 s6, s19  }
0xa2: {  	s9 =	simm.s32 $0x0;
	s20 =	sshll.u32 s7, $0x1;
	s7 =	sadd.s32 s21, s5  }
0xa3: {  	[timem:s9], [sflag:s22] =	dma.local [hbm:s7], s20  }
0xa4: {  	_ =	swait.ge [sflag:s22], s20  }
0xa5: {  	s6 =	ssub.s32 $0x0, s20;
	[sflag:s22] =	ssyncset.done $0x0  }
0xa6: {  	[sflag:s22] =	ssyncadd.s32 s6;
	_ =	sdelay $0x1  }
0xa7: {  	s23 =	simm.s32 $0x1B8B  }
0xa8: {  	_ =	swait.ge [sflag:s23], $0x1  }
0xa9: {  	[sflag:s23] =	ssyncset.done $0x0  }
0xaa: {  	s25 =	simm.s32 $0x1B8E;
	s24 =	sld [smem:$0x3FFE];
	[sflag:s23] =	ssyncadd.s32 $0xFFFFFFFF  }
0xab: {  	s26 =	simm.s32 $execute0_lowered;
	[smem:$0x3FD2] =	sst s25  }
0xac: {  	s7 =	sshll.u32 s26, $0x1;
	_ =	strace $0x80000046;
	[dreg:$0x1] =	wrdreg $0xFFFFFFFF  }
0xad: {  	s28 =	simm.s32 $_size_execute0_lowered;
	s5 =	sadd.s32 s5, s7;
	[dreg:$0x0] =	wrdreg $0x0  }
0xae: {  	s7 =	sshll.u32 s28, $0x1;
	[dreg:$0x2] =	wrdreg s5  }
0xaf: {  	[dreg:$0x3] =	wrdreg s7  }
0xb0: {  	[dreg:$0x4] =	wrdreg $0xC0  }
0xb1: {  	_ =	task [dreg:s9], $0x5FFFF  }
0xb2: {  	[dreg:$0x1] =	wrdreg $0xFFFFFFFF  }
0xb3: {  	[dreg:$0x0] =	wrdreg $0x60  }
0xb4: {  	[dreg:$0x2] =	wrdreg s15  }
0xb5: {  	[dreg:$0x3] =	wrdreg s24  }
0xb6: {  	[dreg:$0x4] =	wrdreg s17  }
0xb7: {  	[dreg:$0x5] =	wrdreg s16  }
0xb8: {  	[dreg:$0x6] =	wrdreg $0x9  }
0xb9: {  	_ =	task.clear_ibuf [dreg:s9], $0x7FFFF;
	_ =	strace $0x90000046  }
0xba: {  	s29 =	simm.s32 $0x9;
	_ =	strace $0x80000048  }
0xbb: {  	_ =	swait.ge [sflag:s29], $0x1  }
0xbc: {  	[sflag:s29] =	ssyncadd.s32 $0xFFFFFFFF  }
0xbd: {  	_ =	strace $0x90000048  }
0xbe: {  	_ =	sfence  }
0xbf: {  	s30 =	sld [smem:$0x0];
	_ =	sdelay $0x2  }
0xc0: {  	s31 =	sshll.u32 s1, $0xD;
	s1 =	sshrl.u32 s1, $0x2  }
0xc1: {  	s3 =	sand.u32 $0x4000, s31;
	s1 =	sadd.s32 s1, s30  }
0xc2: {  	s0 =	sor.u32 s3, s0;
	s1 =	sshll.u32 s1, $0x11  }
0xc3: {  	s0 =	sor.u32 s1, s0  }
0xc4: {  	s0 =	sadd.s32 $0x8F2B, s0  }
0xc5: {  	[sflag:s0] =	ssyncadd.remote.s32 $0x1  }
0xc6: {  	_ =	sfence.sel $0xFFFF  }
0xc7: {  	[dreg:$0x0] =	wrdreg $0xFFFFFFFF;
	(pc) =	sbr.abs _section_cstart, $3  }
0xc8: {  	[dreg:$0x1] =	wrdreg $0xFFFFFFFF  }
0xc9: {  	_ =	task.clear_ibuf [dreg:s9], $0x2FFFF;
	_ =	strace $0x9FFFFFFF  }
0xca: {  	(tm) =	ssettm $0x7FFFFFFF  }
0xcb: {  	_ =	shalt  }
tec
execute0_lowered:
.L_overlay_start_1:
0x0: {  	(tag) =	ssettag $0x1  }
0x1: {  	s1 =	rddreg [dreg:$0x0]  }
0x2: {  	s0 =	rddreg [dreg:$0x1]  }
0x3: {  	s2 =	rddreg [dreg:$0x3];
	s3 =	srdreg.scid  }
0x4: {  	s10 =	stileid.u32;
	s4 =	simm.s32 $0x0;
	s16 =	simm.s32 $0x200  }
0x5: {  	s17 =	simm.s32 $0x400;
	s18 =	simm.s32 $0x1;
	s15 =	simm.s32 $0x2  }
0x6: {  	s20 =	simm.s32 $0x0;
	s3 =	sand.u32 $0x1, s3;
	s5 =	sshll.u32 s10, $0x5  }
0x7: {  	[smem:$0x7FF] =	sst s4;
	s6 =	sadd.s32 $0x1A00, s0;
	s22 =	sshll.u32 s10, $0x2  }
0x8: {  	s8 =	sshll.u32 s10, $0x6;
	s28 =	sshll.u32 s10, $0xB;
	s11 =	sshll.u32 s3, $0x4  }
0x9: {  	_ =	strace $0x80000047;
	[dreg:$0x6] =	wrdreg s6;
	s6 =	sadd.s32 s22, s0  }
0xa: {  	s7 =	ssub.s32 $0x2, s3;
	s3 =	sshll.u32 s3, $0x9;
	s5 =	sor.u32 s11, s5  }
0xb: {  	s9 =	sshrl.u32 s7, $0x1;
	[dreg:$0x5] =	wrdreg s11;
	s8 =	sor.u32 s11, s8  }
0xc: {  	s6 =	sadd.s32 $0x1800, s6;
	s5 =	sshrl.u32 s5, $0x3;
	s23 =	ssub.s32 s7, s9  }
0xd: {  	s24 =	sshrl.u32 s8, $0x3;
	[dreg:$0x8] =	wrdreg s6;
	s5 =	sadd.s32 s5, s0  }
0xe: {  	s0 =	sadd.s32 s3, s0;
	s26 =	smul.u32 $0x300, s24;
	s31 =	smax.u32 s23, $0x1  }
0xf: {  	s5 =	sadd.s32 $0x1600, s5;
	s0 =	sadd.s32 s28, s0;
	[dreg:$0xc] =	wrdreg s31  }
0x10: {  	v0 =	vlaneseq.u32;
	vm0 =	vmmov $0xffff;
	s25 =	sshll.u32 s10, $0x9;
	[dreg:$0x7] =	wrdreg s5;
	s0 =	sadd.s32 $0x1C00, s0  }
0x11: {  	v4 =	vimm.s32 $0x0;
	v5 =	vimm.s32 $0x0;
	v6 =	vimm.f32 $0.0e+00;
	s10 =	sadd.s32 $0x200, s1;
	s29 =	sadd.s32 s2, s26;
	[dreg:$0xa] =	wrdreg s0  }
0x12: {  	v3 =	vshrl.u32 v0, $0x3;
	v2 =	vand.u32 $0x7, v0;
	v4 =	vsel vm0, $0xFFFFFFFF, v4;
	s9 =	sadd.s32 $0x100, s1;
	[dreg:$0x9] =	wrdreg s29;
	s30 =	sadd.s32 $0xC00, s29  }
0x13: {  	v1 =	vmov s25;
	v3 =	vmul.u32 $0x8, v3;
	[tilespmem:$0x1FFF0] =	vst v4;
	v4 =	vor.u32 $0x8, v0;
	s3 =	simm.s32 $0x3600;
	s2 =	simm.s32 $0x600;
	[dreg:$0xb] =	wrdreg s30  }
.LBB2_1:
0x14: {  	s0 =	rddreg [dreg:$0x7]  }
0x15: {  	[tilespmem:s4], [sflag:$0x1] =	stream.linear.gather [hbm4b:s0+s4], $0x10, $0x38;
	[tilespmem:$0x8600] =	vst v63  }
0x16: {  	s26 =	rddreg [dreg:$0x8];
	s1 =	simm.s32 $0x80  }
0x17: {  	[tilespmem:s1], [sflag:$0x1] =	stream.linear.gather [hbm4b:s26+s4], $0x20, $0x38;
	[tilespmem:$0x8600] =	vst v63  }
0x18: {  	s5 =	rddreg [dreg:$0x6]  }
0x19: {  	[tilespmem:s16], [sflag:$0x1] =	stream.linear.gather [hbm4b:s5+s4], $0x200, $0x38;
	[tilespmem:$0x8600] =	vst v63  }
0x1a: {  	s6 =	rddreg [dreg:$0x2]  }
0x1b: {  	[tilespmem:s17], [sflag:$0x1] =	stream.linear.gather [hbm4b:s6+s4], $0x200, $0x38;
	[tilespmem:$0x8600] =	vst v63  }
0x1c: {  	_ =	swait.ge [sflag:s18], $0x10  }
0x1d: {  	[sflag:s18] =	ssyncset.done $0x0  }
0x1e: {  	[sflag:s18] =	ssyncadd.s32 $0xFFFFFFF0  }
0x1f: {  	_ =	swait.ge [sflag:s18], $0x20  }
0x20: {  	[sflag:s18] =	ssyncset.done $0x0  }
0x21: {  	[sflag:s18] =	ssyncadd.s32 $0xFFFFFFE0  }
0x22: {  	_ =	swait.ge [sflag:s18], $0x200  }
0x23: {  	[sflag:s18] =	ssyncset.done $0x0  }
0x24: {  	[sflag:s18] =	ssyncadd.s32 $0xFFFFFE00  }
0x25: {  	_ =	swait.ge [sflag:s18], $0x200  }
0x26: {  	[sflag:s18] =	ssyncset.done $0x0  }
0x27: {  	[sflag:s18] =	ssyncadd.s32 $0xFFFFFE00  }
0x28: {  	v7 =	vld [tilespmem:$0x0];
	_ =	sdelay $0x4  }
0x29: {  	v7 =	vadd.s32 v1, v7  }
0x2a: {  	[tilespmem:$0x100] =	vst v7  }
0x2b: {  	v7 =	vld [tilespmem:$0x100];
	_ =	sdelay $0x4  }
0x2c: {  	v8 =	vshrl.u32 v7, $0x3  }
0x2d: {  	v8 =	vmul.u32 $0x30, v8  }
0x2e: {  	s7 =	rddreg [dreg:$0x5];
	v7 =	vand.u32 $0x7, v7  }
0x2f: {  	v7 =	vor.u32 v7, v8;
	v8 =	vld [tilespmem:s7+$0x80];
	_ =	sdelay $0x4  }
0x30: {  	v9 =	vperm.xlane v7, v2;
	v8 =	vadd.s32 v1, v8  }
0x31: {  	[tilespmem:$0x180] =	vst v8;
	v8 =	vld [tilespmem:$0x1FFF0]  }
0x32: {  	v9 =	vadd.s32 v3, v9;
	_ =	sdelay $0x3  }
0x33: {  	s8 =	rddreg [dreg:$0x0];
	v7 =	vperm.xlane v7, v4;
	vm0 =	vnez.u8 v8  }
0x34: {  	[tilespmem:s2], [sflag:$0x1] =	stream.indirect_vreg.gather [hbm4b:s8+s4], $0x80, v9, vm0, $0xb8;
	[tilespmem:$0x8600] =	vst v63  }
0x35: {  	s11 =	simm.s32 $0xE00;
	v7 =	vadd.s32 v3, v7  }
0x36: {  	[tilespmem:s11], [sflag:$0x1] =	stream.indirect_vreg.gather [hbm4b:s9+s4], $0x80, v9, vm0, $0xb8;
	[tilespmem:$0x8600] =	vst v63  }
0x37: {  	s12 =	simm.s32 $0x1600  }
0x38: {  	[tilespmem:s12], [sflag:$0x1] =	stream.indirect_vreg.gather [hbm4b:s10+s4], $0x80, v9, vm0, $0xb8;
	[tilespmem:$0x8600] =	vst v63  }
0x39: {  	s13 =	simm.s32 $0x1E00  }
0x3a: {  	[tilespmem:s13], [sflag:$0x1] =	stream.indirect_vreg.gather [hbm4b:s8+s4], $0x80, v7, vm0, $0xb8;
	[tilespmem:$0x8600] =	vst v63  }
0x3b: {  	s14 =	simm.s32 $0x2600  }
0x3c: {  	[tilespmem:s14], [sflag:$0x1] =	stream.indirect_vreg.gather [hbm4b:s9+s4], $0x80, v7, vm0, $0xb8;
	[tilespmem:$0x8600] =	vst v63  }
0x3d: {  	s19 =	simm.s32 $0x2E00  }
0x3e: {  	[tilespmem:s19], [sflag:$0x1] =	stream.indirect_vreg.gather [hbm4b:s10+s4], $0x80, v7, vm0, $0xb8;
	[tilespmem:$0x8600] =	vst v63  }
0x3f: {  	v7 =	vld [tilespmem:$0x180];
	_ =	sdelay $0x4  }
0x40: {  	v8 =	vshrl.u32 v7, $0x3  }
0x41: {  	v8 =	vmul.u32 $0x30, v8  }
0x42: {  	v7 =	vand.u32 $0x7, v7  }
0x43: {  	v7 =	vor.u32 v7, v8  }
0x44: {  	v8 =	vperm.xlane v7, v2;
	_ =	sdelay $0x1  }
0x45: {  	v8 =	vadd.s32 v3, v8;
	_ =	sdelay $0x3  }
0x46: {  	v7 =	vperm.xlane v7, v4  }
0x47: {  	[tilespmem:s3], [sflag:$0x1] =	stream.indirect_vreg.gather [hbm4b:s8+s4], $0x80, v8, vm0, $0xb8;
	[tilespmem:$0x8600] =	vst v63  }
0x48: {  	s21 =	simm.s32 $0x3E00;
	v7 =	vadd.s32 v3, v7  }
0x49: {  	[tilespmem:s21], [sflag:$0x1] =	stream.indirect_vreg.gather [hbm4b:s9+s4], $0x80, v8, vm0, $0xb8;
	[tilespmem:$0x8600] =	vst v63  }
0x4a: {  	s22 =	simm.s32 $0x4600  }
0x4b: {  	[tilespmem:s22], [sflag:$0x1] =	stream.indirect_vreg.gather [hbm4b:s10+s4], $0x80, v8, vm0, $0xb8;
	[tilespmem:$0x8600] =	vst v63  }
0x4c: {  	s23 =	simm.s32 $0x4E00  }
0x4d: {  	[tilespmem:s23], [sflag:$0x1] =	stream.indirect_vreg.gather [hbm4b:s8+s4], $0x80, v7, vm0, $0xb8;
	[tilespmem:$0x8600] =	vst v63  }
0x4e: {  	s24 =	simm.s32 $0x5600  }
0x4f: {  	[tilespmem:s24], [sflag:$0x1] =	stream.indirect_vreg.gather [hbm4b:s9+s4], $0x80, v7, vm0, $0xb8;
	[tilespmem:$0x8600] =	vst v63  }
0x50: {  	s25 =	simm.s32 $0x5E00  }
0x51: {  	[tilespmem:s25], [sflag:$0x1] =	stream.indirect_vreg.gather [hbm4b:s10+s4], $0x80, v7, vm0, $0xb8;
	[tilespmem:$0x8600] =	vst v63  }
0x52: {  	v7 =	vld [tilespmem:$0x0];
	_ =	sdelay $0x2  }
0x53: {  	v8 =	vmov s4  }
0x54: {  	vm13 =	veq.s32 v8, v0  }
0x55: {  	v8 =	vnsel vm13, $0x0, v7  }
0x56: {  	(xrf0) =	vadd.scan.msk.s32 $0xffff, v8  }
0x57: {  	v11 =	vld [tilespmem:$0x90];
	_ =	sdelay $0x1  }
0x58: {  	v9 =	vld [tilespmem:$0x80];
	_ =	sdelay $0x2  }
0x59: {  	v8, _, _ =	vpop (xrf0)  }
0x5a: {  	v12 =	vbroadcast v8, $0xF;
	_ =	sdelay $0x1  }
0x5b: {  	v10 =	vld.idx.msk [tilespmem:v11+s17+$0x0], $0xffff  }
0x5c: {  	v11 =	vld.idx.msk [tilespmem:v11+s16+$0x0], $0xffff  }
0x5d: {  	v8 =	vld.idx.msk [tilespmem:v9+s16+$0x0], $0xffff  }
0x5e: {  	v9 =	vld.idx.msk [tilespmem:v9+s17+$0x0], $0xffff  }
0x5f: {  	v13 =	vld.idx.msk [tilespmem:v12+s16+$0x0], $0xffff  }
0x60: {  	v12 =	vld.idx.msk [tilespmem:v12+s17+$0x0], $0xffff;
	_ =	sdelay $0x3  }
0x61: {  	v14 =	vsub.s32 v13, v9  }
0x62: {  	v13 =	vsub.s32 v13, v10;
	v15 =	vsub.s32 v12, v8;
	v12 =	vsub.s32 v12, v11  }
0x63: {  	v16 =	vsub.s32 $0x0, v14;
	v17 =	vsub.s32 $0x0, v13;
	v18 =	vsub.s32 $0x0, v15  }
0x64: {  	v15 =	vmin.u32 v15, v18;
	v14 =	vmin.u32 v14, v16;
	v16 =	vsub.s32 $0x0, v12  }
0x65: {  	v17 =	vmin.u32 v13, v17;
	vm14 =	vlt.s32 v15, v14;
	v12 =	vmin.u32 v12, v16  }
0x66: {  	v13 =	vsel vm14, v15, v14;
	vm1 =	vlt.s32 v12, v17  }
0x67: {  	vm0 =	vgt.s32 v13, $0x0;
	vm2 =	vgt.s32 v13, $0x1;
	vm3 =	vgt.s32 v13, $0x2  }
0x68: {  	vm15 =	vlt.s32 v13, $0x0;
	vm4 =	vgt.s32 v13, $0x3;
	v14 =	vsel vm0, $0x1, v5  }
0x69: {  	vm7 =	vgt.s32 v13, $0x4;
	v15 =	vsel vm2, $0x1, v5;
	v14 =	vsel vm15, $0xFFFFFFFF, v14  }
0x6a: {  	vm8 =	vgt.s32 v13, $0x6;
	v14 =	vadd.s32 v15, v14;
	v15 =	vsel vm3, $0x1, v5  }
0x6b: {  	vm9 =	vgt.s32 v13, $0x7;
	v14 =	vadd.s32 v15, v14;
	v15 =	vsel vm4, $0x1, v5  }
0x6c: {  	vm10 =	vgt.s32 v13, $0xE;
	v14 =	vadd.s32 v15, v14;
	v15 =	vsel vm7, $0x1, v5  }
0x6d: {  	vm11 =	vgt.s32 v13, $0xF;
	v14 =	vadd.s32 v15, v14;
	v15 =	vsel vm8, $0x1, v5  }
0x6e: {  	vm12 =	vgt.s32 v13, $0x1E;
	v14 =	vadd.s32 v15, v14;
	v15 =	vsel vm9, $0x1, v5  }
0x6f: {  	vm13 =	vgt.s32 v13, $0x1F;
	v14 =	vadd.s32 v15, v14;
	v15 =	vsel vm10, $0x1, v5  }
0x70: {  	s28 =	simm.s32 $0x1;
	s30 =	simm.s32 $0x0;
	s26 =	sand.u32 $0x3, s4;
	vm14 =	vgt.s32 v13, $0x3E;
	v14 =	vadd.s32 v15, v14;
	v15 =	vsel vm11, $0x1, v5  }
0x71: {  	s31 =	simm.s32 $0x0;
	s29 =	simm.s32 $0x0;
	s0 =	sshll.u32 s26, $0x5;
	v12 =	vsel vm1, v12, v17;
	v14 =	vadd.s32 v15, v14;
	v15 =	vsel vm12, $0x1, v5  }
0x72: {  	s26 =	sor.u32 s4, s4;
	s23 =	sand.u32 $0xC00, s4;
	s24 =	sadd.s32 $0x0, s0;
	vm15 =	vgt.s32 v13, $0x3F;
	v14 =	vadd.s32 v15, v14;
	v15 =	vsel vm13, $0x1, v5  }
0x73: {  	s22 =	sadd.s32 $0x6600, s23;
	s0 =	simm.s32 $0x0;
	s21 =	sadd.s32 $0x10, s24;
	v13 =	vsel vm15, $0x1, v5;
	v14 =	vadd.s32 v15, v14;
	v15 =	vsel vm14, $0x1, v5  }
.LBB2_2:
0x74: {  	v14 =	vadd.s32 v15, v14;
	vm0 =	vgt.s32 v12, $0x3E  }
0x75: {  	vm14 =	vgt.s32 v12, $0x3F;
	v13 =	vadd.s32 v13, v14;
	v14 =	vimm.s32 $0x0  }
0x76: {  	v14 =	vsel vm0, $0xFFFFFFFF, v14;
	vm15 =	veq.s32 v13, $0x0;
	vm3 =	veq.s32 v13, $0x1  }
0x77: {  	vm4 =	veq.s32 v13, $0x2;
	vm13 =	veq.s32 v13, $0x3;
	vm7 =	veq.s32 v13, $0x4  }
0x78: {  	vm8 =	veq.s32 v13, $0x5;
	vm11 =	veq.s32 v13, $0x7;
	vm10 =	veq.s32 v13, $0x8  }
0x79: {  	s7 =	sand.u32 $0x60, s29;
	vm5 =	veq.s32 v13, $0xB;
	vm1 =	veq.s32 v13, $0xD;
	[tilespmem:$0x1FFC0] =	vst v14;
	v14 =	vimm.s32 $0x0  }
0x7a: {  	s5 =	sor.u32 s7, s22;
	v15 =	vsel vm3, $0x3F800000, v5;
	v16 =	vsel vm4, $0x3F800000, v5;
	v17 =	vsel vm8, $0x3F800000, v5  }
0x7b: {  	s13 =	smov.u32 s28;
	vm8 =	veq.s32 v13, $0x9;
	vm4 =	veq.s32 v13, $0xC;
	v14 =	vsel vm14, $0xFFFFFFFF, v14;
	[tilespmem:s5+$0x80] =	vst v15  }
0x7c: {  	vm14 =	veq.s32 v13, $0x6;
	v15 =	vmov s13;
	[tilespmem:$0x1FFE0] =	vst v14;
	v14 =	vsel vm15, $0x3F800000, v5  }
0x7d: {  	[tilespmem:s5+$0x0] =	vst v14;
	v14 =	vsel vm7, $0x3F800000, v5;
	vm7 =	veq.s32 v13, $0xA;
	v13 =	vimm.s32 $0x0  }
0x7e: {  	vm9 =	veq.s32 v15, v0;
	v13 =	vsel vm1, $0xFFFFFFFF, v13  }
0x7f: {  	vm6 =	vgt.s32 v12, $0x1F;
	vm0 =	vgt.s32 v12, $0x0;
	[tilespmem:$0x1FFD0] =	vst v13;
	v13 =	vnsel vm9, $0x0, v7  }
0x80: {  	vm2 =	vgt.s32 v12, $0x1;
	(xrf0) =	vadd.scan.msk.s32 $0xffff, v13;
	v13 =	vsel vm0, $0x1, v5;
	vm0 =	vlt.s32 v12, $0x0  }
0x81: {  	v18 =	vsel vm2, $0x1, v5;
	v13 =	vsel vm0, $0xFFFFFFFF, v13;
	vm0 =	vgt.s32 v12, $0x2  }
0x82: {  	[tilespmem:s5+$0x100] =	vst v16;
	v13 =	vadd.s32 v18, v13;
	v16 =	vsel vm0, $0x1, v5;
	vm0 =	vgt.s32 v12, $0x3  }
0x83: {  	v13 =	vadd.s32 v16, v13;
	v16 =	vsel vm0, $0x1, v5;
	vm0 =	vgt.s32 v12, $0x4  }
0x84: {  	vm1 =	vgt.s32 v12, $0x6;
	[tilespmem:s5+$0x200] =	vst v14;
	v13 =	vadd.s32 v16, v13;
	v14 =	vsel vm0, $0x1, v5  }
0x85: {  	vm3 =	vgt.s32 v12, $0x7;
	v15 =	vsel vm1, $0x1, v5;
	v13 =	vadd.s32 v14, v13  }
0x86: {  	vm15 =	vgt.s32 v12, $0xE;
	v13 =	vadd.s32 v15, v13;
	v15 =	vsel vm3, $0x1, v5  }
0x87: {  	s31 =	sadd.s32 $0x1, s31;
	vm12 =	vgt.s32 v12, $0xF;
	v13 =	vadd.s32 v15, v13;
	v15 =	vsel vm15, $0x1, v5  }
0x88: {  	s2 =	sand.u32 $0x3, s31;
	vm9 =	vgt.s32 v12, $0x1E;
	v13 =	vadd.s32 v15, v13;
	v15 =	vsel vm12, $0x1, v5  }
0x89: {  	s30 =	sadd.s32 $0x100, s30;
	s0 =	sadd.s32 $0x20, s0;
	s2 =	sshll.u32 s2, $0x5;
	[tilespmem:s5+$0x280] =	vst v17;
	v17 =	vsel vm13, $0x3F800000, v5;
	v13 =	vadd.s32 v15, v13;
	v15 =	vsel vm9, $0x1, v5  }
0x8a: {  	s25 =	sor.u32 $0x300, s24;
	s1 =	sor.u32 $0x380, s26;
	s8 =	sadd.s32 s2, s30;
	[tilespmem:s5+$0x180] =	vst v17;
	v16 =	vsel vm14, $0x3F800000, v5;
	v13 =	vadd.s32 v15, v13;
	v15 =	vsel vm6, $0x1, v5  }
0x8b: {  	s2 =	sadd.s32 $0x10, s8;
	s24 =	smov.u32 s8;
	s8 =	sadd.s32 $0x7600, s23;
	[tilespmem:s25+$0x6600] =	vst v16;
	v14 =	vsel vm11, $0x3F800000, v5;
	v13 =	vadd.s32 v15, v13;
	v15 =	vld [tilespmem:$0x1FFC0]  }
0x8c: {  	s19 =	sadd.s32 $0x7680, s23;
	s12 =	sor.u32 s30, s0;
	s11 =	sor.u32 s7, s8;
	[tilespmem:s1+$0x6600] =	vst v14;
	v14 =	vsel vm10, $0x3F800000, v5  }
0x8d: {  	s26 =	smov.u32 s12;
	s12 =	sor.u32 s7, s19;
	[tilespmem:s11+$0x0] =	vst v14;
	v14 =	vsel vm8, $0x3F800000, v5;
	s11 =	sadd.s32 $0x7700, s23  }
0x8e: {  	[tilespmem:s12+$0x0] =	vst v14;
	v14 =	vsel vm7, $0x3F800000, v5;
	s13 =	sor.u32 s7, s11;
	s12 =	sadd.s32 $0x7780, s23  }
0x8f: {  	[tilespmem:s13+$0x0] =	vst v14;
	v14 =	vsel vm5, $0x3F800000, v5;
	s14 =	sor.u32 s7, s12;
	s13 =	sadd.s32 $0x7800, s23  }
0x90: {  	[tilespmem:s14+$0x0] =	vst v14;
	v14 =	vsel vm4, $0x3F800000, v5;
	s25 =	sor.u32 s7, s13;
	vm11 =	vnez.u8 v15  }
0x91: {  	[tilespmem:s25+$0x0] =	vst v14;
	v14 =	vld [tilespmem:$0x1FFD0];
	v15 =	vsel vm11, $0x1, v5  }
0x92: {  	v13 =	vadd.s32 v15, v13;
	v15 =	vld [tilespmem:$0x1FFE0];
	_ =	sdelay $0x4  }
0x93: {  	s14 =	sadd.s32 $0x7880, s23;
	vm12 =	vnez.u8 v14;
	vm13 =	vnez.u8 v15  }
0x94: {  	s6 =	sand.u32 $0xC00, s30;
	s1 =	sor.u32 s7, s14;
	s25 =	sadd.s32 $0x7900, s23;
	v14 =	vsel vm12, $0x3F800000, v5;
	v15 =	vsel vm13, $0x1, v5  }
0x95: {  	s3 =	sadd.s32 $0x6600, s6;
	s5 =	sadd.s32 $0x7980, s23;
	[tilespmem:s1+$0x0] =	vst v14;
	s1 =	sor.u32 s7, s25;
	v13 =	vadd.s32 v15, v13  }
0x96: {  	s23 =	smov.u32 s6;
	s6 =	sor.u32 $0x10, s7;
	[tilespmem:s1+$0x0] =	vst v6;
	s1 =	sor.u32 s7, s5;
	vm14 =	veq.s32 v13, $0x0  }
0x97: {  	[tilespmem:s1+$0x0] =	vst v6;
	s1 =	sor.u32 s6, s22;
	vm9 =	veq.s32 v13, $0x2;
	v14 =	vsel vm14, $0x3F800000, v5  }
0x98: {  	vm15 =	veq.s32 v13, $0x1;
	v15 =	vsel vm9, $0x3F800000, v5;
	[tilespmem:s1+$0x0] =	vst v14  }
0x99: {  	vm8 =	veq.s32 v13, $0x3;
	v14 =	vsel vm15, $0x3F800000, v5;
	[tilespmem:s1+$0x100] =	vst v15  }
0x9a: {  	vm10 =	veq.s32 v13, $0x4;
	[tilespmem:s1+$0x80] =	vst v14;
	v14 =	vsel vm8, $0x3F800000, v5  }
0x9b: {  	vm15 =	veq.s32 v13, $0x5;
	[tilespmem:s1+$0x180] =	vst v14;
	v14 =	vsel vm10, $0x3F800000, v5  }
0x9c: {  	vm11 =	veq.s32 v13, $0x6;
	[tilespmem:s1+$0x200] =	vst v14;
	v14 =	vsel vm15, $0x3F800000, v5  }
0x9d: {  	s7 =	sor.u32 s6, s11;
	s11 =	sor.u32 $0x300, s21;
	vm7 =	veq.s32 v13, $0x7;
	[tilespmem:s1+$0x280] =	vst v14;
	v14 =	vsel vm11, $0x3F800000, v5  }
0x9e: {  	s22 =	smov.u32 s3;
	s3 =	sor.u32 $0x380, s21;
	vm8 =	veq.s32 v13, $0x8;
	[tilespmem:s11+$0x6600] =	vst v14;
	v14 =	vsel vm7, $0x3F800000, v5  }
0x9f: {  	s8 =	sor.u32 s6, s8;
	vm13 =	veq.s32 v13, $0x9;
	[tilespmem:s3+$0x6600] =	vst v14;
	v14 =	vsel vm8, $0x3F800000, v5  }
0xa0: {  	vm12 =	veq.s32 v13, $0xD;
	vm9 =	veq.s32 v13, $0xA;
	s11 =	sor.u32 s6, s19;
	[tilespmem:s8+$0x0] =	vst v14;
	v14 =	vsel vm13, $0x3F800000, v5  }
0xa1: {  	v12, _, _ =	vpop (xrf0);
	vm14 =	veq.s32 v13, $0xC;
	vm10 =	veq.s32 v13, $0xB;
	v13 =	vsel vm9, $0x3F800000, v5;
	[tilespmem:s11+$0x0] =	vst v14  }
0xa2: {  	v12 =	vbroadcast v12, $0xF;
	s12 =	sor.u32 s6, s12;
	v14 =	vsel vm10, $0x3F800000, v5;
	[tilespmem:s7+$0x0] =	vst v13  }
0xa3: {  	s13 =	sor.u32 s6, s13;
	v13 =	vsel vm14, $0x3F800000, v5;
	[tilespmem:s12+$0x0] =	vst v14  }
0xa4: {  	s14 =	sor.u32 s6, s14;
	v14 =	vsel vm12, $0x3F800000, v5;
	[tilespmem:s13+$0x0] =	vst v13  }
0xa5: {  	s19 =	sor.u32 s6, s25;
	[tilespmem:s14+$0x0] =	vst v14  }
0xa6: {  	s25 =	sor.u32 s6, s5;
	[tilespmem:s19+$0x0] =	vst v6  }
0xa7: {  	[tilespmem:s25+$0x0] =	vst v6  }
0xa8: {  	v13 =	vld.idx.msk [tilespmem:v12+s16+$0x0], $0xffff  }
0xa9: {  	v12 =	vld.idx.msk [tilespmem:v12+s17+$0x0], $0xffff;
	_ =	sdelay $0x3  }
0xaa: {  	v14 =	vsub.s32 v13, v9;
	v13 =	vsub.s32 v13, v10  }
0xab: {  	v15 =	vsub.s32 v12, v8;
	v12 =	vsub.s32 v12, v11;
	v17 =	vsub.s32 $0x0, v13  }
0xac: {  	v16 =	vsub.s32 $0x0, v14;
	v63 =	vsub.s32 $0x0, v15;
	v17 =	vmin.u32 v13, v17  }
0xad: {  	v13 =	vmin.u32 v15, v63;
	v14 =	vmin.u32 v14, v16;
	v15 =	vsub.s32 $0x0, v12  }
0xae: {  	vm11 =	vlt.s32 v13, v14;
	v12 =	vmin.u32 v12, v15  }
0xaf: {  	v13 =	vsel vm11, v13, v14;
	vm1 =	vlt.s32 v12, v17  }
0xb0: {  	vm0 =	vgt.s32 v13, $0x0;
	vm12 =	vgt.s32 v13, $0x1;
	vm13 =	vgt.s32 v13, $0x2  }
0xb1: {  	vm14 =	vlt.s32 v13, $0x0;
	vm15 =	vgt.s32 v13, $0x3;
	v14 =	vsel vm0, $0x1, v5  }
0xb2: {  	vm7 =	vgt.s32 v13, $0x4;
	v15 =	vsel vm12, $0x1, v5;
	v14 =	vsel vm14, $0xFFFFFFFF, v14  }
0xb3: {  	vm8 =	vgt.s32 v13, $0x6;
	v14 =	vadd.s32 v15, v14;
	v15 =	vsel vm13, $0x1, v5  }
0xb4: {  	vm9 =	vgt.s32 v13, $0x7;
	v14 =	vadd.s32 v15, v14;
	v15 =	vsel vm15, $0x1, v5  }
0xb5: {  	vm10 =	vgt.s32 v13, $0xE;
	v14 =	vadd.s32 v15, v14;
	v15 =	vsel vm7, $0x1, v5  }
0xb6: {  	vm11 =	vgt.s32 v13, $0xF;
	v14 =	vadd.s32 v15, v14;
	v15 =	vsel vm8, $0x1, v5  }
0xb7: {  	p0 =	sne.s32 s28, $0xF;
	v12 =	vsel vm1, v12, v17;
	v14 =	vadd.s32 v15, v14;
	v15 =	vsel vm9, $0x1, v5  }
.Ltmp0:
0xb8: {  	vm12 =	vgt.s32 v13, $0x1E;
	v14 =	vadd.s32 v15, v14;
	v15 =	vsel vm10, $0x1, v5;
	(pc) =	sbr.rel @p0 .LBB2_2-.Ltmp0, $4  }
0xb9: {  	vm14 =	vgt.s32 v13, $0x3E;
	v14 =	vadd.s32 v15, v14;
	v15 =	vsel vm11, $0x1, v5  }
0xba: {  	vm13 =	vgt.s32 v13, $0x1F;
	v14 =	vadd.s32 v15, v14;
	v15 =	vsel vm12, $0x1, v5  }
0xbb: {  	vm15 =	vgt.s32 v13, $0x3F;
	v14 =	vadd.s32 v15, v14;
	v15 =	vsel vm13, $0x1, v5  }
0xbc: {  	s28 =	sadd.s32 $0x1, s28;
	s29 =	smov.u32 s0;
	s21 =	smov.u32 s2;
	v13 =	vsel vm15, $0x1, v5;
	v14 =	vadd.s32 v15, v14;
	v15 =	vsel vm14, $0x1, v5  }
0xbd: {  	v7 =	vadd.s32 v15, v14;
	vm4 =	vgt.s32 v12, $0x0;
	vm5 =	vgt.s32 v12, $0x6  }
0xbe: {  	vm6 =	vgt.s32 v12, $0x1;
	vm7 =	vlt.s32 v12, $0x0;
	vm8 =	vgt.s32 v12, $0x2  }
0xbf: {  	vm10 =	vgt.s32 v12, $0x3;
	vm11 =	vgt.s32 v12, $0x4;
	vm2 =	vgt.s32 v12, $0x7  }
0xc0: {  	v7 =	vadd.s32 v13, v7;
	v44 =	vsel vm4, $0x1, v5;
	v45 =	vsel vm5, $0x1, v5  }
0xc1: {  	v16 =	vsel vm6, $0x1, v5;
	v17 =	vsel vm8, $0x1, v5;
	v18 =	vsel vm10, $0x1, v5  }
0xc2: {  	v20 =	vsel vm11, $0x1, v5;
	v46 =	vsel vm2, $0x1, v5;
	vm4 =	vgt.s32 v12, $0xE  }
0xc3: {  	vm6 =	vgt.s32 v12, $0xF;
	vm8 =	vgt.s32 v12, $0x1E;
	vm10 =	vgt.s32 v12, $0x1F  }
0xc4: {  	vm0 =	veq.s32 v7, $0x0;
	vm1 =	veq.s32 v7, $0x1;
	vm13 =	veq.s32 v7, $0x2  }
0xc5: {  	s0 =	sand.u32 $0x60, s29;
	vm14 =	veq.s32 v7, $0x4;
	vm15 =	veq.s32 v7, $0x5;
	v14 =	vsel vm7, $0xFFFFFFFF, v44  }
0xc6: {  	s1 =	sor.u32 s0, s22;
	vm9 =	veq.s32 v7, $0x3;
	vm12 =	veq.s32 v7, $0x6;
	v8 =	vsel vm0, $0x3F800000, v5  }
0xc7: {  	v49 =	vsel vm4, $0x1, v5;
	vm5 =	veq.s32 v7, $0x9;
	v9 =	vsel vm1, $0x3F800000, v5;
	[tilespmem:s1+$0x0] =	vst v8  }
0xc8: {  	v51 =	vsel vm6, $0x1, v5;
	vm7 =	veq.s32 v7, $0xA;
	v10 =	vsel vm13, $0x3F800000, v5;
	[tilespmem:s1+$0x80] =	vst v9  }
0xc9: {  	v53 =	vsel vm8, $0x1, v5;
	v43 =	vsel vm15, $0x3F800000, v5;
	v47 =	vadd.s32 v16, v14;
	[tilespmem:s1+$0x100] =	vst v10  }
0xca: {  	v55 =	vsel vm10, $0x1, v5;
	v11 =	vsel vm14, $0x3F800000, v5;
	[tilespmem:s1+$0x280] =	vst v43;
	v10 =	vadd.s32 v17, v47  }
0xcb: {  	vm11 =	veq.s32 v7, $0xC;
	v19 =	vsel vm9, $0x3F800000, v5;
	[tilespmem:s1+$0x200] =	vst v11;
	v10 =	vadd.s32 v18, v10  }
0xcc: {  	s8 =	sor.u32 $0x300, s24;
	vm13 =	veq.s32 v7, $0x7;
	v8 =	vsel vm12, $0x3F800000, v5;
	[tilespmem:s1+$0x180] =	vst v19;
	v10 =	vadd.s32 v20, v10  }
0xcd: {  	s11 =	sor.u32 $0x380, s26;
	s2 =	sadd.s32 $0x7600, s23;
	vm15 =	veq.s32 v7, $0x8;
	v21 =	vsel vm13, $0x3F800000, v5;
	[tilespmem:s8+$0x6600] =	vst v8;
	v8 =	vadd.s32 v45, v10  }
0xce: {  	s3 =	sadd.s32 $0x7680, s23;
	s12 =	sor.u32 s0, s2;
	vm14 =	vgt.s32 v12, $0x3E;
	v48 =	vsel vm15, $0x3F800000, v5;
	[tilespmem:s11+$0x6600] =	vst v21;
	v8 =	vadd.s32 v46, v8  }
0xcf: {  	s6 =	sadd.s32 $0x7700, s23;
	s13 =	sor.u32 s0, s3;
	v50 =	vsel vm5, $0x3F800000, v5;
	v52 =	vsel vm7, $0x3F800000, v5;
	[tilespmem:s12+$0x0] =	vst v48;
	v8 =	vadd.s32 v49, v8  }
0xd0: {  	s5 =	sadd.s32 $0x7780, s23;
	s14 =	sor.u32 s0, s6;
	vm9 =	veq.s32 v7, $0xB;
	v56 =	vsel vm11, $0x3F800000, v5;
	[tilespmem:s13+$0x0] =	vst v50;
	v8 =	vadd.s32 v51, v8  }
0xd1: {  	s7 =	sadd.s32 $0x7800, s23;
	s19 =	sor.u32 s0, s5;
	v54 =	vsel vm9, $0x3F800000, v5;
	vm12 =	vgt.s32 v12, $0x3F;
	[tilespmem:s14+$0x0] =	vst v52;
	v8 =	vadd.s32 v53, v8  }
0xd2: {  	s24 =	sor.u32 s0, s7;
	v57 =	vsel vm14, $0x1, v5;
	vm13 =	veq.s32 v7, $0xD;
	s8 =	sadd.s32 $0x7880, s23;
	[tilespmem:s19+$0x0] =	vst v54;
	v7 =	vadd.s32 v55, v8  }
0xd3: {  	v58 =	vsel vm12, $0x1, v5;
	s25 =	sor.u32 s0, s8;
	s11 =	sadd.s32 $0x7900, s23;
	[tilespmem:s24+$0x0] =	vst v56;
	v8 =	vsel vm13, $0x3F800000, v5;
	v7 =	vadd.s32 v57, v7  }
0xd4: {  	s26 =	sor.u32 s0, s11;
	s12 =	sadd.s32 $0x7980, s23;
	[tilespmem:s25+$0x0] =	vst v8;
	v7 =	vadd.s32 v58, v7  }
0xd5: {  	s28 =	sor.u32 s0, s12;
	s0 =	sor.u32 $0x10, s0;
	[tilespmem:s26+$0x0] =	vst v6;
	vm14 =	veq.s32 v7, $0x0  }
0xd6: {  	s29 =	sor.u32 s0, s22;
	vm15 =	veq.s32 v7, $0x1;
	[tilespmem:s28+$0x0] =	vst v6;
	v8 =	vsel vm14, $0x3F800000, v5  }
0xd7: {  	vm6 =	veq.s32 v7, $0x5;
	v59 =	vsel vm15, $0x3F800000, v5;
	[tilespmem:s29+$0x0] =	vst v8  }
0xd8: {  	vm4 =	veq.s32 v7, $0x3;
	v60 =	vsel vm6, $0x3F800000, v5;
	[tilespmem:s29+$0x80] =	vst v59  }
0xd9: {  	vm5 =	veq.s32 v7, $0x4;
	v8 =	vsel vm4, $0x3F800000, v5;
	[tilespmem:s29+$0x280] =	vst v60  }
0xda: {  	vm7 =	veq.s32 v7, $0x2;
	[tilespmem:s29+$0x180] =	vst v8;
	v8 =	vsel vm5, $0x3F800000, v5  }
0xdb: {  	vm8 =	veq.s32 v7, $0x6;
	[tilespmem:s29+$0x200] =	vst v8;
	v8 =	vsel vm7, $0x3F800000, v5  }
0xdc: {  	s30 =	sor.u32 $0x300, s21;
	vm9 =	veq.s32 v7, $0x7;
	[tilespmem:s29+$0x100] =	vst v8;
	v8 =	vsel vm8, $0x3F800000, v5  }
0xdd: {  	s31 =	sor.u32 $0x380, s21;
	vm10 =	veq.s32 v7, $0x8;
	[tilespmem:s30+$0x6600] =	vst v8;
	v8 =	vsel vm9, $0x3F800000, v5  }
0xde: {  	s2 =	sor.u32 s0, s2;
	vm11 =	veq.s32 v7, $0x9;
	v61 =	vsel vm10, $0x3F800000, v5;
	[tilespmem:s31+$0x6600] =	vst v8  }
0xdf: {  	s13 =	sor.u32 s0, s3;
	vm12 =	veq.s32 v7, $0xA;
	v8 =	vsel vm11, $0x3F800000, v5;
	[tilespmem:s2+$0x0] =	vst v61  }
0xe0: {  	s14 =	sor.u32 s0, s6;
	vm13 =	veq.s32 v7, $0xB;
	v62 =	vsel vm12, $0x3F800000, v5;
	[tilespmem:s13+$0x0] =	vst v8  }
0xe1: {  	s19 =	sor.u32 s0, s5;
	vm14 =	veq.s32 v7, $0xC;
	v8 =	vsel vm13, $0x3F800000, v5;
	[tilespmem:s14+$0x0] =	vst v62  }
0xe2: {  	s21 =	sor.u32 s0, s7;
	vm15 =	veq.s32 v7, $0xD;
	v63 =	vsel vm14, $0x3F800000, v5;
	[tilespmem:s19+$0x0] =	vst v8  }
0xe3: {  	s22 =	sor.u32 s0, s8;
	v7 =	vsel vm15, $0x3F800000, v5;
	[tilespmem:s21+$0x0] =	vst v63  }
0xe4: {  	s23 =	sor.u32 s0, s11;
	[tilespmem:s22+$0x0] =	vst v7  }
0xe5: {  	s0 =	sor.u32 s0, s12;
	s24 =	rddreg [dreg:$0xa];
	[tilespmem:s23+$0x0] =	vst v6  }
0xe6: {  	s25 =	simm.s32 $0x1000;
	s26 =	simm.s32 $0x2000;
	s28 =	simm.s32 $0x6600;
	[tilespmem:s0+$0x0] =	vst v6  }
0xe7: {  	[hbm4b:s24+s25] =	stream.strided.scatter [tilespmem:s28], [sflag:$0x2], $0x2000, s26, s25, $0x38;
	[tilespmem:$0x8600] =	vst v63  }
0xe8: {  	_ =	swait.ge [sflag:s15], $0x2000  }
0xe9: {  	[sflag:s15] =	ssyncset.done $0x0  }
0xea: {  	[sflag:s15] =	ssyncadd.s32 $0xFFFFE000  }
0xeb: {  	_ =	swait.ge [sflag:s18], $0x3000  }
0xec: {  	[sflag:s18] =	ssyncset.done $0x0  }
0xed: {  	[sflag:s18] =	ssyncadd.s32 $0xFFFFD000  }
0xee: {  	_ =	swait.ge [sflag:s18], $0x3000  }
0xef: {  	[sflag:s18] =	ssyncset.done $0x0  }
0xf0: {  	s2 =	simm.s32 $0x600;
	s29 =	rddreg [dreg:$0x9];
	[sflag:s18] =	ssyncadd.s32 $0xFFFFD000  }
0xf1: {  	[hbm4b:s29+s4] =	stream.linear.scatter [tilespmem:s2], [sflag:$0x2], $0x3000, $0x38;
	[tilespmem:$0x8600] =	vst v63  }
0xf2: {  	_ =	swait.ge [sflag:s15], $0x3000  }
0xf3: {  	[sflag:s15] =	ssyncset.done $0x0  }
0xf4: {  	s3 =	simm.s32 $0x3600;
	s30 =	rddreg [dreg:$0xb];
	[sflag:s15] =	ssyncadd.s32 $0xFFFFD000  }
0xf5: {  	[hbm4b:s30+s4] =	stream.linear.scatter [tilespmem:s3], [sflag:$0x2], $0x3000, $0x38;
	[tilespmem:$0x8600] =	vst v63  }
0xf6: {  	_ =	swait.ge [sflag:s15], $0x3000  }
0xf7: {  	s20 =	sadd.s32 $0x1, s20;
	s31 =	rddreg [dreg:$0xc]  }
0xf8: {  	p0 =	sne.s32 s20, s31  }
.Ltmp1:
0xf9: {  	_ = 	snop;
	(pc) =	sbr.rel @p0 .LBB2_1-.Ltmp1, $3  }
0xfa: {  	_ =	sdelay $0x1  }
0xfb: {  	[sflag:s15] =	ssyncset.done $0x0  }
0xfc: {  	[sflag:s15] =	ssyncadd.s32 $0xFFFFD000  }
0xfd: {  	_ =	sfence.sel $0x180000  }
0xfe: {  	[bflag:$0x0] =	sbarrier.arrive $0xFFFF  }
0xff: {  	_ =	strace $0x90000047  }
0x100: {  	s0 =	stileid.u32;
	[bflag:$0x2] =	sbarrier.arrive $0xFFFF  }
0x101: {  	p0 =	sne.s32 s0, $0x0;
	s0 =	rddreg [dreg:$0x4]  }
0x102: {  	s0 =	sadd.s32 @!p0 $0x100000, s0  }
0x103: {  	[sflag:s0] =	ssyncadd.tile.s32 @!p0 $0x1;
	_ =	shalt  }
.Lfunc_end2:
_tile_overlayer_lowered:
.L_overlay_start_2:
0x104: {  	(tag) =	ssettag $0x2  }
0x105: {  	s0 =	rddreg [dreg:$0x0];
	s2 =	stileid.u32  }
0x106: {  	s1 =	rddreg [dreg:$0x1];
	p0 =	sne.s32 s2, $0x0  }
0x107: {  	s3 =	rddreg [dreg:$0x2];
	[bflag:$0x3] =	sbarrier.arrive $0xFFFF;
	s2 =	simm.s32 @!p0 $0x1C02  }
0x108: {  	[timem:s3], [sflag:s2] =	dma.local @!p0 [hbm:s0], s1  }
0x109: {  	s0 =	simm.s32 @!p0 $0x2  }
0x10a: {  	_ =	swait.ge @!p0 [sflag:s0], s1  }
0x10b: {  	s1 =	ssub.s32 @!p0 $0x0, s1;
	[sflag:s0] =	ssyncset.done @!p0 $0x0  }
0x10c: {  	[sflag:s0] =	ssyncadd.s32 @!p0 s1  }
0x10d: {  	[bflag:$0x3] =	sbarrier.arrive $0xFFFF  }
0x10e: {  	_ =	shalt  }

</sc_bundles>
